<compile_context>
chip_gen: v7x
topology: tpu7x:2x2x1
jax: 0.10.2.dev20260603
libtpu: 0.0.44.dev20260713+nightly
codegen_flags: <defaults>
</compile_context>

<pallas_src>
import functools

import jax
import jax.numpy as jnp
from jax import lax
from jax.experimental import pallas as pl
from jax.experimental.pallas import tpu as pltpu
from jax.experimental.pallas import tpu_sc as plsc

_NC = 2
_NS = 16
_NW = _NC * _NS

_CH = 128
_NBUF = 6
_SKEW = 3
_BLK = 8


@functools.lru_cache(maxsize=None)
def _make_gather(V, D, N):
    assert N % (_NW * _CH * _BLK) == 0
    rows_per_w = N // _NW
    n_chunks = rows_per_w // _CH
    n_blocks = n_chunks // _BLK

    mesh = plsc.VectorSubcoreMesh(core_axis_name="c", subcore_axis_name="s")

    @functools.partial(
        pl.kernel,
        mesh=mesh,
        out_type=jax.ShapeDtypeStruct((N, D), jnp.float32),
        compiler_params=pltpu.CompilerParams(use_tc_tiling_on_sc=True),
        scratch_types=[
            pltpu.VMEM((3, _BLK, _CH), jnp.int32),
            pltpu.VMEM((_NBUF, _CH, D), jnp.float32),
            pltpu.VMEM_SHARED((V, D), jnp.float32),
            pltpu.SemaphoreType.DMA((3,)),
            pltpu.SemaphoreType.DMA((_NBUF,)),
            pltpu.SemaphoreType.DMA((_NBUF,)),
        ],
    )
    def k(table_hbm, idx_hbm, out_hbm, idx_v, rows_v, tab_sh, isem, gsem, wsem):
        wid = lax.axis_index("s") * _NC + lax.axis_index("c")
        row0 = wid * rows_per_w
        iblk0 = wid * n_chunks

        def idx_load(blk, buf):
            return pltpu.make_async_copy(
                idx_hbm.at[pl.ds(iblk0 + blk * _BLK, _BLK)],
                idx_v.at[buf],
                isem.at[buf],
            )

        def gather(blk_buf, j, b):
            return pltpu.make_async_copy(
                tab_sh.at[idx_v.at[blk_buf, j]], rows_v.at[b], gsem.at[b]
            )

        def write(g, b):
            return pltpu.make_async_copy(
                rows_v.at[b], out_hbm.at[pl.ds(row0 + g * _CH, _CH)], wsem.at[b]
            )

        @pl.when(lax.axis_index("s") == 0)
        def _():
            pltpu.sync_copy(table_hbm, tab_sh)
        plsc.subcore_barrier()

        idx_load(0, 0).start()
        idx_load(1, 1).start()
        idx_load(2, 2).start()
        idx_load(0, 0).wait()
        for j in range(_BLK):
            b = j % _NBUF
            if j >= _NBUF:
                write(j - _NBUF, b).wait()
            gather(0, j, b).start()
            if j >= _SKEW:
                bw = (j - _SKEW) % _NBUF
                gather(0, j - _SKEW, bw).wait()
                write(j - _SKEW, bw).start()

        def block_body(t, carry):
            ib = t % 3
            idx_load(t, ib).wait()
            for j in range(_BLK):
                g = t * _BLK + j
                b = lax.rem(g, _NBUF)
                write(g - _NBUF, b).wait()
                gather(ib, j, b).start()
                bw = lax.rem(g - _SKEW, _NBUF)
                gather(ib, j, bw).wait()
                write(g - _SKEW, bw).start()
                if j == 3:
                    @pl.when(t < n_blocks - 2)
                    def _():
                        idx_load(t + 2, (t + 2) % 3).start()
            return carry

        lax.fori_loop(1, n_blocks, block_body, 0)

        for c in range(n_chunks - _SKEW, n_chunks):
            b = c % _NBUF
            gather(0, 0, b).wait()
            write(c, b).start()
        for c in range(n_chunks - _NBUF, n_chunks):
            write(c, c % _NBUF).wait()

    return k


def kernel(indices, table):
    Bq, S = indices.shape
    V, D = table.shape
    N = Bq * S
    idx2d = indices.reshape(N // _CH, _CH).astype(jnp.int32)
    out = _make_gather(V, D, N)(table.astype(jnp.float32), idx2d)
    return out.reshape(Bq, S, D)

# --- scband reference (transcript-rebuilt; emitter-appended) ---
"""Pipeline reference for scband-lstmgenerator-81776177316042 (READ-ONLY COPY).

The authoritative reference and input builder live on the scoring server;
editing this copy changes nothing except your own understanding.
"""

import jax, jax.numpy as jnp
import numpy as np

VOCAB = 1000
EMBED = 128
BATCH = 16384
SEQ = 200

def setup_inputs(seed: int = 0) -> dict:
    key = jax.random.key(seed)
    k_idx, k_tab = jax.random.split(key)
    indices = jax.random.randint(k_idx, (BATCH, SEQ), 0, VOCAB, dtype=jnp.int64 if jax.config.read('jax_enable_x64') else jnp.int32)
    table = jax.random.normal(k_tab, (VOCAB, EMBED), dtype=jnp.float32) * 0.02
    return {"indices": indices, "table": table}

def reference(indices, table):
    # Faithful translation of nn.Embedding forward: gather rows of the
    # embedding table by token index.
    return jnp.take(table, indices, axis=0)

if __name__ == "__main__":
    import jax
    _d = setup_inputs()
    print(jax.jit(kernel)(*tuple(_d.values())))

</pallas_src>

<mosaic_0001>
#map = affine_map<(d0, d1) -> (0, 0)>
module attributes {stable_mosaic.version = 14 : i64} {
  func.func @k(%arg0: i32, %arg1: i32, %arg2: memref<1000x128xf32, #tpu.memory_space<hbm>>, %arg3: memref<25600x128xi32, #tpu.memory_space<hbm>>, %arg4: memref<3276800x128xf32, #tpu.memory_space<hbm>>, %arg5: memref<3x8x128xi32, #tpu.memory_space<vmem>>, %arg6: memref<6x128x128xf32, #tpu.memory_space<vmem>>, %arg7: memref<1000x128xf32, #tpu.memory_space<vmem_shared>>, %arg8: memref<3x!tpu.dma_semaphore, #tpu.memory_space<semaphore_mem>>, %arg9: memref<6x!tpu.dma_semaphore, #tpu.memory_space<semaphore_mem>>, %arg10: memref<6x!tpu.dma_semaphore, #tpu.memory_space<semaphore_mem>>) attributes {dimension_semantics = [#tpu.dimension_semantics<core_parallel>, #tpu.dimension_semantics<subcore_parallel>], iteration_bounds = array<i64: 2, 16>, scalar_prefetch = 0 : i64, scratch_operands = 6 : i64, tpu.core_type = #tpu.core_type<sc_vector_subcore>, window_params = [{transform_indices = #map}, {transform_indices = #map}, {transform_indices = #map}]} {
    %mul3A = arith.constant 2 : i32
    %mul3A_0 = arith.muli %arg1, %mul3A : i32
    %add3A = arith.addi %mul3A_0, %arg0 : i32
    %mul3A_1 = arith.constant 102400 : i32
    %mul3A_2 = arith.muli %add3A, %mul3A_1 : i32
    %mul3A_3 = arith.constant 800 : i32
    %mul3A_4 = arith.muli %add3A, %mul3A_3 : i32
    %eq3A = arith.constant 0 : i32
    %eq3A_5 = arith.cmpi eq, %arg1, %eq3A : i32
    %convert_element_type3A = arith.extui %eq3A_5 : i1 to i32
    %cond3A = arith.constant 0 : i32
    %cond3A_6 = arith.cmpi ne, %convert_element_type3A, %cond3A : i32
    scf.if %cond3A_6 {
      "tpu.region"() ({
        %run_scoped3A = tpu.sem_alloc : memref<!tpu.dma_semaphore, #tpu.memory_space<semaphore_mem>>
        tpu.enqueue_dma source(%arg2 : memref<1000x128xf32, #tpu.memory_space<hbm>>) target(%arg7 : memref<1000x128xf32, #tpu.memory_space<vmem_shared>>) target_semaphore(%run_scoped3A : memref<!tpu.dma_semaphore, #tpu.memory_space<semaphore_mem>>)
        tpu.wait_dma2 semaphore(%run_scoped3A : memref<!tpu.dma_semaphore, #tpu.memory_space<semaphore_mem>>) src(%arg2 : memref<1000x128xf32, #tpu.memory_space<hbm>>) dst(%arg7 : memref<1000x128xf32, #tpu.memory_space<vmem_shared>>)
        tpu.yield
      }) : () -> ()
    } else {
    }
    %barrier3A = arith.constant 0 : index
    tpu.barrier barrier_id(%barrier3A)
    %add3A_7 = arith.constant 0 : i32
    %add3A_8 = arith.addi %mul3A_4, %add3A_7 : i32
    %dma_start3A = arith.constant 0 : i32
    %dma_start3A_9 = arith.constant 0 : i32
    %dma_start3A_10 = arith.constant 0 : i32
    %dma_start3A_11 = arith.constant 0 : i32
    %dma_start3A_12 = tpu.memref_slice %arg5[%dma_start3A, %dma_start3A_10, %dma_start3A_11] : memref<3x8x128xi32, #tpu.memory_space<vmem>> -> memref<1x8x128xi32, #tpu.memory_space<vmem>>
    %dma_start3A_13 = tpu.memref_squeeze %dma_start3A_12 : memref<1x8x128xi32, #tpu.memory_space<vmem>> -> memref<8x128xi32, #tpu.memory_space<vmem>>
    %dma_start3A_14 = arith.constant 0 : i32
    %dma_start3A_15 = tpu.memref_slice %arg3[%add3A_8, %dma_start3A_14] : memref<25600x128xi32, #tpu.memory_space<hbm>> -> memref<8x128xi32, #tpu.memory_space<hbm>>
    %dma_start3A_16 = tpu.memref_slice %arg8[%dma_start3A_9] : memref<3x!tpu.dma_semaphore, #tpu.memory_space<semaphore_mem>> -> memref<1x!tpu.dma_semaphore, #tpu.memory_space<semaphore_mem>>
    %dma_start3A_17 = tpu.memref_squeeze %dma_start3A_16 : memref<1x!tpu.dma_semaphore, #tpu.memory_space<semaphore_mem>> -> memref<!tpu.dma_semaphore, #tpu.memory_space<semaphore_mem>>
    %dma_start3A_18 = arith.constant 0 : i32
    %dma_start3A_19 = arith.constant 0 : i32
    %dma_start3A_20 = tpu.memref_slice %arg5[%dma_start3A, %dma_start3A_18, %dma_start3A_19] : memref<3x8x128xi32, #tpu.memory_space<vmem>> -> memref<1x8x128xi32, #tpu.memory_space<vmem>>
    %dma_start3A_21 = tpu.memref_squeeze %dma_start3A_20 : memref<1x8x128xi32, #tpu.memory_space<vmem>> -> memref<8x128xi32, #tpu.memory_space<vmem>>
    %dma_start3A_22 = arith.constant 0 : i32
    %dma_start3A_23 = tpu.memref_slice %arg3[%add3A_8, %dma_start3A_22] : memref<25600x128xi32, #tpu.memory_space<hbm>> -> memref<8x128xi32, #tpu.memory_space<hbm>>
    tpu.enqueue_dma source(%dma_start3A_23 : memref<8x128xi32, #tpu.memory_space<hbm>>) target(%dma_start3A_21 : memref<8x128xi32, #tpu.memory_space<vmem>>) target_semaphore(%dma_start3A_17 : memref<!tpu.dma_semaphore, #tpu.memory_space<semaphore_mem>>)
    %add3A_24 = arith.constant 8 : i32
    %add3A_25 = arith.addi %mul3A_4, %add3A_24 : i32
    %dma_start3A_26 = arith.constant 1 : i32
    %dma_start3A_27 = arith.constant 1 : i32
    %dma_start3A_28 = arith.constant 0 : i32
    %dma_start3A_29 = arith.constant 0 : i32
    %dma_start3A_30 = tpu.memref_slice %arg5[%dma_start3A_26, %dma_start3A_28, %dma_start3A_29] : memref<3x8x128xi32, #tpu.memory_space<vmem>> -> memref<1x8x128xi32, #tpu.memory_space<vmem>>
    %dma_start3A_31 = tpu.memref_squeeze %dma_start3A_30 : memref<1x8x128xi32, #tpu.memory_space<vmem>> -> memref<8x128xi32, #tpu.memory_space<vmem>>
    %dma_start3A_32 = arith.constant 0 : i32
    %dma_start3A_33 = tpu.memref_slice %arg3[%add3A_25, %dma_start3A_32] : memref<25600x128xi32, #tpu.memory_space<hbm>> -> memref<8x128xi32, #tpu.memory_space<hbm>>
    %dma_start3A_34 = tpu.memref_slice %arg8[%dma_start3A_27] : memref<3x!tpu.dma_semaphore, #tpu.memory_space<semaphore_mem>> -> memref<1x!tpu.dma_semaphore, #tpu.memory_space<semaphore_mem>>
    %dma_start3A_35 = tpu.memref_squeeze %dma_start3A_34 : memref<1x!tpu.dma_semaphore, #tpu.memory_space<semaphore_mem>> -> memref<!tpu.dma_semaphore, #tpu.memory_space<semaphore_mem>>
    %dma_start3A_36 = arith.constant 0 : i32
    %dma_start3A_37 = arith.constant 0 : i32
    %dma_start3A_38 = tpu.memref_slice %arg5[%dma_start3A_26, %dma_start3A_36, %dma_start3A_37] : memref<3x8x128xi32, #tpu.memory_space<vmem>> -> memref<1x8x128xi32, #tpu.memory_space<vmem>>
    %dma_start3A_39 = tpu.memref_squeeze %dma_start3A_38 : memref<1x8x128xi32, #tpu.memory_space<vmem>> -> memref<8x128xi32, #tpu.memory_space<vmem>>
    %dma_start3A_40 = arith.constant 0 : i32
    %dma_start3A_41 = tpu.memref_slice %arg3[%add3A_25, %dma_start3A_40] : memref<25600x128xi32, #tpu.memory_space<hbm>> -> memref<8x128xi32, #tpu.memory_space<hbm>>
    tpu.enqueue_dma source(%dma_start3A_41 : memref<8x128xi32, #tpu.memory_space<hbm>>) target(%dma_start3A_39 : memref<8x128xi32, #tpu.memory_space<vmem>>) target_semaphore(%dma_start3A_35 : memref<!tpu.dma_semaphore, #tpu.memory_space<semaphore_mem>>)
    %add3A_42 = arith.constant 16 : i32
    %add3A_43 = arith.addi %mul3A_4, %add3A_42 : i32
    %dma_start3A_44 = arith.constant 2 : i32
    %dma_start3A_45 = arith.constant 2 : i32
    %dma_start3A_46 = arith.constant 0 : i32
    %dma_start3A_47 = arith.constant 0 : i32
    %dma_start3A_48 = tpu.memref_slice %arg5[%dma_start3A_44, %dma_start3A_46, %dma_start3A_47] : memref<3x8x128xi32, #tpu.memory_space<vmem>> -> memref<1x8x128xi32, #tpu.memory_space<vmem>>
    %dma_start3A_49 = tpu.memref_squeeze %dma_start3A_48 : memref<1x8x128xi32, #tpu.memory_space<vmem>> -> memref<8x128xi32, #tpu.memory_space<vmem>>
    %dma_start3A_50 = arith.constant 0 : i32
    %dma_start3A_51 = tpu.memref_slice %arg3[%add3A_43, %dma_start3A_50] : memref<25600x128xi32, #tpu.memory_space<hbm>> -> memref<8x128xi32, #tpu.memory_space<hbm>>
    %dma_start3A_52 = tpu.memref_slice %arg8[%dma_start3A_45] : memref<3x!tpu.dma_semaphore, #tpu.memory_space<semaphore_mem>> -> memref<1x!tpu.dma_semaphore, #tpu.memory_space<semaphore_mem>>
    %dma_start3A_53 = tpu.memref_squeeze %dma_start3A_52 : memref<1x!tpu.dma_semaphore, #tpu.memory_space<semaphore_mem>> -> memref<!tpu.dma_semaphore, #tpu.memory_space<semaphore_mem>>
    %dma_start3A_54 = arith.constant 0 : i32
    %dma_start3A_55 = arith.constant 0 : i32
    %dma_start3A_56 = tpu.memref_slice %arg5[%dma_start3A_44, %dma_start3A_54, %dma_start3A_55] : memref<3x8x128xi32, #tpu.memory_space<vmem>> -> memref<1x8x128xi32, #tpu.memory_space<vmem>>
    %dma_start3A_57 = tpu.memref_squeeze %dma_start3A_56 : memref<1x8x128xi32, #tpu.memory_space<vmem>> -> memref<8x128xi32, #tpu.memory_space<vmem>>
    %dma_start3A_58 = arith.constant 0 : i32
    %dma_start3A_59 = tpu.memref_slice %arg3[%add3A_43, %dma_start3A_58] : memref<25600x128xi32, #tpu.memory_space<hbm>> -> memref<8x128xi32, #tpu.memory_space<hbm>>
    tpu.enqueue_dma source(%dma_start3A_59 : memref<8x128xi32, #tpu.memory_space<hbm>>) target(%dma_start3A_57 : memref<8x128xi32, #tpu.memory_space<vmem>>) target_semaphore(%dma_start3A_53 : memref<!tpu.dma_semaphore, #tpu.memory_space<semaphore_mem>>)
    %add3A_60 = arith.constant 0 : i32
    %add3A_61 = arith.addi %mul3A_4, %add3A_60 : i32
    %dma_wait3A = arith.constant 0 : i32
    %dma_wait3A_62 = arith.constant 0 : i32
    %dma_wait3A_63 = arith.constant 0 : i32
    %dma_wait3A_64 = arith.constant 0 : i32
    %dma_wait3A_65 = tpu.memref_slice %arg5[%dma_wait3A, %dma_wait3A_63, %dma_wait3A_64] : memref<3x8x128xi32, #tpu.memory_space<vmem>> -> memref<1x8x128xi32, #tpu.memory_space<vmem>>
    %dma_wait3A_66 = tpu.memref_squeeze %dma_wait3A_65 : memref<1x8x128xi32, #tpu.memory_space<vmem>> -> memref<8x128xi32, #tpu.memory_space<vmem>>
    %dma_wait3A_67 = arith.constant 0 : i32
    %dma_wait3A_68 = tpu.memref_slice %arg3[%add3A_61, %dma_wait3A_67] : memref<25600x128xi32, #tpu.memory_space<hbm>> -> memref<8x128xi32, #tpu.memory_space<hbm>>
    %dma_wait3A_69 = tpu.memref_slice %arg8[%dma_wait3A_62] : memref<3x!tpu.dma_semaphore, #tpu.memory_space<semaphore_mem>> -> memref<1x!tpu.dma_semaphore, #tpu.memory_space<semaphore_mem>>
    %dma_wait3A_70 = tpu.memref_squeeze %dma_wait3A_69 : memref<1x!tpu.dma_semaphore, #tpu.memory_space<semaphore_mem>> -> memref<!tpu.dma_semaphore, #tpu.memory_space<semaphore_mem>>
    %dma_wait3A_71 = arith.constant 0 : i32
    %dma_wait3A_72 = arith.constant 0 : i32
    %dma_wait3A_73 = tpu.memref_slice %arg5[%dma_wait3A, %dma_wait3A_71, %dma_wait3A_72] : memref<3x8x128xi32, #tpu.memory_space<vmem>> -> memref<1x8x128xi32, #tpu.memory_space<vmem>>
    %dma_wait3A_74 = tpu.memref_squeeze %dma_wait3A_73 : memref<1x8x128xi32, #tpu.memory_space<vmem>> -> memref<8x128xi32, #tpu.memory_space<vmem>>
    %dma_wait3A_75 = arith.constant 0 : i32
    %dma_wait3A_76 = tpu.memref_slice %arg3[%add3A_61, %dma_wait3A_75] : memref<25600x128xi32, #tpu.memory_space<hbm>> -> memref<8x128xi32, #tpu.memory_space<hbm>>
    tpu.wait_dma2 semaphore(%dma_wait3A_70 : memref<!tpu.dma_semaphore, #tpu.memory_space<semaphore_mem>>) src(%dma_wait3A_76 : memref<8x128xi32, #tpu.memory_space<hbm>>) dst(%dma_wait3A_74 : memref<8x128xi32, #tpu.memory_space<vmem>>)
    %dma_start3A_77 = arith.constant 0 : i32
    %dma_start3A_78 = arith.constant 0 : i32
    %dma_start3A_79 = arith.constant 0 : i32
    %dma_start3A_80 = arith.constant 0 : i32
    %dma_start3A_81 = arith.constant 0 : i32
    %dma_start3A_82 = arith.constant 0 : i32
    %dma_start3A_83 = tpu.memref_slice %arg6[%dma_start3A_79, %dma_start3A_81, %dma_start3A_82] : memref<6x128x128xf32, #tpu.memory_space<vmem>> -> memref<1x128x128xf32, #tpu.memory_space<vmem>>
    %dma_start3A_84 = tpu.memref_squeeze %dma_start3A_83 : memref<1x128x128xf32, #tpu.memory_space<vmem>> -> memref<128x128xf32, #tpu.memory_space<vmem>>
    %dma_start3A_85 = arith.constant 0 : i32
    %dma_start3A_86 = tpu.memref_slice %arg5[%dma_start3A_77, %dma_start3A_78, %dma_start3A_85] : memref<3x8x128xi32, #tpu.memory_space<vmem>> -> memref<1x1x128xi32, #tpu.memory_space<vmem>>
    %dma_start3A_87 = tpu.memref_squeeze %dma_start3A_86 : memref<1x1x128xi32, #tpu.memory_space<vmem>> -> memref<128xi32, #tpu.memory_space<vmem>>
    %dma_start3A_88 = arith.constant 0 : i32
    %dma_start3A_89 = arith.constant 0 : i32
    %dma_start3A_90 = tpu.memref_slice %arg7[%dma_start3A_88, %dma_start3A_89] : memref<1000x128xf32, #tpu.memory_space<vmem_shared>> -> memref<1000x128xf32, #tpu.memory_space<vmem_shared>>
    %dma_start3A_91 = tpu.memref_slice %arg9[%dma_start3A_80] : memref<6x!tpu.dma_semaphore, #tpu.memory_space<semaphore_mem>> -> memref<1x!tpu.dma_semaphore, #tpu.memory_space<semaphore_mem>>
    %dma_start3A_92 = tpu.memref_squeeze %dma_start3A_91 : memref<1x!tpu.dma_semaphore, #tpu.memory_space<semaphore_mem>> -> memref<!tpu.dma_semaphore, #tpu.memory_space<semaphore_mem>>
    tpu.enqueue_indirect_dma source(%dma_start3A_90 : memref<1000x128xf32, #tpu.memory_space<vmem_shared>>) target(%dma_start3A_84 : memref<128x128xf32, #tpu.memory_space<vmem>>) offsets(%dma_start3A_87 : memref<128xi32, #tpu.memory_space<vmem>>) semaphore(%dma_start3A_92 : memref<!tpu.dma_semaphore, #tpu.memory_space<semaphore_mem>>)
    %dma_start3A_93 = arith.constant 0 : i32
    %dma_start3A_94 = arith.constant 1 : i32
    %dma_start3A_95 = arith.constant 1 : i32
    %dma_start3A_96 = arith.constant 1 : i32
    %dma_start3A_97 = arith.constant 0 : i32
    %dma_start3A_98 = arith.constant 0 : i32
    %dma_start3A_99 = tpu.memref_slice %arg6[%dma_start3A_95, %dma_start3A_97, %dma_start3A_98] : memref<6x128x128xf32, #tpu.memory_space<vmem>> -> memref<1x128x128xf32, #tpu.memory_space<vmem>>
    %dma_start3A_100 = tpu.memref_squeeze %dma_start3A_99 : memref<1x128x128xf32, #tpu.memory_space<vmem>> -> memref<128x128xf32, #tpu.memory_space<vmem>>
    %dma_start3A_101 = arith.constant 0 : i32
    %dma_start3A_102 = tpu.memref_slice %arg5[%dma_start3A_93, %dma_start3A_94, %dma_start3A_101] : memref<3x8x128xi32, #tpu.memory_space<vmem>> -> memref<1x1x128xi32, #tpu.memory_space<vmem>>
    %dma_start3A_103 = tpu.memref_squeeze %dma_start3A_102 : memref<1x1x128xi32, #tpu.memory_space<vmem>> -> memref<128xi32, #tpu.memory_space<vmem>>
    %dma_start3A_104 = arith.constant 0 : i32
    %dma_start3A_105 = arith.constant 0 : i32
    %dma_start3A_106 = tpu.memref_slice %arg7[%dma_start3A_104, %dma_start3A_105] : memref<1000x128xf32, #tpu.memory_space<vmem_shared>> -> memref<1000x128xf32, #tpu.memory_space<vmem_shared>>
    %dma_start3A_107 = tpu.memref_slice %arg9[%dma_start3A_96] : memref<6x!tpu.dma_semaphore, #tpu.memory_space<semaphore_mem>> -> memref<1x!tpu.dma_semaphore, #tpu.memory_space<semaphore_mem>>
    %dma_start3A_108 = tpu.memref_squeeze %dma_start3A_107 : memref<1x!tpu.dma_semaphore, #tpu.memory_space<semaphore_mem>> -> memref<!tpu.dma_semaphore, #tpu.memory_space<semaphore_mem>>
    tpu.enqueue_indirect_dma source(%dma_start3A_106 : memref<1000x128xf32, #tpu.memory_space<vmem_shared>>) target(%dma_start3A_100 : memref<128x128xf32, #tpu.memory_space<vmem>>) offsets(%dma_start3A_103 : memref<128xi32, #tpu.memory_space<vmem>>) semaphore(%dma_start3A_108 : memref<!tpu.dma_semaphore, #tpu.memory_space<semaphore_mem>>)
    %dma_start3A_109 = arith.constant 0 : i32
    %dma_start3A_110 = arith.constant 2 : i32
    %dma_start3A_111 = arith.constant 2 : i32
    %dma_start3A_112 = arith.constant 2 : i32
    %dma_start3A_113 = arith.constant 0 : i32
    %dma_start3A_114 = arith.constant 0 : i32
    %dma_start3A_115 = tpu.memref_slice %arg6[%dma_start3A_111, %dma_start3A_113, %dma_start3A_114] : memref<6x128x128xf32, #tpu.memory_space<vmem>> -> memref<1x128x128xf32, #tpu.memory_space<vmem>>
    %dma_start3A_116 = tpu.memref_squeeze %dma_start3A_115 : memref<1x128x128xf32, #tpu.memory_space<vmem>> -> memref<128x128xf32, #tpu.memory_space<vmem>>
    %dma_start3A_117 = arith.constant 0 : i32
    %dma_start3A_118 = tpu.memref_slice %arg5[%dma_start3A_109, %dma_start3A_110, %dma_start3A_117] : memref<3x8x128xi32, #tpu.memory_space<vmem>> -> memref<1x1x128xi32, #tpu.memory_space<vmem>>
    %dma_start3A_119 = tpu.memref_squeeze %dma_start3A_118 : memref<1x1x128xi32, #tpu.memory_space<vmem>> -> memref<128xi32, #tpu.memory_space<vmem>>
    %dma_start3A_120 = arith.constant 0 : i32
    %dma_start3A_121 = arith.constant 0 : i32
    %dma_start3A_122 = tpu.memref_slice %arg7[%dma_start3A_120, %dma_start3A_121] : memref<1000x128xf32, #tpu.memory_space<vmem_shared>> -> memref<1000x128xf32, #tpu.memory_space<vmem_shared>>
    %dma_start3A_123 = tpu.memref_slice %arg9[%dma_start3A_112] : memref<6x!tpu.dma_semaphore, #tpu.memory_space<semaphore_mem>> -> memref<1x!tpu.dma_semaphore, #tpu.memory_space<semaphore_mem>>
    %dma_start3A_124 = tpu.memref_squeeze %dma_start3A_123 : memref<1x!tpu.dma_semaphore, #tpu.memory_space<semaphore_mem>> -> memref<!tpu.dma_semaphore, #tpu.memory_space<semaphore_mem>>
    tpu.enqueue_indirect_dma source(%dma_start3A_122 : memref<1000x128xf32, #tpu.memory_space<vmem_shared>>) target(%dma_start3A_116 : memref<128x128xf32, #tpu.memory_space<vmem>>) offsets(%dma_start3A_119 : memref<128xi32, #tpu.memory_space<vmem>>) semaphore(%dma_start3A_124 : memref<!tpu.dma_semaphore, #tpu.memory_space<semaphore_mem>>)
    %dma_start3A_125 = arith.constant 0 : i32
    %dma_start3A_126 = arith.constant 3 : i32
    %dma_start3A_127 = arith.constant 3 : i32
    %dma_start3A_128 = arith.constant 3 : i32
    %dma_start3A_129 = arith.constant 0 : i32
    %dma_start3A_130 = arith.constant 0 : i32
    %dma_start3A_131 = tpu.memref_slice %arg6[%dma_start3A_127, %dma_start3A_129, %dma_start3A_130] : memref<6x128x128xf32, #tpu.memory_space<vmem>> -> memref<1x128x128xf32, #tpu.memory_space<vmem>>
    %dma_start3A_132 = tpu.memref_squeeze %dma_start3A_131 : memref<1x128x128xf32, #tpu.memory_space<vmem>> -> memref<128x128xf32, #tpu.memory_space<vmem>>
    %dma_start3A_133 = arith.constant 0 : i32
    %dma_start3A_134 = tpu.memref_slice %arg5[%dma_start3A_125, %dma_start3A_126, %dma_start3A_133] : memref<3x8x128xi32, #tpu.memory_space<vmem>> -> memref<1x1x128xi32, #tpu.memory_space<vmem>>
    %dma_start3A_135 = tpu.memref_squeeze %dma_start3A_134 : memref<1x1x128xi32, #tpu.memory_space<vmem>> -> memref<128xi32, #tpu.memory_space<vmem>>
    %dma_start3A_136 = arith.constant 0 : i32
    %dma_start3A_137 = arith.constant 0 : i32
    %dma_start3A_138 = tpu.memref_slice %arg7[%dma_start3A_136, %dma_start3A_137] : memref<1000x128xf32, #tpu.memory_space<vmem_shared>> -> memref<1000x128xf32, #tpu.memory_space<vmem_shared>>
    %dma_start3A_139 = tpu.memref_slice %arg9[%dma_start3A_128] : memref<6x!tpu.dma_semaphore, #tpu.memory_space<semaphore_mem>> -> memref<1x!tpu.dma_semaphore, #tpu.memory_space<semaphore_mem>>
    %dma_start3A_140 = tpu.memref_squeeze %dma_start3A_139 : memref<1x!tpu.dma_semaphore, #tpu.memory_space<semaphore_mem>> -> memref<!tpu.dma_semaphore, #tpu.memory_space<semaphore_mem>>
    tpu.enqueue_indirect_dma source(%dma_start3A_138 : memref<1000x128xf32, #tpu.memory_space<vmem_shared>>) target(%dma_start3A_132 : memref<128x128xf32, #tpu.memory_space<vmem>>) offsets(%dma_start3A_135 : memref<128xi32, #tpu.memory_space<vmem>>) semaphore(%dma_start3A_140 : memref<!tpu.dma_semaphore, #tpu.memory_space<semaphore_mem>>)
    %dma_wait3A_141 = arith.constant 0 : i32
    %dma_wait3A_142 = arith.constant 0 : i32
    %dma_wait3A_143 = arith.constant 0 : i32
    %dma_wait3A_144 = arith.constant 0 : i32
    %dma_wait3A_145 = arith.constant 0 : i32
    %dma_wait3A_146 = arith.constant 0 : i32
    %dma_wait3A_147 = tpu.memref_slice %arg6[%dma_wait3A_143, %dma_wait3A_145, %dma_wait3A_146] : memref<6x128x128xf32, #tpu.memory_space<vmem>> -> memref<1x128x128xf32, #tpu.memory_space<vmem>>
    %dma_wait3A_148 = tpu.memref_squeeze %dma_wait3A_147 : memref<1x128x128xf32, #tpu.memory_space<vmem>> -> memref<128x128xf32, #tpu.memory_space<vmem>>
    %dma_wait3A_149 = arith.constant 0 : i32
    %dma_wait3A_150 = tpu.memref_slice %arg5[%dma_wait3A_141, %dma_wait3A_142, %dma_wait3A_149] : memref<3x8x128xi32, #tpu.memory_space<vmem>> -> memref<1x1x128xi32, #tpu.memory_space<vmem>>
    %dma_wait3A_151 = tpu.memref_squeeze %dma_wait3A_150 : memref<1x1x128xi32, #tpu.memory_space<vmem>> -> memref<128xi32, #tpu.memory_space<vmem>>
    %dma_wait3A_152 = arith.constant 0 : i32
    %dma_wait3A_153 = arith.constant 0 : i32
    %dma_wait3A_154 = tpu.memref_slice %arg7[%dma_wait3A_152, %dma_wait3A_153] : memref<1000x128xf32, #tpu.memory_space<vmem_shared>> -> memref<1000x128xf32, #tpu.memory_space<vmem_shared>>
    %dma_wait3A_155 = tpu.memref_slice %arg9[%dma_wait3A_144] : memref<6x!tpu.dma_semaphore, #tpu.memory_space<semaphore_mem>> -> memref<1x!tpu.dma_semaphore, #tpu.memory_space<semaphore_mem>>
    %dma_wait3A_156 = tpu.memref_squeeze %dma_wait3A_155 : memref<1x!tpu.dma_semaphore, #tpu.memory_space<semaphore_mem>> -> memref<!tpu.dma_semaphore, #tpu.memory_space<semaphore_mem>>
    tpu.wait_indirect_dma semaphore(%dma_wait3A_156 : memref<!tpu.dma_semaphore, #tpu.memory_space<semaphore_mem>>) src(%dma_wait3A_154 : memref<1000x128xf32, #tpu.memory_space<vmem_shared>>) dst(%dma_wait3A_148 : memref<128x128xf32, #tpu.memory_space<vmem>>)
    %add3A_157 = arith.constant 0 : i32
    %add3A_158 = arith.addi %mul3A_2, %add3A_157 : i32
    %dma_start3A_159 = arith.constant 0 : i32
    %dma_start3A_160 = arith.constant 0 : i32
    %dma_start3A_161 = arith.constant 0 : i32
    %dma_start3A_162 = arith.constant 0 : i32
    %dma_start3A_163 = tpu.memref_slice %arg6[%dma_start3A_159, %dma_start3A_161, %dma_start3A_162] : memref<6x128x128xf32, #tpu.memory_space<vmem>> -> memref<1x128x128xf32, #tpu.memory_space<vmem>>
    %dma_start3A_164 = tpu.memref_squeeze %dma_start3A_163 : memref<1x128x128xf32, #tpu.memory_space<vmem>> -> memref<128x128xf32, #tpu.memory_space<vmem>>
    %dma_start3A_165 = arith.constant 0 : i32
    %dma_start3A_166 = tpu.memref_slice %arg4[%add3A_158, %dma_start3A_165] : memref<3276800x128xf32, #tpu.memory_space<hbm>> -> memref<128x128xf32, #tpu.memory_space<hbm>>
    %dma_start3A_167 = tpu.memref_slice %arg10[%dma_start3A_160] : memref<6x!tpu.dma_semaphore, #tpu.memory_space<semaphore_mem>> -> memref<1x!tpu.dma_semaphore, #tpu.memory_space<semaphore_mem>>
    %dma_start3A_168 = tpu.memref_squeeze %dma_start3A_167 : memref<1x!tpu.dma_semaphore, #tpu.memory_space<semaphore_mem>> -> memref<!tpu.dma_semaphore, #tpu.memory_space<semaphore_mem>>
    %dma_start3A_169 = arith.constant 0 : i32
    %dma_start3A_170 = tpu.memref_slice %arg4[%add3A_158, %dma_start3A_169] : memref<3276800x128xf32, #tpu.memory_space<hbm>> -> memref<128x128xf32, #tpu.memory_space<hbm>>
    %dma_start3A_171 = arith.constant 0 : i32
    %dma_start3A_172 = arith.constant 0 : i32
    %dma_start3A_173 = tpu.memref_slice %arg6[%dma_start3A_159, %dma_start3A_171, %dma_start3A_172] : memref<6x128x128xf32, #tpu.memory_space<vmem>> -> memref<1x128x128xf32, #tpu.memory_space<vmem>>
    %dma_start3A_174 = tpu.memref_squeeze %dma_start3A_173 : memref<1x128x128xf32, #tpu.memory_space<vmem>> -> memref<128x128xf32, #tpu.memory_space<vmem>>
    tpu.enqueue_dma source(%dma_start3A_174 : memref<128x128xf32, #tpu.memory_space<vmem>>) target(%dma_start3A_170 : memref<128x128xf32, #tpu.memory_space<hbm>>) target_semaphore(%dma_start3A_168 : memref<!tpu.dma_semaphore, #tpu.memory_space<semaphore_mem>>)
    %dma_start3A_175 = arith.constant 0 : i32
    %dma_start3A_176 = arith.constant 4 : i32
    %dma_start3A_177 = arith.constant 4 : i32
    %dma_start3A_178 = arith.constant 4 : i32
    %dma_start3A_179 = arith.constant 0 : i32
    %dma_start3A_180 = arith.constant 0 : i32
    %dma_start3A_181 = tpu.memref_slice %arg6[%dma_start3A_177, %dma_start3A_179, %dma_start3A_180] : memref<6x128x128xf32, #tpu.memory_space<vmem>> -> memref<1x128x128xf32, #tpu.memory_space<vmem>>
    %dma_start3A_182 = tpu.memref_squeeze %dma_start3A_181 : memref<1x128x128xf32, #tpu.memory_space<vmem>> -> memref<128x128xf32, #tpu.memory_space<vmem>>
    %dma_start3A_183 = arith.constant 0 : i32
    %dma_start3A_184 = tpu.memref_slice %arg5[%dma_start3A_175, %dma_start3A_176, %dma_start3A_183] : memref<3x8x128xi32, #tpu.memory_space<vmem>> -> memref<1x1x128xi32, #tpu.memory_space<vmem>>
    %dma_start3A_185 = tpu.memref_squeeze %dma_start3A_184 : memref<1x1x128xi32, #tpu.memory_space<vmem>> -> memref<128xi32, #tpu.memory_space<vmem>>
    %dma_start3A_186 = arith.constant 0 : i32
    %dma_start3A_187 = arith.constant 0 : i32
    %dma_start3A_188 = tpu.memref_slice %arg7[%dma_start3A_186, %dma_start3A_187] : memref<1000x128xf32, #tpu.memory_space<vmem_shared>> -> memref<1000x128xf32, #tpu.memory_space<vmem_shared>>
    %dma_start3A_189 = tpu.memref_slice %arg9[%dma_start3A_178] : memref<6x!tpu.dma_semaphore, #tpu.memory_space<semaphore_mem>> -> memref<1x!tpu.dma_semaphore, #tpu.memory_space<semaphore_mem>>
    %dma_start3A_190 = tpu.memref_squeeze %dma_start3A_189 : memref<1x!tpu.dma_semaphore, #tpu.memory_space<semaphore_mem>> -> memref<!tpu.dma_semaphore, #tpu.memory_space<semaphore_mem>>
    tpu.enqueue_indirect_dma source(%dma_start3A_188 : memref<1000x128xf32, #tpu.memory_space<vmem_shared>>) target(%dma_start3A_182 : memref<128x128xf32, #tpu.memory_space<vmem>>) offsets(%dma_start3A_185 : memref<128xi32, #tpu.memory_space<vmem>>) semaphore(%dma_start3A_190 : memref<!tpu.dma_semaphore, #tpu.memory_space<semaphore_mem>>)
    %dma_wait3A_191 = arith.constant 0 : i32
    %dma_wait3A_192 = arith.constant 1 : i32
    %dma_wait3A_193 = arith.constant 1 : i32
    %dma_wait3A_194 = arith.constant 1 : i32
    %dma_wait3A_195 = arith.constant 0 : i32
    %dma_wait3A_196 = arith.constant 0 : i32
    %dma_wait3A_197 = tpu.memref_slice %arg6[%dma_wait3A_193, %dma_wait3A_195, %dma_wait3A_196] : memref<6x128x128xf32, #tpu.memory_space<vmem>> -> memref<1x128x128xf32, #tpu.memory_space<vmem>>
    %dma_wait3A_198 = tpu.memref_squeeze %dma_wait3A_197 : memref<1x128x128xf32, #tpu.memory_space<vmem>> -> memref<128x128xf32, #tpu.memory_space<vmem>>
    %dma_wait3A_199 = arith.constant 0 : i32
    %dma_wait3A_200 = tpu.memref_slice %arg5[%dma_wait3A_191, %dma_wait3A_192, %dma_wait3A_199] : memref<3x8x128xi32, #tpu.memory_space<vmem>> -> memref<1x1x128xi32, #tpu.memory_space<vmem>>
    %dma_wait3A_201 = tpu.memref_squeeze %dma_wait3A_200 : memref<1x1x128xi32, #tpu.memory_space<vmem>> -> memref<128xi32, #tpu.memory_space<vmem>>
    %dma_wait3A_202 = arith.constant 0 : i32
    %dma_wait3A_203 = arith.constant 0 : i32
    %dma_wait3A_204 = tpu.memref_slice %arg7[%dma_wait3A_202, %dma_wait3A_203] : memref<1000x128xf32, #tpu.memory_space<vmem_shared>> -> memref<1000x128xf32, #tpu.memory_space<vmem_shared>>
    %dma_wait3A_205 = tpu.memref_slice %arg9[%dma_wait3A_194] : memref<6x!tpu.dma_semaphore, #tpu.memory_space<semaphore_mem>> -> memref<1x!tpu.dma_semaphore, #tpu.memory_space<semaphore_mem>>
    %dma_wait3A_206 = tpu.memref_squeeze %dma_wait3A_205 : memref<1x!tpu.dma_semaphore, #tpu.memory_space<semaphore_mem>> -> memref<!tpu.dma_semaphore, #tpu.memory_space<semaphore_mem>>
    tpu.wait_indirect_dma semaphore(%dma_wait3A_206 : memref<!tpu.dma_semaphore, #tpu.memory_space<semaphore_mem>>) src(%dma_wait3A_204 : memref<1000x128xf32, #tpu.memory_space<vmem_shared>>) dst(%dma_wait3A_198 : memref<128x128xf32, #tpu.memory_space<vmem>>)
    %add3A_207 = arith.constant 128 : i32
    %add3A_208 = arith.addi %mul3A_2, %add3A_207 : i32
    %dma_start3A_209 = arith.constant 1 : i32
    %dma_start3A_210 = arith.constant 1 : i32
    %dma_start3A_211 = arith.constant 0 : i32
    %dma_start3A_212 = arith.constant 0 : i32
    %dma_start3A_213 = tpu.memref_slice %arg6[%dma_start3A_209, %dma_start3A_211, %dma_start3A_212] : memref<6x128x128xf32, #tpu.memory_space<vmem>> -> memref<1x128x128xf32, #tpu.memory_space<vmem>>
    %dma_start3A_214 = tpu.memref_squeeze %dma_start3A_213 : memref<1x128x128xf32, #tpu.memory_space<vmem>> -> memref<128x128xf32, #tpu.memory_space<vmem>>
    %dma_start3A_215 = arith.constant 0 : i32
    %dma_start3A_216 = tpu.memref_slice %arg4[%add3A_208, %dma_start3A_215] : memref<3276800x128xf32, #tpu.memory_space<hbm>> -> memref<128x128xf32, #tpu.memory_space<hbm>>
    %dma_start3A_217 = tpu.memref_slice %arg10[%dma_start3A_210] : memref<6x!tpu.dma_semaphore, #tpu.memory_space<semaphore_mem>> -> memref<1x!tpu.dma_semaphore, #tpu.memory_space<semaphore_mem>>
    %dma_start3A_218 = tpu.memref_squeeze %dma_start3A_217 : memref<1x!tpu.dma_semaphore, #tpu.memory_space<semaphore_mem>> -> memref<!tpu.dma_semaphore, #tpu.memory_space<semaphore_mem>>
    %dma_start3A_219 = arith.constant 0 : i32
    %dma_start3A_220 = tpu.memref_slice %arg4[%add3A_208, %dma_start3A_219] : memref<3276800x128xf32, #tpu.memory_space<hbm>> -> memref<128x128xf32, #tpu.memory_space<hbm>>
    %dma_start3A_221 = arith.constant 0 : i32
    %dma_start3A_222 = arith.constant 0 : i32
    %dma_start3A_223 = tpu.memref_slice %arg6[%dma_start3A_209, %dma_start3A_221, %dma_start3A_222] : memref<6x128x128xf32, #tpu.memory_space<vmem>> -> memref<1x128x128xf32, #tpu.memory_space<vmem>>
    %dma_start3A_224 = tpu.memref_squeeze %dma_start3A_223 : memref<1x128x128xf32, #tpu.memory_space<vmem>> -> memref<128x128xf32, #tpu.memory_space<vmem>>
    tpu.enqueue_dma source(%dma_start3A_224 : memref<128x128xf32, #tpu.memory_space<vmem>>) target(%dma_start3A_220 : memref<128x128xf32, #tpu.memory_space<hbm>>) target_semaphore(%dma_start3A_218 : memref<!tpu.dma_semaphore, #tpu.memory_space<semaphore_mem>>)
    %dma_start3A_225 = arith.constant 0 : i32
    %dma_start3A_226 = arith.constant 5 : i32
    %dma_start3A_227 = arith.constant 5 : i32
    %dma_start3A_228 = arith.constant 5 : i32
    %dma_start3A_229 = arith.constant 0 : i32
    %dma_start3A_230 = arith.constant 0 : i32
    %dma_start3A_231 = tpu.memref_slice %arg6[%dma_start3A_227, %dma_start3A_229, %dma_start3A_230] : memref<6x128x128xf32, #tpu.memory_space<vmem>> -> memref<1x128x128xf32, #tpu.memory_space<vmem>>
    %dma_start3A_232 = tpu.memref_squeeze %dma_start3A_231 : memref<1x128x128xf32, #tpu.memory_space<vmem>> -> memref<128x128xf32, #tpu.memory_space<vmem>>
    %dma_start3A_233 = arith.constant 0 : i32
    %dma_start3A_234 = tpu.memref_slice %arg5[%dma_start3A_225, %dma_start3A_226, %dma_start3A_233] : memref<3x8x128xi32, #tpu.memory_space<vmem>> -> memref<1x1x128xi32, #tpu.memory_space<vmem>>
    %dma_start3A_235 = tpu.memref_squeeze %dma_start3A_234 : memref<1x1x128xi32, #tpu.memory_space<vmem>> -> memref<128xi32, #tpu.memory_space<vmem>>
    %dma_start3A_236 = arith.constant 0 : i32
    %dma_start3A_237 = arith.constant 0 : i32
    %dma_start3A_238 = tpu.memref_slice %arg7[%dma_start3A_236, %dma_start3A_237] : memref<1000x128xf32, #tpu.memory_space<vmem_shared>> -> memref<1000x128xf32, #tpu.memory_space<vmem_shared>>
    %dma_start3A_239 = tpu.memref_slice %arg9[%dma_start3A_228] : memref<6x!tpu.dma_semaphore, #tpu.memory_space<semaphore_mem>> -> memref<1x!tpu.dma_semaphore, #tpu.memory_space<semaphore_mem>>
    %dma_start3A_240 = tpu.memref_squeeze %dma_start3A_239 : memref<1x!tpu.dma_semaphore, #tpu.memory_space<semaphore_mem>> -> memref<!tpu.dma_semaphore, #tpu.memory_space<semaphore_mem>>
    tpu.enqueue_indirect_dma source(%dma_start3A_238 : memref<1000x128xf32, #tpu.memory_space<vmem_shared>>) target(%dma_start3A_232 : memref<128x128xf32, #tpu.memory_space<vmem>>) offsets(%dma_start3A_235 : memref<128xi32, #tpu.memory_space<vmem>>) semaphore(%dma_start3A_240 : memref<!tpu.dma_semaphore, #tpu.memory_space<semaphore_mem>>)
    %dma_wait3A_241 = arith.constant 0 : i32
    %dma_wait3A_242 = arith.constant 2 : i32
    %dma_wait3A_243 = arith.constant 2 : i32
    %dma_wait3A_244 = arith.constant 2 : i32
    %dma_wait3A_245 = arith.constant 0 : i32
    %dma_wait3A_246 = arith.constant 0 : i32
    %dma_wait3A_247 = tpu.memref_slice %arg6[%dma_wait3A_243, %dma_wait3A_245, %dma_wait3A_246] : memref<6x128x128xf32, #tpu.memory_space<vmem>> -> memref<1x128x128xf32, #tpu.memory_space<vmem>>
    %dma_wait3A_248 = tpu.memref_squeeze %dma_wait3A_247 : memref<1x128x128xf32, #tpu.memory_space<vmem>> -> memref<128x128xf32, #tpu.memory_space<vmem>>
    %dma_wait3A_249 = arith.constant 0 : i32
    %dma_wait3A_250 = tpu.memref_slice %arg5[%dma_wait3A_241, %dma_wait3A_242, %dma_wait3A_249] : memref<3x8x128xi32, #tpu.memory_space<vmem>> -> memref<1x1x128xi32, #tpu.memory_space<vmem>>
    %dma_wait3A_251 = tpu.memref_squeeze %dma_wait3A_250 : memref<1x1x128xi32, #tpu.memory_space<vmem>> -> memref<128xi32, #tpu.memory_space<vmem>>
    %dma_wait3A_252 = arith.constant 0 : i32
    %dma_wait3A_253 = arith.constant 0 : i32
    %dma_wait3A_254 = tpu.memref_slice %arg7[%dma_wait3A_252, %dma_wait3A_253] : memref<1000x128xf32, #tpu.memory_space<vmem_shared>> -> memref<1000x128xf32, #tpu.memory_space<vmem_shared>>
    %dma_wait3A_255 = tpu.memref_slice %arg9[%dma_wait3A_244] : memref<6x!tpu.dma_semaphore, #tpu.memory_space<semaphore_mem>> -> memref<1x!tpu.dma_semaphore, #tpu.memory_space<semaphore_mem>>
    %dma_wait3A_256 = tpu.memref_squeeze %dma_wait3A_255 : memref<1x!tpu.dma_semaphore, #tpu.memory_space<semaphore_mem>> -> memref<!tpu.dma_semaphore, #tpu.memory_space<semaphore_mem>>
    tpu.wait_indirect_dma semaphore(%dma_wait3A_256 : memref<!tpu.dma_semaphore, #tpu.memory_space<semaphore_mem>>) src(%dma_wait3A_254 : memref<1000x128xf32, #tpu.memory_space<vmem_shared>>) dst(%dma_wait3A_248 : memref<128x128xf32, #tpu.memory_space<vmem>>)
    %add3A_257 = arith.constant 256 : i32
    %add3A_258 = arith.addi %mul3A_2, %add3A_257 : i32
    %dma_start3A_259 = arith.constant 2 : i32
    %dma_start3A_260 = arith.constant 2 : i32
    %dma_start3A_261 = arith.constant 0 : i32
    %dma_start3A_262 = arith.constant 0 : i32
    %dma_start3A_263 = tpu.memref_slice %arg6[%dma_start3A_259, %dma_start3A_261, %dma_start3A_262] : memref<6x128x128xf32, #tpu.memory_space<vmem>> -> memref<1x128x128xf32, #tpu.memory_space<vmem>>
    %dma_start3A_264 = tpu.memref_squeeze %dma_start3A_263 : memref<1x128x128xf32, #tpu.memory_space<vmem>> -> memref<128x128xf32, #tpu.memory_space<vmem>>
    %dma_start3A_265 = arith.constant 0 : i32
    %dma_start3A_266 = tpu.memref_slice %arg4[%add3A_258, %dma_start3A_265] : memref<3276800x128xf32, #tpu.memory_space<hbm>> -> memref<128x128xf32, #tpu.memory_space<hbm>>
    %dma_start3A_267 = tpu.memref_slice %arg10[%dma_start3A_260] : memref<6x!tpu.dma_semaphore, #tpu.memory_space<semaphore_mem>> -> memref<1x!tpu.dma_semaphore, #tpu.memory_space<semaphore_mem>>
    %dma_start3A_268 = tpu.memref_squeeze %dma_start3A_267 : memref<1x!tpu.dma_semaphore, #tpu.memory_space<semaphore_mem>> -> memref<!tpu.dma_semaphore, #tpu.memory_space<semaphore_mem>>
    %dma_start3A_269 = arith.constant 0 : i32
    %dma_start3A_270 = tpu.memref_slice %arg4[%add3A_258, %dma_start3A_269] : memref<3276800x128xf32, #tpu.memory_space<hbm>> -> memref<128x128xf32, #tpu.memory_space<hbm>>
    %dma_start3A_271 = arith.constant 0 : i32
    %dma_start3A_272 = arith.constant 0 : i32
    %dma_start3A_273 = tpu.memref_slice %arg6[%dma_start3A_259, %dma_start3A_271, %dma_start3A_272] : memref<6x128x128xf32, #tpu.memory_space<vmem>> -> memref<1x128x128xf32, #tpu.memory_space<vmem>>
    %dma_start3A_274 = tpu.memref_squeeze %dma_start3A_273 : memref<1x128x128xf32, #tpu.memory_space<vmem>> -> memref<128x128xf32, #tpu.memory_space<vmem>>
    tpu.enqueue_dma source(%dma_start3A_274 : memref<128x128xf32, #tpu.memory_space<vmem>>) target(%dma_start3A_270 : memref<128x128xf32, #tpu.memory_space<hbm>>) target_semaphore(%dma_start3A_268 : memref<!tpu.dma_semaphore, #tpu.memory_space<semaphore_mem>>)
    %add3A_275 = arith.constant 0 : i32
    %add3A_276 = arith.addi %mul3A_2, %add3A_275 : i32
    %dma_wait3A_277 = arith.constant 0 : i32
    %dma_wait3A_278 = arith.constant 0 : i32
    %dma_wait3A_279 = arith.constant 0 : i32
    %dma_wait3A_280 = arith.constant 0 : i32
    %dma_wait3A_281 = tpu.memref_slice %arg6[%dma_wait3A_277, %dma_wait3A_279, %dma_wait3A_280] : memref<6x128x128xf32, #tpu.memory_space<vmem>> -> memref<1x128x128xf32, #tpu.memory_space<vmem>>
    %dma_wait3A_282 = tpu.memref_squeeze %dma_wait3A_281 : memref<1x128x128xf32, #tpu.memory_space<vmem>> -> memref<128x128xf32, #tpu.memory_space<vmem>>
    %dma_wait3A_283 = arith.constant 0 : i32
    %dma_wait3A_284 = tpu.memref_slice %arg4[%add3A_276, %dma_wait3A_283] : memref<3276800x128xf32, #tpu.memory_space<hbm>> -> memref<128x128xf32, #tpu.memory_space<hbm>>
    %dma_wait3A_285 = tpu.memref_slice %arg10[%dma_wait3A_278] : memref<6x!tpu.dma_semaphore, #tpu.memory_space<semaphore_mem>> -> memref<1x!tpu.dma_semaphore, #tpu.memory_space<semaphore_mem>>
    %dma_wait3A_286 = tpu.memref_squeeze %dma_wait3A_285 : memref<1x!tpu.dma_semaphore, #tpu.memory_space<semaphore_mem>> -> memref<!tpu.dma_semaphore, #tpu.memory_space<semaphore_mem>>
    %dma_wait3A_287 = arith.constant 0 : i32
    %dma_wait3A_288 = tpu.memref_slice %arg4[%add3A_276, %dma_wait3A_287] : memref<3276800x128xf32, #tpu.memory_space<hbm>> -> memref<128x128xf32, #tpu.memory_space<hbm>>
    %dma_wait3A_289 = arith.constant 0 : i32
    %dma_wait3A_290 = arith.constant 0 : i32
    %dma_wait3A_291 = tpu.memref_slice %arg6[%dma_wait3A_277, %dma_wait3A_289, %dma_wait3A_290] : memref<6x128x128xf32, #tpu.memory_space<vmem>> -> memref<1x128x128xf32, #tpu.memory_space<vmem>>
    %dma_wait3A_292 = tpu.memref_squeeze %dma_wait3A_291 : memref<1x128x128xf32, #tpu.memory_space<vmem>> -> memref<128x128xf32, #tpu.memory_space<vmem>>
    tpu.wait_dma2 semaphore(%dma_wait3A_286 : memref<!tpu.dma_semaphore, #tpu.memory_space<semaphore_mem>>) src(%dma_wait3A_292 : memref<128x128xf32, #tpu.memory_space<vmem>>) dst(%dma_wait3A_288 : memref<128x128xf32, #tpu.memory_space<hbm>>)
    %dma_start3A_293 = arith.constant 0 : i32
    %dma_start3A_294 = arith.constant 6 : i32
    %dma_start3A_295 = arith.constant 0 : i32
    %dma_start3A_296 = arith.constant 0 : i32
    %dma_start3A_297 = arith.constant 0 : i32
    %dma_start3A_298 = arith.constant 0 : i32
    %dma_start3A_299 = tpu.memref_slice %arg6[%dma_start3A_295, %dma_start3A_297, %dma_start3A_298] : memref<6x128x128xf32, #tpu.memory_space<vmem>> -> memref<1x128x128xf32, #tpu.memory_space<vmem>>
    %dma_start3A_300 = tpu.memref_squeeze %dma_start3A_299 : memref<1x128x128xf32, #tpu.memory_space<vmem>> -> memref<128x128xf32, #tpu.memory_space<vmem>>
    %dma_start3A_301 = arith.constant 0 : i32
    %dma_start3A_302 = tpu.memref_slice %arg5[%dma_start3A_293, %dma_start3A_294, %dma_start3A_301] : memref<3x8x128xi32, #tpu.memory_space<vmem>> -> memref<1x1x128xi32, #tpu.memory_space<vmem>>
    %dma_start3A_303 = tpu.memref_squeeze %dma_start3A_302 : memref<1x1x128xi32, #tpu.memory_space<vmem>> -> memref<128xi32, #tpu.memory_space<vmem>>
    %dma_start3A_304 = arith.constant 0 : i32
    %dma_start3A_305 = arith.constant 0 : i32
    %dma_start3A_306 = tpu.memref_slice %arg7[%dma_start3A_304, %dma_start3A_305] : memref<1000x128xf32, #tpu.memory_space<vmem_shared>> -> memref<1000x128xf32, #tpu.memory_space<vmem_shared>>
    %dma_start3A_307 = tpu.memref_slice %arg9[%dma_start3A_296] : memref<6x!tpu.dma_semaphore, #tpu.memory_space<semaphore_mem>> -> memref<1x!tpu.dma_semaphore, #tpu.memory_space<semaphore_mem>>
    %dma_start3A_308 = tpu.memref_squeeze %dma_start3A_307 : memref<1x!tpu.dma_semaphore, #tpu.memory_space<semaphore_mem>> -> memref<!tpu.dma_semaphore, #tpu.memory_space<semaphore_mem>>
    tpu.enqueue_indirect_dma source(%dma_start3A_306 : memref<1000x128xf32, #tpu.memory_space<vmem_shared>>) target(%dma_start3A_300 : memref<128x128xf32, #tpu.memory_space<vmem>>) offsets(%dma_start3A_303 : memref<128xi32, #tpu.memory_space<vmem>>) semaphore(%dma_start3A_308 : memref<!tpu.dma_semaphore, #tpu.memory_space<semaphore_mem>>)
    %dma_wait3A_309 = arith.constant 0 : i32
    %dma_wait3A_310 = arith.constant 3 : i32
    %dma_wait3A_311 = arith.constant 3 : i32
    %dma_wait3A_312 = arith.constant 3 : i32
    %dma_wait3A_313 = arith.constant 0 : i32
    %dma_wait3A_314 = arith.constant 0 : i32
    %dma_wait3A_315 = tpu.memref_slice %arg6[%dma_wait3A_311, %dma_wait3A_313, %dma_wait3A_314] : memref<6x128x128xf32, #tpu.memory_space<vmem>> -> memref<1x128x128xf32, #tpu.memory_space<vmem>>
    %dma_wait3A_316 = tpu.memref_squeeze %dma_wait3A_315 : memref<1x128x128xf32, #tpu.memory_space<vmem>> -> memref<128x128xf32, #tpu.memory_space<vmem>>
    %dma_wait3A_317 = arith.constant 0 : i32
    %dma_wait3A_318 = tpu.memref_slice %arg5[%dma_wait3A_309, %dma_wait3A_310, %dma_wait3A_317] : memref<3x8x128xi32, #tpu.memory_space<vmem>> -> memref<1x1x128xi32, #tpu.memory_space<vmem>>
    %dma_wait3A_319 = tpu.memref_squeeze %dma_wait3A_318 : memref<1x1x128xi32, #tpu.memory_space<vmem>> -> memref<128xi32, #tpu.memory_space<vmem>>
    %dma_wait3A_320 = arith.constant 0 : i32
    %dma_wait3A_321 = arith.constant 0 : i32
    %dma_wait3A_322 = tpu.memref_slice %arg7[%dma_wait3A_320, %dma_wait3A_321] : memref<1000x128xf32, #tpu.memory_space<vmem_shared>> -> memref<1000x128xf32, #tpu.memory_space<vmem_shared>>
    %dma_wait3A_323 = tpu.memref_slice %arg9[%dma_wait3A_312] : memref<6x!tpu.dma_semaphore, #tpu.memory_space<semaphore_mem>> -> memref<1x!tpu.dma_semaphore, #tpu.memory_space<semaphore_mem>>
    %dma_wait3A_324 = tpu.memref_squeeze %dma_wait3A_323 : memref<1x!tpu.dma_semaphore, #tpu.memory_space<semaphore_mem>> -> memref<!tpu.dma_semaphore, #tpu.memory_space<semaphore_mem>>
    tpu.wait_indirect_dma semaphore(%dma_wait3A_324 : memref<!tpu.dma_semaphore, #tpu.memory_space<semaphore_mem>>) src(%dma_wait3A_322 : memref<1000x128xf32, #tpu.memory_space<vmem_shared>>) dst(%dma_wait3A_316 : memref<128x128xf32, #tpu.memory_space<vmem>>)
    %add3A_325 = arith.constant 384 : i32
    %add3A_326 = arith.addi %mul3A_2, %add3A_325 : i32
    %dma_start3A_327 = arith.constant 3 : i32
    %dma_start3A_328 = arith.constant 3 : i32
    %dma_start3A_329 = arith.constant 0 : i32
    %dma_start3A_330 = arith.constant 0 : i32
    %dma_start3A_331 = tpu.memref_slice %arg6[%dma_start3A_327, %dma_start3A_329, %dma_start3A_330] : memref<6x128x128xf32, #tpu.memory_space<vmem>> -> memref<1x128x128xf32, #tpu.memory_space<vmem>>
    %dma_start3A_332 = tpu.memref_squeeze %dma_start3A_331 : memref<1x128x128xf32, #tpu.memory_space<vmem>> -> memref<128x128xf32, #tpu.memory_space<vmem>>
    %dma_start3A_333 = arith.constant 0 : i32
    %dma_start3A_334 = tpu.memref_slice %arg4[%add3A_326, %dma_start3A_333] : memref<3276800x128xf32, #tpu.memory_space<hbm>> -> memref<128x128xf32, #tpu.memory_space<hbm>>
    %dma_start3A_335 = tpu.memref_slice %arg10[%dma_start3A_328] : memref<6x!tpu.dma_semaphore, #tpu.memory_space<semaphore_mem>> -> memref<1x!tpu.dma_semaphore, #tpu.memory_space<semaphore_mem>>
    %dma_start3A_336 = tpu.memref_squeeze %dma_start3A_335 : memref<1x!tpu.dma_semaphore, #tpu.memory_space<semaphore_mem>> -> memref<!tpu.dma_semaphore, #tpu.memory_space<semaphore_mem>>
    %dma_start3A_337 = arith.constant 0 : i32
    %dma_start3A_338 = tpu.memref_slice %arg4[%add3A_326, %dma_start3A_337] : memref<3276800x128xf32, #tpu.memory_space<hbm>> -> memref<128x128xf32, #tpu.memory_space<hbm>>
    %dma_start3A_339 = arith.constant 0 : i32
    %dma_start3A_340 = arith.constant 0 : i32
    %dma_start3A_341 = tpu.memref_slice %arg6[%dma_start3A_327, %dma_start3A_339, %dma_start3A_340] : memref<6x128x128xf32, #tpu.memory_space<vmem>> -> memref<1x128x128xf32, #tpu.memory_space<vmem>>
    %dma_start3A_342 = tpu.memref_squeeze %dma_start3A_341 : memref<1x128x128xf32, #tpu.memory_space<vmem>> -> memref<128x128xf32, #tpu.memory_space<vmem>>
    tpu.enqueue_dma source(%dma_start3A_342 : memref<128x128xf32, #tpu.memory_space<vmem>>) target(%dma_start3A_338 : memref<128x128xf32, #tpu.memory_space<hbm>>) target_semaphore(%dma_start3A_336 : memref<!tpu.dma_semaphore, #tpu.memory_space<semaphore_mem>>)
    %add3A_343 = arith.constant 128 : i32
    %add3A_344 = arith.addi %mul3A_2, %add3A_343 : i32
    %dma_wait3A_345 = arith.constant 1 : i32
    %dma_wait3A_346 = arith.constant 1 : i32
    %dma_wait3A_347 = arith.constant 0 : i32
    %dma_wait3A_348 = arith.constant 0 : i32
    %dma_wait3A_349 = tpu.memref_slice %arg6[%dma_wait3A_345, %dma_wait3A_347, %dma_wait3A_348] : memref<6x128x128xf32, #tpu.memory_space<vmem>> -> memref<1x128x128xf32, #tpu.memory_space<vmem>>
    %dma_wait3A_350 = tpu.memref_squeeze %dma_wait3A_349 : memref<1x128x128xf32, #tpu.memory_space<vmem>> -> memref<128x128xf32, #tpu.memory_space<vmem>>
    %dma_wait3A_351 = arith.constant 0 : i32
    %dma_wait3A_352 = tpu.memref_slice %arg4[%add3A_344, %dma_wait3A_351] : memref<3276800x128xf32, #tpu.memory_space<hbm>> -> memref<128x128xf32, #tpu.memory_space<hbm>>
    %dma_wait3A_353 = tpu.memref_slice %arg10[%dma_wait3A_346] : memref<6x!tpu.dma_semaphore, #tpu.memory_space<semaphore_mem>> -> memref<1x!tpu.dma_semaphore, #tpu.memory_space<semaphore_mem>>
    %dma_wait3A_354 = tpu.memref_squeeze %dma_wait3A_353 : memref<1x!tpu.dma_semaphore, #tpu.memory_space<semaphore_mem>> -> memref<!tpu.dma_semaphore, #tpu.memory_space<semaphore_mem>>
    %dma_wait3A_355 = arith.constant 0 : i32
    %dma_wait3A_356 = tpu.memref_slice %arg4[%add3A_344, %dma_wait3A_355] : memref<3276800x128xf32, #tpu.memory_space<hbm>> -> memref<128x128xf32, #tpu.memory_space<hbm>>
    %dma_wait3A_357 = arith.constant 0 : i32
    %dma_wait3A_358 = arith.constant 0 : i32
    %dma_wait3A_359 = tpu.memref_slice %arg6[%dma_wait3A_345, %dma_wait3A_357, %dma_wait3A_358] : memref<6x128x128xf32, #tpu.memory_space<vmem>> -> memref<1x128x128xf32, #tpu.memory_space<vmem>>
    %dma_wait3A_360 = tpu.memref_squeeze %dma_wait3A_359 : memref<1x128x128xf32, #tpu.memory_space<vmem>> -> memref<128x128xf32, #tpu.memory_space<vmem>>
    tpu.wait_dma2 semaphore(%dma_wait3A_354 : memref<!tpu.dma_semaphore, #tpu.memory_space<semaphore_mem>>) src(%dma_wait3A_360 : memref<128x128xf32, #tpu.memory_space<vmem>>) dst(%dma_wait3A_356 : memref<128x128xf32, #tpu.memory_space<hbm>>)
    %dma_start3A_361 = arith.constant 0 : i32
    %dma_start3A_362 = arith.constant 7 : i32
    %dma_start3A_363 = arith.constant 1 : i32
    %dma_start3A_364 = arith.constant 1 : i32
    %dma_start3A_365 = arith.constant 0 : i32
    %dma_start3A_366 = arith.constant 0 : i32
    %dma_start3A_367 = tpu.memref_slice %arg6[%dma_start3A_363, %dma_start3A_365, %dma_start3A_366] : memref<6x128x128xf32, #tpu.memory_space<vmem>> -> memref<1x128x128xf32, #tpu.memory_space<vmem>>
    %dma_start3A_368 = tpu.memref_squeeze %dma_start3A_367 : memref<1x128x128xf32, #tpu.memory_space<vmem>> -> memref<128x128xf32, #tpu.memory_space<vmem>>
    %dma_start3A_369 = arith.constant 0 : i32
    %dma_start3A_370 = tpu.memref_slice %arg5[%dma_start3A_361, %dma_start3A_362, %dma_start3A_369] : memref<3x8x128xi32, #tpu.memory_space<vmem>> -> memref<1x1x128xi32, #tpu.memory_space<vmem>>
    %dma_start3A_371 = tpu.memref_squeeze %dma_start3A_370 : memref<1x1x128xi32, #tpu.memory_space<vmem>> -> memref<128xi32, #tpu.memory_space<vmem>>
    %dma_start3A_372 = arith.constant 0 : i32
    %dma_start3A_373 = arith.constant 0 : i32
    %dma_start3A_374 = tpu.memref_slice %arg7[%dma_start3A_372, %dma_start3A_373] : memref<1000x128xf32, #tpu.memory_space<vmem_shared>> -> memref<1000x128xf32, #tpu.memory_space<vmem_shared>>
    %dma_start3A_375 = tpu.memref_slice %arg9[%dma_start3A_364] : memref<6x!tpu.dma_semaphore, #tpu.memory_space<semaphore_mem>> -> memref<1x!tpu.dma_semaphore, #tpu.memory_space<semaphore_mem>>
    %dma_start3A_376 = tpu.memref_squeeze %dma_start3A_375 : memref<1x!tpu.dma_semaphore, #tpu.memory_space<semaphore_mem>> -> memref<!tpu.dma_semaphore, #tpu.memory_space<semaphore_mem>>
    tpu.enqueue_indirect_dma source(%dma_start3A_374 : memref<1000x128xf32, #tpu.memory_space<vmem_shared>>) target(%dma_start3A_368 : memref<128x128xf32, #tpu.memory_space<vmem>>) offsets(%dma_start3A_371 : memref<128xi32, #tpu.memory_space<vmem>>) semaphore(%dma_start3A_376 : memref<!tpu.dma_semaphore, #tpu.memory_space<semaphore_mem>>)
    %dma_wait3A_377 = arith.constant 0 : i32
    %dma_wait3A_378 = arith.constant 4 : i32
    %dma_wait3A_379 = arith.constant 4 : i32
    %dma_wait3A_380 = arith.constant 4 : i32
    %dma_wait3A_381 = arith.constant 0 : i32
    %dma_wait3A_382 = arith.constant 0 : i32
    %dma_wait3A_383 = tpu.memref_slice %arg6[%dma_wait3A_379, %dma_wait3A_381, %dma_wait3A_382] : memref<6x128x128xf32, #tpu.memory_space<vmem>> -> memref<1x128x128xf32, #tpu.memory_space<vmem>>
    %dma_wait3A_384 = tpu.memref_squeeze %dma_wait3A_383 : memref<1x128x128xf32, #tpu.memory_space<vmem>> -> memref<128x128xf32, #tpu.memory_space<vmem>>
    %dma_wait3A_385 = arith.constant 0 : i32
    %dma_wait3A_386 = tpu.memref_slice %arg5[%dma_wait3A_377, %dma_wait3A_378, %dma_wait3A_385] : memref<3x8x128xi32, #tpu.memory_space<vmem>> -> memref<1x1x128xi32, #tpu.memory_space<vmem>>
    %dma_wait3A_387 = tpu.memref_squeeze %dma_wait3A_386 : memref<1x1x128xi32, #tpu.memory_space<vmem>> -> memref<128xi32, #tpu.memory_space<vmem>>
    %dma_wait3A_388 = arith.constant 0 : i32
    %dma_wait3A_389 = arith.constant 0 : i32
    %dma_wait3A_390 = tpu.memref_slice %arg7[%dma_wait3A_388, %dma_wait3A_389] : memref<1000x128xf32, #tpu.memory_space<vmem_shared>> -> memref<1000x128xf32, #tpu.memory_space<vmem_shared>>
    %dma_wait3A_391 = tpu.memref_slice %arg9[%dma_wait3A_380] : memref<6x!tpu.dma_semaphore, #tpu.memory_space<semaphore_mem>> -> memref<1x!tpu.dma_semaphore, #tpu.memory_space<semaphore_mem>>
    %dma_wait3A_392 = tpu.memref_squeeze %dma_wait3A_391 : memref<1x!tpu.dma_semaphore, #tpu.memory_space<semaphore_mem>> -> memref<!tpu.dma_semaphore, #tpu.memory_space<semaphore_mem>>
    tpu.wait_indirect_dma semaphore(%dma_wait3A_392 : memref<!tpu.dma_semaphore, #tpu.memory_space<semaphore_mem>>) src(%dma_wait3A_390 : memref<1000x128xf32, #tpu.memory_space<vmem_shared>>) dst(%dma_wait3A_384 : memref<128x128xf32, #tpu.memory_space<vmem>>)
    %add3A_393 = arith.constant 512 : i32
    %add3A_394 = arith.addi %mul3A_2, %add3A_393 : i32
    %dma_start3A_395 = arith.constant 4 : i32
    %dma_start3A_396 = arith.constant 4 : i32
    %dma_start3A_397 = arith.constant 0 : i32
    %dma_start3A_398 = arith.constant 0 : i32
    %dma_start3A_399 = tpu.memref_slice %arg6[%dma_start3A_395, %dma_start3A_397, %dma_start3A_398] : memref<6x128x128xf32, #tpu.memory_space<vmem>> -> memref<1x128x128xf32, #tpu.memory_space<vmem>>
    %dma_start3A_400 = tpu.memref_squeeze %dma_start3A_399 : memref<1x128x128xf32, #tpu.memory_space<vmem>> -> memref<128x128xf32, #tpu.memory_space<vmem>>
    %dma_start3A_401 = arith.constant 0 : i32
    %dma_start3A_402 = tpu.memref_slice %arg4[%add3A_394, %dma_start3A_401] : memref<3276800x128xf32, #tpu.memory_space<hbm>> -> memref<128x128xf32, #tpu.memory_space<hbm>>
    %dma_start3A_403 = tpu.memref_slice %arg10[%dma_start3A_396] : memref<6x!tpu.dma_semaphore, #tpu.memory_space<semaphore_mem>> -> memref<1x!tpu.dma_semaphore, #tpu.memory_space<semaphore_mem>>
    %dma_start3A_404 = tpu.memref_squeeze %dma_start3A_403 : memref<1x!tpu.dma_semaphore, #tpu.memory_space<semaphore_mem>> -> memref<!tpu.dma_semaphore, #tpu.memory_space<semaphore_mem>>
    %dma_start3A_405 = arith.constant 0 : i32
    %dma_start3A_406 = tpu.memref_slice %arg4[%add3A_394, %dma_start3A_405] : memref<3276800x128xf32, #tpu.memory_space<hbm>> -> memref<128x128xf32, #tpu.memory_space<hbm>>
    %dma_start3A_407 = arith.constant 0 : i32
    %dma_start3A_408 = arith.constant 0 : i32
    %dma_start3A_409 = tpu.memref_slice %arg6[%dma_start3A_395, %dma_start3A_407, %dma_start3A_408] : memref<6x128x128xf32, #tpu.memory_space<vmem>> -> memref<1x128x128xf32, #tpu.memory_space<vmem>>
    %dma_start3A_410 = tpu.memref_squeeze %dma_start3A_409 : memref<1x128x128xf32, #tpu.memory_space<vmem>> -> memref<128x128xf32, #tpu.memory_space<vmem>>
    tpu.enqueue_dma source(%dma_start3A_410 : memref<128x128xf32, #tpu.memory_space<vmem>>) target(%dma_start3A_406 : memref<128x128xf32, #tpu.memory_space<hbm>>) target_semaphore(%dma_start3A_404 : memref<!tpu.dma_semaphore, #tpu.memory_space<semaphore_mem>>)
    %scan3A = arith.constant 0 : i32
    %scan3A_411 = arith.constant 1 : i32
    %scan3A_412 = arith.constant 99 : i32
    %scan3A_413 = arith.addi %scan3A_411, %scan3A_412 : i32
    %scan3A_414 = arith.constant 1 : i32
    scf.for %scan3A_626 = %scan3A_411 to %scan3A_413 step %scan3A_414  : i32 {
      %jit3A = arith.constant 3 : i32
      %eq3A_627 = arith.constant 0 : i32
      %eq3A_628 = arith.cmpi eq, %jit3A, %eq3A_627 : i32
      %jit3A_629 = arith.constant 1 : i32
      %select_n3A = arith.select %eq3A_628, %jit3A_629, %jit3A : i32
      %rem3A = arith.remsi %scan3A_626, %select_n3A : i32
      %ne3A = arith.constant 0 : i32
      %ne3A_630 = arith.cmpi ne, %rem3A, %ne3A : i32
      %lt3A = arith.constant 0 : i32
      %lt3A_631 = arith.cmpi slt, %rem3A, %lt3A : i32
      %lt3A_632 = arith.constant 0 : i32
      %lt3A_633 = arith.cmpi slt, %select_n3A, %lt3A_632 : i32
      %ne3A_634 = arith.xori %lt3A_631, %lt3A_633 : i1
      %and3A = arith.andi %ne3A_634, %ne3A_630 : i1
      %add3A_635 = arith.addi %rem3A, %select_n3A : i32
      %select_n3A_636 = arith.select %and3A, %add3A_635, %rem3A : i32
      %mul3A_637 = arith.constant 8 : i32
      %mul3A_638 = arith.muli %scan3A_626, %mul3A_637 : i32
      %add3A_639 = arith.addi %mul3A_4, %mul3A_638 : i32
      %dma_wait3A_640 = arith.constant 0 : i32
      %dma_wait3A_641 = arith.constant 0 : i32
      %dma_wait3A_642 = tpu.memref_slice %arg5[%select_n3A_636, %dma_wait3A_640, %dma_wait3A_641] : memref<3x8x128xi32, #tpu.memory_space<vmem>> -> memref<1x8x128xi32, #tpu.memory_space<vmem>>
      %dma_wait3A_643 = tpu.memref_squeeze %dma_wait3A_642 : memref<1x8x128xi32, #tpu.memory_space<vmem>> -> memref<8x128xi32, #tpu.memory_space<vmem>>
      %dma_wait3A_644 = arith.constant 0 : i32
      %dma_wait3A_645 = tpu.memref_slice %arg3[%add3A_639, %dma_wait3A_644] : memref<25600x128xi32, #tpu.memory_space<hbm>> -> memref<8x128xi32, #tpu.memory_space<hbm>>
      %dma_wait3A_646 = tpu.memref_slice %arg8[%select_n3A_636] : memref<3x!tpu.dma_semaphore, #tpu.memory_space<semaphore_mem>> -> memref<1x!tpu.dma_semaphore, #tpu.memory_space<semaphore_mem>>
      %dma_wait3A_647 = tpu.memref_squeeze %dma_wait3A_646 : memref<1x!tpu.dma_semaphore, #tpu.memory_space<semaphore_mem>> -> memref<!tpu.dma_semaphore, #tpu.memory_space<semaphore_mem>>
      %dma_wait3A_648 = arith.constant 0 : i32
      %dma_wait3A_649 = arith.constant 0 : i32
      %dma_wait3A_650 = tpu.memref_slice %arg5[%select_n3A_636, %dma_wait3A_648, %dma_wait3A_649] : memref<3x8x128xi32, #tpu.memory_space<vmem>> -> memref<1x8x128xi32, #tpu.memory_space<vmem>>
      %dma_wait3A_651 = tpu.memref_squeeze %dma_wait3A_650 : memref<1x8x128xi32, #tpu.memory_space<vmem>> -> memref<8x128xi32, #tpu.memory_space<vmem>>
      %dma_wait3A_652 = arith.constant 0 : i32
      %dma_wait3A_653 = tpu.memref_slice %arg3[%add3A_639, %dma_wait3A_652] : memref<25600x128xi32, #tpu.memory_space<hbm>> -> memref<8x128xi32, #tpu.memory_space<hbm>>
      tpu.wait_dma2 semaphore(%dma_wait3A_647 : memref<!tpu.dma_semaphore, #tpu.memory_space<semaphore_mem>>) src(%dma_wait3A_653 : memref<8x128xi32, #tpu.memory_space<hbm>>) dst(%dma_wait3A_651 : memref<8x128xi32, #tpu.memory_space<vmem>>)
      %mul3A_654 = arith.constant 8 : i32
      %mul3A_655 = arith.muli %scan3A_626, %mul3A_654 : i32
      %add3A_656 = arith.constant 0 : i32
      %add3A_657 = arith.addi %mul3A_655, %add3A_656 : i32
      %rem3A_658 = arith.constant 6 : i32
      %rem3A_659 = arith.remsi %add3A_657, %rem3A_658 : i32
      %sub3A = arith.constant 6 : i32
      %sub3A_660 = arith.subi %add3A_657, %sub3A : i32
      %mul3A_661 = arith.constant 128 : i32
      %mul3A_662 = arith.muli %sub3A_660, %mul3A_661 : i32
      %add3A_663 = arith.addi %mul3A_2, %mul3A_662 : i32
      %dma_wait3A_664 = arith.constant 0 : i32
      %dma_wait3A_665 = arith.constant 0 : i32
      %dma_wait3A_666 = tpu.memref_slice %arg6[%rem3A_659, %dma_wait3A_664, %dma_wait3A_665] : memref<6x128x128xf32, #tpu.memory_space<vmem>> -> memref<1x128x128xf32, #tpu.memory_space<vmem>>
      %dma_wait3A_667 = tpu.memref_squeeze %dma_wait3A_666 : memref<1x128x128xf32, #tpu.memory_space<vmem>> -> memref<128x128xf32, #tpu.memory_space<vmem>>
      %dma_wait3A_668 = arith.constant 0 : i32
      %dma_wait3A_669 = tpu.memref_slice %arg4[%add3A_663, %dma_wait3A_668] : memref<3276800x128xf32, #tpu.memory_space<hbm>> -> memref<128x128xf32, #tpu.memory_space<hbm>>
      %dma_wait3A_670 = tpu.memref_slice %arg10[%rem3A_659] : memref<6x!tpu.dma_semaphore, #tpu.memory_space<semaphore_mem>> -> memref<1x!tpu.dma_semaphore, #tpu.memory_space<semaphore_mem>>
      %dma_wait3A_671 = tpu.memref_squeeze %dma_wait3A_670 : memref<1x!tpu.dma_semaphore, #tpu.memory_space<semaphore_mem>> -> memref<!tpu.dma_semaphore, #tpu.memory_space<semaphore_mem>>
      %dma_wait3A_672 = arith.constant 0 : i32
      %dma_wait3A_673 = tpu.memref_slice %arg4[%add3A_663, %dma_wait3A_672] : memref<3276800x128xf32, #tpu.memory_space<hbm>> -> memref<128x128xf32, #tpu.memory_space<hbm>>
      %dma_wait3A_674 = arith.constant 0 : i32
      %dma_wait3A_675 = arith.constant 0 : i32
      %dma_wait3A_676 = tpu.memref_slice %arg6[%rem3A_659, %dma_wait3A_674, %dma_wait3A_675] : memref<6x128x128xf32, #tpu.memory_space<vmem>> -> memref<1x128x128xf32, #tpu.memory_space<vmem>>
      %dma_wait3A_677 = tpu.memref_squeeze %dma_wait3A_676 : memref<1x128x128xf32, #tpu.memory_space<vmem>> -> memref<128x128xf32, #tpu.memory_space<vmem>>
      tpu.wait_dma2 semaphore(%dma_wait3A_671 : memref<!tpu.dma_semaphore, #tpu.memory_space<semaphore_mem>>) src(%dma_wait3A_677 : memref<128x128xf32, #tpu.memory_space<vmem>>) dst(%dma_wait3A_673 : memref<128x128xf32, #tpu.memory_space<hbm>>)
      %dma_start3A_678 = arith.constant 0 : i32
      %dma_start3A_679 = arith.constant 0 : i32
      %dma_start3A_680 = arith.constant 0 : i32
      %dma_start3A_681 = tpu.memref_slice %arg6[%rem3A_659, %dma_start3A_679, %dma_start3A_680] : memref<6x128x128xf32, #tpu.memory_space<vmem>> -> memref<1x128x128xf32, #tpu.memory_space<vmem>>
      %dma_start3A_682 = tpu.memref_squeeze %dma_start3A_681 : memref<1x128x128xf32, #tpu.memory_space<vmem>> -> memref<128x128xf32, #tpu.memory_space<vmem>>
      %dma_start3A_683 = arith.constant 0 : i32
      %dma_start3A_684 = tpu.memref_slice %arg5[%select_n3A_636, %dma_start3A_678, %dma_start3A_683] : memref<3x8x128xi32, #tpu.memory_space<vmem>> -> memref<1x1x128xi32, #tpu.memory_space<vmem>>
      %dma_start3A_685 = tpu.memref_squeeze %dma_start3A_684 : memref<1x1x128xi32, #tpu.memory_space<vmem>> -> memref<128xi32, #tpu.memory_space<vmem>>
      %dma_start3A_686 = arith.constant 0 : i32
      %dma_start3A_687 = arith.constant 0 : i32
      %dma_start3A_688 = tpu.memref_slice %arg7[%dma_start3A_686, %dma_start3A_687] : memref<1000x128xf32, #tpu.memory_space<vmem_shared>> -> memref<1000x128xf32, #tpu.memory_space<vmem_shared>>
      %dma_start3A_689 = tpu.memref_slice %arg9[%rem3A_659] : memref<6x!tpu.dma_semaphore, #tpu.memory_space<semaphore_mem>> -> memref<1x!tpu.dma_semaphore, #tpu.memory_space<semaphore_mem>>
      %dma_start3A_690 = tpu.memref_squeeze %dma_start3A_689 : memref<1x!tpu.dma_semaphore, #tpu.memory_space<semaphore_mem>> -> memref<!tpu.dma_semaphore, #tpu.memory_space<semaphore_mem>>
      tpu.enqueue_indirect_dma source(%dma_start3A_688 : memref<1000x128xf32, #tpu.memory_space<vmem_shared>>) target(%dma_start3A_682 : memref<128x128xf32, #tpu.memory_space<vmem>>) offsets(%dma_start3A_685 : memref<128xi32, #tpu.memory_space<vmem>>) semaphore(%dma_start3A_690 : memref<!tpu.dma_semaphore, #tpu.memory_space<semaphore_mem>>)
      %sub3A_691 = arith.constant 3 : i32
      %sub3A_692 = arith.subi %add3A_657, %sub3A_691 : i32
      %rem3A_693 = arith.constant 6 : i32
      %rem3A_694 = arith.remsi %sub3A_692, %rem3A_693 : i32
      %dma_wait3A_695 = arith.constant 0 : i32
      %dma_wait3A_696 = arith.constant 0 : i32
      %dma_wait3A_697 = arith.constant 0 : i32
      %dma_wait3A_698 = tpu.memref_slice %arg6[%rem3A_694, %dma_wait3A_696, %dma_wait3A_697] : memref<6x128x128xf32, #tpu.memory_space<vmem>> -> memref<1x128x128xf32, #tpu.memory_space<vmem>>
      %dma_wait3A_699 = tpu.memref_squeeze %dma_wait3A_698 : memref<1x128x128xf32, #tpu.memory_space<vmem>> -> memref<128x128xf32, #tpu.memory_space<vmem>>
      %dma_wait3A_700 = arith.constant 0 : i32
      %dma_wait3A_701 = tpu.memref_slice %arg5[%select_n3A_636, %dma_wait3A_695, %dma_wait3A_700] : memref<3x8x128xi32, #tpu.memory_space<vmem>> -> memref<1x1x128xi32, #tpu.memory_space<vmem>>
      %dma_wait3A_702 = tpu.memref_squeeze %dma_wait3A_701 : memref<1x1x128xi32, #tpu.memory_space<vmem>> -> memref<128xi32, #tpu.memory_space<vmem>>
      %dma_wait3A_703 = arith.constant 0 : i32
      %dma_wait3A_704 = arith.constant 0 : i32
      %dma_wait3A_705 = tpu.memref_slice %arg7[%dma_wait3A_703, %dma_wait3A_704] : memref<1000x128xf32, #tpu.memory_space<vmem_shared>> -> memref<1000x128xf32, #tpu.memory_space<vmem_shared>>
      %dma_wait3A_706 = tpu.memref_slice %arg9[%rem3A_694] : memref<6x!tpu.dma_semaphore, #tpu.memory_space<semaphore_mem>> -> memref<1x!tpu.dma_semaphore, #tpu.memory_space<semaphore_mem>>
      %dma_wait3A_707 = tpu.memref_squeeze %dma_wait3A_706 : memref<1x!tpu.dma_semaphore, #tpu.memory_space<semaphore_mem>> -> memref<!tpu.dma_semaphore, #tpu.memory_space<semaphore_mem>>
      tpu.wait_indirect_dma semaphore(%dma_wait3A_707 : memref<!tpu.dma_semaphore, #tpu.memory_space<semaphore_mem>>) src(%dma_wait3A_705 : memref<1000x128xf32, #tpu.memory_space<vmem_shared>>) dst(%dma_wait3A_699 : memref<128x128xf32, #tpu.memory_space<vmem>>)
      %sub3A_708 = arith.constant 3 : i32
      %sub3A_709 = arith.subi %add3A_657, %sub3A_708 : i32
      %mul3A_710 = arith.constant 128 : i32
      %mul3A_711 = arith.muli %sub3A_709, %mul3A_710 : i32
      %add3A_712 = arith.addi %mul3A_2, %mul3A_711 : i32
      %dma_start3A_713 = arith.constant 0 : i32
      %dma_start3A_714 = arith.constant 0 : i32
      %dma_start3A_715 = tpu.memref_slice %arg6[%rem3A_694, %dma_start3A_713, %dma_start3A_714] : memref<6x128x128xf32, #tpu.memory_space<vmem>> -> memref<1x128x128xf32, #tpu.memory_space<vmem>>
      %dma_start3A_716 = tpu.memref_squeeze %dma_start3A_715 : memref<1x128x128xf32, #tpu.memory_space<vmem>> -> memref<128x128xf32, #tpu.memory_space<vmem>>
      %dma_start3A_717 = arith.constant 0 : i32
      %dma_start3A_718 = tpu.memref_slice %arg4[%add3A_712, %dma_start3A_717] : memref<3276800x128xf32, #tpu.memory_space<hbm>> -> memref<128x128xf32, #tpu.memory_space<hbm>>
      %dma_start3A_719 = tpu.memref_slice %arg10[%rem3A_694] : memref<6x!tpu.dma_semaphore, #tpu.memory_space<semaphore_mem>> -> memref<1x!tpu.dma_semaphore, #tpu.memory_space<semaphore_mem>>
      %dma_start3A_720 = tpu.memref_squeeze %dma_start3A_719 : memref<1x!tpu.dma_semaphore, #tpu.memory_space<semaphore_mem>> -> memref<!tpu.dma_semaphore, #tpu.memory_space<semaphore_mem>>
      %dma_start3A_721 = arith.constant 0 : i32
      %dma_start3A_722 = tpu.memref_slice %arg4[%add3A_712, %dma_start3A_721] : memref<3276800x128xf32, #tpu.memory_space<hbm>> -> memref<128x128xf32, #tpu.memory_space<hbm>>
      %dma_start3A_723 = arith.constant 0 : i32
      %dma_start3A_724 = arith.constant 0 : i32
      %dma_start3A_725 = tpu.memref_slice %arg6[%rem3A_694, %dma_start3A_723, %dma_start3A_724] : memref<6x128x128xf32, #tpu.memory_space<vmem>> -> memref<1x128x128xf32, #tpu.memory_space<vmem>>
      %dma_start3A_726 = tpu.memref_squeeze %dma_start3A_725 : memref<1x128x128xf32, #tpu.memory_space<vmem>> -> memref<128x128xf32, #tpu.memory_space<vmem>>
      tpu.enqueue_dma source(%dma_start3A_726 : memref<128x128xf32, #tpu.memory_space<vmem>>) target(%dma_start3A_722 : memref<128x128xf32, #tpu.memory_space<hbm>>) target_semaphore(%dma_start3A_720 : memref<!tpu.dma_semaphore, #tpu.memory_space<semaphore_mem>>)
      %mul3A_727 = arith.constant 8 : i32
      %mul3A_728 = arith.muli %scan3A_626, %mul3A_727 : i32
      %add3A_729 = arith.constant 1 : i32
      %add3A_730 = arith.addi %mul3A_728, %add3A_729 : i32
      %rem3A_731 = arith.constant 6 : i32
      %rem3A_732 = arith.remsi %add3A_730, %rem3A_731 : i32
      %sub3A_733 = arith.constant 6 : i32
      %sub3A_734 = arith.subi %add3A_730, %sub3A_733 : i32
      %mul3A_735 = arith.constant 128 : i32
      %mul3A_736 = arith.muli %sub3A_734, %mul3A_735 : i32
      %add3A_737 = arith.addi %mul3A_2, %mul3A_736 : i32
      %dma_wait3A_738 = arith.constant 0 : i32
      %dma_wait3A_739 = arith.constant 0 : i32
      %dma_wait3A_740 = tpu.memref_slice %arg6[%rem3A_732, %dma_wait3A_738, %dma_wait3A_739] : memref<6x128x128xf32, #tpu.memory_space<vmem>> -> memref<1x128x128xf32, #tpu.memory_space<vmem>>
      %dma_wait3A_741 = tpu.memref_squeeze %dma_wait3A_740 : memref<1x128x128xf32, #tpu.memory_space<vmem>> -> memref<128x128xf32, #tpu.memory_space<vmem>>
      %dma_wait3A_742 = arith.constant 0 : i32
      %dma_wait3A_743 = tpu.memref_slice %arg4[%add3A_737, %dma_wait3A_742] : memref<3276800x128xf32, #tpu.memory_space<hbm>> -> memref<128x128xf32, #tpu.memory_space<hbm>>
      %dma_wait3A_744 = tpu.memref_slice %arg10[%rem3A_732] : memref<6x!tpu.dma_semaphore, #tpu.memory_space<semaphore_mem>> -> memref<1x!tpu.dma_semaphore, #tpu.memory_space<semaphore_mem>>
      %dma_wait3A_745 = tpu.memref_squeeze %dma_wait3A_744 : memref<1x!tpu.dma_semaphore, #tpu.memory_space<semaphore_mem>> -> memref<!tpu.dma_semaphore, #tpu.memory_space<semaphore_mem>>
      %dma_wait3A_746 = arith.constant 0 : i32
      %dma_wait3A_747 = tpu.memref_slice %arg4[%add3A_737, %dma_wait3A_746] : memref<3276800x128xf32, #tpu.memory_space<hbm>> -> memref<128x128xf32, #tpu.memory_space<hbm>>
      %dma_wait3A_748 = arith.constant 0 : i32
      %dma_wait3A_749 = arith.constant 0 : i32
      %dma_wait3A_750 = tpu.memref_slice %arg6[%rem3A_732, %dma_wait3A_748, %dma_wait3A_749] : memref<6x128x128xf32, #tpu.memory_space<vmem>> -> memref<1x128x128xf32, #tpu.memory_space<vmem>>
      %dma_wait3A_751 = tpu.memref_squeeze %dma_wait3A_750 : memref<1x128x128xf32, #tpu.memory_space<vmem>> -> memref<128x128xf32, #tpu.memory_space<vmem>>
      tpu.wait_dma2 semaphore(%dma_wait3A_745 : memref<!tpu.dma_semaphore, #tpu.memory_space<semaphore_mem>>) src(%dma_wait3A_751 : memref<128x128xf32, #tpu.memory_space<vmem>>) dst(%dma_wait3A_747 : memref<128x128xf32, #tpu.memory_space<hbm>>)
      %dma_start3A_752 = arith.constant 1 : i32
      %dma_start3A_753 = arith.constant 0 : i32
      %dma_start3A_754 = arith.constant 0 : i32
      %dma_start3A_755 = tpu.memref_slice %arg6[%rem3A_732, %dma_start3A_753, %dma_start3A_754] : memref<6x128x128xf32, #tpu.memory_space<vmem>> -> memref<1x128x128xf32, #tpu.memory_space<vmem>>
      %dma_start3A_756 = tpu.memref_squeeze %dma_start3A_755 : memref<1x128x128xf32, #tpu.memory_space<vmem>> -> memref<128x128xf32, #tpu.memory_space<vmem>>
      %dma_start3A_757 = arith.constant 0 : i32
      %dma_start3A_758 = tpu.memref_slice %arg5[%select_n3A_636, %dma_start3A_752, %dma_start3A_757] : memref<3x8x128xi32, #tpu.memory_space<vmem>> -> memref<1x1x128xi32, #tpu.memory_space<vmem>>
      %dma_start3A_759 = tpu.memref_squeeze %dma_start3A_758 : memref<1x1x128xi32, #tpu.memory_space<vmem>> -> memref<128xi32, #tpu.memory_space<vmem>>
      %dma_start3A_760 = arith.constant 0 : i32
      %dma_start3A_761 = arith.constant 0 : i32
      %dma_start3A_762 = tpu.memref_slice %arg7[%dma_start3A_760, %dma_start3A_761] : memref<1000x128xf32, #tpu.memory_space<vmem_shared>> -> memref<1000x128xf32, #tpu.memory_space<vmem_shared>>
      %dma_start3A_763 = tpu.memref_slice %arg9[%rem3A_732] : memref<6x!tpu.dma_semaphore, #tpu.memory_space<semaphore_mem>> -> memref<1x!tpu.dma_semaphore, #tpu.memory_space<semaphore_mem>>
      %dma_start3A_764 = tpu.memref_squeeze %dma_start3A_763 : memref<1x!tpu.dma_semaphore, #tpu.memory_space<semaphore_mem>> -> memref<!tpu.dma_semaphore, #tpu.memory_space<semaphore_mem>>
      tpu.enqueue_indirect_dma source(%dma_start3A_762 : memref<1000x128xf32, #tpu.memory_space<vmem_shared>>) target(%dma_start3A_756 : memref<128x128xf32, #tpu.memory_space<vmem>>) offsets(%dma_start3A_759 : memref<128xi32, #tpu.memory_space<vmem>>) semaphore(%dma_start3A_764 : memref<!tpu.dma_semaphore, #tpu.memory_space<semaphore_mem>>)
      %sub3A_765 = arith.constant 3 : i32
      %sub3A_766 = arith.subi %add3A_730, %sub3A_765 : i32
      %rem3A_767 = arith.constant 6 : i32
      %rem3A_768 = arith.remsi %sub3A_766, %rem3A_767 : i32
      %dma_wait3A_769 = arith.constant 1 : i32
      %dma_wait3A_770 = arith.constant 0 : i32
      %dma_wait3A_771 = arith.constant 0 : i32
      %dma_wait3A_772 = tpu.memref_slice %arg6[%rem3A_768, %dma_wait3A_770, %dma_wait3A_771] : memref<6x128x128xf32, #tpu.memory_space<vmem>> -> memref<1x128x128xf32, #tpu.memory_space<vmem>>
      %dma_wait3A_773 = tpu.memref_squeeze %dma_wait3A_772 : memref<1x128x128xf32, #tpu.memory_space<vmem>> -> memref<128x128xf32, #tpu.memory_space<vmem>>
      %dma_wait3A_774 = arith.constant 0 : i32
      %dma_wait3A_775 = tpu.memref_slice %arg5[%select_n3A_636, %dma_wait3A_769, %dma_wait3A_774] : memref<3x8x128xi32, #tpu.memory_space<vmem>> -> memref<1x1x128xi32, #tpu.memory_space<vmem>>
      %dma_wait3A_776 = tpu.memref_squeeze %dma_wait3A_775 : memref<1x1x128xi32, #tpu.memory_space<vmem>> -> memref<128xi32, #tpu.memory_space<vmem>>
      %dma_wait3A_777 = arith.constant 0 : i32
      %dma_wait3A_778 = arith.constant 0 : i32
      %dma_wait3A_779 = tpu.memref_slice %arg7[%dma_wait3A_777, %dma_wait3A_778] : memref<1000x128xf32, #tpu.memory_space<vmem_shared>> -> memref<1000x128xf32, #tpu.memory_space<vmem_shared>>
      %dma_wait3A_780 = tpu.memref_slice %arg9[%rem3A_768] : memref<6x!tpu.dma_semaphore, #tpu.memory_space<semaphore_mem>> -> memref<1x!tpu.dma_semaphore, #tpu.memory_space<semaphore_mem>>
      %dma_wait3A_781 = tpu.memref_squeeze %dma_wait3A_780 : memref<1x!tpu.dma_semaphore, #tpu.memory_space<semaphore_mem>> -> memref<!tpu.dma_semaphore, #tpu.memory_space<semaphore_mem>>
      tpu.wait_indirect_dma semaphore(%dma_wait3A_781 : memref<!tpu.dma_semaphore, #tpu.memory_space<semaphore_mem>>) src(%dma_wait3A_779 : memref<1000x128xf32, #tpu.memory_space<vmem_shared>>) dst(%dma_wait3A_773 : memref<128x128xf32, #tpu.memory_space<vmem>>)
      %sub3A_782 = arith.constant 3 : i32
      %sub3A_783 = arith.subi %add3A_730, %sub3A_782 : i32
      %mul3A_784 = arith.constant 128 : i32
      %mul3A_785 = arith.muli %sub3A_783, %mul3A_784 : i32
      %add3A_786 = arith.addi %mul3A_2, %mul3A_785 : i32
      %dma_start3A_787 = arith.constant 0 : i32
      %dma_start3A_788 = arith.constant 0 : i32
      %dma_start3A_789 = tpu.memref_slice %arg6[%rem3A_768, %dma_start3A_787, %dma_start3A_788] : memref<6x128x128xf32, #tpu.memory_space<vmem>> -> memref<1x128x128xf32, #tpu.memory_space<vmem>>
      %dma_start3A_790 = tpu.memref_squeeze %dma_start3A_789 : memref<1x128x128xf32, #tpu.memory_space<vmem>> -> memref<128x128xf32, #tpu.memory_space<vmem>>
      %dma_start3A_791 = arith.constant 0 : i32
      %dma_start3A_792 = tpu.memref_slice %arg4[%add3A_786, %dma_start3A_791] : memref<3276800x128xf32, #tpu.memory_space<hbm>> -> memref<128x128xf32, #tpu.memory_space<hbm>>
      %dma_start3A_793 = tpu.memref_slice %arg10[%rem3A_768] : memref<6x!tpu.dma_semaphore, #tpu.memory_space<semaphore_mem>> -> memref<1x!tpu.dma_semaphore, #tpu.memory_space<semaphore_mem>>
      %dma_start3A_794 = tpu.memref_squeeze %dma_start3A_793 : memref<1x!tpu.dma_semaphore, #tpu.memory_space<semaphore_mem>> -> memref<!tpu.dma_semaphore, #tpu.memory_space<semaphore_mem>>
      %dma_start3A_795 = arith.constant 0 : i32
      %dma_start3A_796 = tpu.memref_slice %arg4[%add3A_786, %dma_start3A_795] : memref<3276800x128xf32, #tpu.memory_space<hbm>> -> memref<128x128xf32, #tpu.memory_space<hbm>>
      %dma_start3A_797 = arith.constant 0 : i32
      %dma_start3A_798 = arith.constant 0 : i32
      %dma_start3A_799 = tpu.memref_slice %arg6[%rem3A_768, %dma_start3A_797, %dma_start3A_798] : memref<6x128x128xf32, #tpu.memory_space<vmem>> -> memref<1x128x128xf32, #tpu.memory_space<vmem>>
      %dma_start3A_800 = tpu.memref_squeeze %dma_start3A_799 : memref<1x128x128xf32, #tpu.memory_space<vmem>> -> memref<128x128xf32, #tpu.memory_space<vmem>>
      tpu.enqueue_dma source(%dma_start3A_800 : memref<128x128xf32, #tpu.memory_space<vmem>>) target(%dma_start3A_796 : memref<128x128xf32, #tpu.memory_space<hbm>>) target_semaphore(%dma_start3A_794 : memref<!tpu.dma_semaphore, #tpu.memory_space<semaphore_mem>>)
      %mul3A_801 = arith.constant 8 : i32
      %mul3A_802 = arith.muli %scan3A_626, %mul3A_801 : i32
      %add3A_803 = arith.constant 2 : i32
      %add3A_804 = arith.addi %mul3A_802, %add3A_803 : i32
      %rem3A_805 = arith.constant 6 : i32
      %rem3A_806 = arith.remsi %add3A_804, %rem3A_805 : i32
      %sub3A_807 = arith.constant 6 : i32
      %sub3A_808 = arith.subi %add3A_804, %sub3A_807 : i32
      %mul3A_809 = arith.constant 128 : i32
      %mul3A_810 = arith.muli %sub3A_808, %mul3A_809 : i32
      %add3A_811 = arith.addi %mul3A_2, %mul3A_810 : i32
      %dma_wait3A_812 = arith.constant 0 : i32
      %dma_wait3A_813 = arith.constant 0 : i32
      %dma_wait3A_814 = tpu.memref_slice %arg6[%rem3A_806, %dma_wait3A_812, %dma_wait3A_813] : memref<6x128x128xf32, #tpu.memory_space<vmem>> -> memref<1x128x128xf32, #tpu.memory_space<vmem>>
      %dma_wait3A_815 = tpu.memref_squeeze %dma_wait3A_814 : memref<1x128x128xf32, #tpu.memory_space<vmem>> -> memref<128x128xf32, #tpu.memory_space<vmem>>
      %dma_wait3A_816 = arith.constant 0 : i32
      %dma_wait3A_817 = tpu.memref_slice %arg4[%add3A_811, %dma_wait3A_816] : memref<3276800x128xf32, #tpu.memory_space<hbm>> -> memref<128x128xf32, #tpu.memory_space<hbm>>
      %dma_wait3A_818 = tpu.memref_slice %arg10[%rem3A_806] : memref<6x!tpu.dma_semaphore, #tpu.memory_space<semaphore_mem>> -> memref<1x!tpu.dma_semaphore, #tpu.memory_space<semaphore_mem>>
      %dma_wait3A_819 = tpu.memref_squeeze %dma_wait3A_818 : memref<1x!tpu.dma_semaphore, #tpu.memory_space<semaphore_mem>> -> memref<!tpu.dma_semaphore, #tpu.memory_space<semaphore_mem>>
      %dma_wait3A_820 = arith.constant 0 : i32
      %dma_wait3A_821 = tpu.memref_slice %arg4[%add3A_811, %dma_wait3A_820] : memref<3276800x128xf32, #tpu.memory_space<hbm>> -> memref<128x128xf32, #tpu.memory_space<hbm>>
      %dma_wait3A_822 = arith.constant 0 : i32
      %dma_wait3A_823 = arith.constant 0 : i32
      %dma_wait3A_824 = tpu.memref_slice %arg6[%rem3A_806, %dma_wait3A_822, %dma_wait3A_823] : memref<6x128x128xf32, #tpu.memory_space<vmem>> -> memref<1x128x128xf32, #tpu.memory_space<vmem>>
      %dma_wait3A_825 = tpu.memref_squeeze %dma_wait3A_824 : memref<1x128x128xf32, #tpu.memory_space<vmem>> -> memref<128x128xf32, #tpu.memory_space<vmem>>
      tpu.wait_dma2 semaphore(%dma_wait3A_819 : memref<!tpu.dma_semaphore, #tpu.memory_space<semaphore_mem>>) src(%dma_wait3A_825 : memref<128x128xf32, #tpu.memory_space<vmem>>) dst(%dma_wait3A_821 : memref<128x128xf32, #tpu.memory_space<hbm>>)
      %dma_start3A_826 = arith.constant 2 : i32
      %dma_start3A_827 = arith.constant 0 : i32
      %dma_start3A_828 = arith.constant 0 : i32
      %dma_start3A_829 = tpu.memref_slice %arg6[%rem3A_806, %dma_start3A_827, %dma_start3A_828] : memref<6x128x128xf32, #tpu.memory_space<vmem>> -> memref<1x128x128xf32, #tpu.memory_space<vmem>>
      %dma_start3A_830 = tpu.memref_squeeze %dma_start3A_829 : memref<1x128x128xf32, #tpu.memory_space<vmem>> -> memref<128x128xf32, #tpu.memory_space<vmem>>
      %dma_start3A_831 = arith.constant 0 : i32
      %dma_start3A_832 = tpu.memref_slice %arg5[%select_n3A_636, %dma_start3A_826, %dma_start3A_831] : memref<3x8x128xi32, #tpu.memory_space<vmem>> -> memref<1x1x128xi32, #tpu.memory_space<vmem>>
      %dma_start3A_833 = tpu.memref_squeeze %dma_start3A_832 : memref<1x1x128xi32, #tpu.memory_space<vmem>> -> memref<128xi32, #tpu.memory_space<vmem>>
      %dma_start3A_834 = arith.constant 0 : i32
      %dma_start3A_835 = arith.constant 0 : i32
      %dma_start3A_836 = tpu.memref_slice %arg7[%dma_start3A_834, %dma_start3A_835] : memref<1000x128xf32, #tpu.memory_space<vmem_shared>> -> memref<1000x128xf32, #tpu.memory_space<vmem_shared>>
      %dma_start3A_837 = tpu.memref_slice %arg9[%rem3A_806] : memref<6x!tpu.dma_semaphore, #tpu.memory_space<semaphore_mem>> -> memref<1x!tpu.dma_semaphore, #tpu.memory_space<semaphore_mem>>
      %dma_start3A_838 = tpu.memref_squeeze %dma_start3A_837 : memref<1x!tpu.dma_semaphore, #tpu.memory_space<semaphore_mem>> -> memref<!tpu.dma_semaphore, #tpu.memory_space<semaphore_mem>>
      tpu.enqueue_indirect_dma source(%dma_start3A_836 : memref<1000x128xf32, #tpu.memory_space<vmem_shared>>) target(%dma_start3A_830 : memref<128x128xf32, #tpu.memory_space<vmem>>) offsets(%dma_start3A_833 : memref<128xi32, #tpu.memory_space<vmem>>) semaphore(%dma_start3A_838 : memref<!tpu.dma_semaphore, #tpu.memory_space<semaphore_mem>>)
      %sub3A_839 = arith.constant 3 : i32
      %sub3A_840 = arith.subi %add3A_804, %sub3A_839 : i32
      %rem3A_841 = arith.constant 6 : i32
      %rem3A_842 = arith.remsi %sub3A_840, %rem3A_841 : i32
      %dma_wait3A_843 = arith.constant 2 : i32
      %dma_wait3A_844 = arith.constant 0 : i32
      %dma_wait3A_845 = arith.constant 0 : i32
      %dma_wait3A_846 = tpu.memref_slice %arg6[%rem3A_842, %dma_wait3A_844, %dma_wait3A_845] : memref<6x128x128xf32, #tpu.memory_space<vmem>> -> memref<1x128x128xf32, #tpu.memory_space<vmem>>
      %dma_wait3A_847 = tpu.memref_squeeze %dma_wait3A_846 : memref<1x128x128xf32, #tpu.memory_space<vmem>> -> memref<128x128xf32, #tpu.memory_space<vmem>>
      %dma_wait3A_848 = arith.constant 0 : i32
      %dma_wait3A_849 = tpu.memref_slice %arg5[%select_n3A_636, %dma_wait3A_843, %dma_wait3A_848] : memref<3x8x128xi32, #tpu.memory_space<vmem>> -> memref<1x1x128xi32, #tpu.memory_space<vmem>>
      %dma_wait3A_850 = tpu.memref_squeeze %dma_wait3A_849 : memref<1x1x128xi32, #tpu.memory_space<vmem>> -> memref<128xi32, #tpu.memory_space<vmem>>
      %dma_wait3A_851 = arith.constant 0 : i32
      %dma_wait3A_852 = arith.constant 0 : i32
      %dma_wait3A_853 = tpu.memref_slice %arg7[%dma_wait3A_851, %dma_wait3A_852] : memref<1000x128xf32, #tpu.memory_space<vmem_shared>> -> memref<1000x128xf32, #tpu.memory_space<vmem_shared>>
      %dma_wait3A_854 = tpu.memref_slice %arg9[%rem3A_842] : memref<6x!tpu.dma_semaphore, #tpu.memory_space<semaphore_mem>> -> memref<1x!tpu.dma_semaphore, #tpu.memory_space<semaphore_mem>>
      %dma_wait3A_855 = tpu.memref_squeeze %dma_wait3A_854 : memref<1x!tpu.dma_semaphore, #tpu.memory_space<semaphore_mem>> -> memref<!tpu.dma_semaphore, #tpu.memory_space<semaphore_mem>>
      tpu.wait_indirect_dma semaphore(%dma_wait3A_855 : memref<!tpu.dma_semaphore, #tpu.memory_space<semaphore_mem>>) src(%dma_wait3A_853 : memref<1000x128xf32, #tpu.memory_space<vmem_shared>>) dst(%dma_wait3A_847 : memref<128x128xf32, #tpu.memory_space<vmem>>)
      %sub3A_856 = arith.constant 3 : i32
      %sub3A_857 = arith.subi %add3A_804, %sub3A_856 : i32
      %mul3A_858 = arith.constant 128 : i32
      %mul3A_859 = arith.muli %sub3A_857, %mul3A_858 : i32
      %add3A_860 = arith.addi %mul3A_2, %mul3A_859 : i32
      %dma_start3A_861 = arith.constant 0 : i32
      %dma_start3A_862 = arith.constant 0 : i32
      %dma_start3A_863 = tpu.memref_slice %arg6[%rem3A_842, %dma_start3A_861, %dma_start3A_862] : memref<6x128x128xf32, #tpu.memory_space<vmem>> -> memref<1x128x128xf32, #tpu.memory_space<vmem>>
      %dma_start3A_864 = tpu.memref_squeeze %dma_start3A_863 : memref<1x128x128xf32, #tpu.memory_space<vmem>> -> memref<128x128xf32, #tpu.memory_space<vmem>>
      %dma_start3A_865 = arith.constant 0 : i32
      %dma_start3A_866 = tpu.memref_slice %arg4[%add3A_860, %dma_start3A_865] : memref<3276800x128xf32, #tpu.memory_space<hbm>> -> memref<128x128xf32, #tpu.memory_space<hbm>>
      %dma_start3A_867 = tpu.memref_slice %arg10[%rem3A_842] : memref<6x!tpu.dma_semaphore, #tpu.memory_space<semaphore_mem>> -> memref<1x!tpu.dma_semaphore, #tpu.memory_space<semaphore_mem>>
      %dma_start3A_868 = tpu.memref_squeeze %dma_start3A_867 : memref<1x!tpu.dma_semaphore, #tpu.memory_space<semaphore_mem>> -> memref<!tpu.dma_semaphore, #tpu.memory_space<semaphore_mem>>
      %dma_start3A_869 = arith.constant 0 : i32
      %dma_start3A_870 = tpu.memref_slice %arg4[%add3A_860, %dma_start3A_869] : memref<3276800x128xf32, #tpu.memory_space<hbm>> -> memref<128x128xf32, #tpu.memory_space<hbm>>
      %dma_start3A_871 = arith.constant 0 : i32
      %dma_start3A_872 = arith.constant 0 : i32
      %dma_start3A_873 = tpu.memref_slice %arg6[%rem3A_842, %dma_start3A_871, %dma_start3A_872] : memref<6x128x128xf32, #tpu.memory_space<vmem>> -> memref<1x128x128xf32, #tpu.memory_space<vmem>>
      %dma_start3A_874 = tpu.memref_squeeze %dma_start3A_873 : memref<1x128x128xf32, #tpu.memory_space<vmem>> -> memref<128x128xf32, #tpu.memory_space<vmem>>
      tpu.enqueue_dma source(%dma_start3A_874 : memref<128x128xf32, #tpu.memory_space<vmem>>) target(%dma_start3A_870 : memref<128x128xf32, #tpu.memory_space<hbm>>) target_semaphore(%dma_start3A_868 : memref<!tpu.dma_semaphore, #tpu.memory_space<semaphore_mem>>)
      %mul3A_875 = arith.constant 8 : i32
      %mul3A_876 = arith.muli %scan3A_626, %mul3A_875 : i32
      %add3A_877 = arith.constant 3 : i32
      %add3A_878 = arith.addi %mul3A_876, %add3A_877 : i32
      %rem3A_879 = arith.constant 6 : i32
      %rem3A_880 = arith.remsi %add3A_878, %rem3A_879 : i32
      %sub3A_881 = arith.constant 6 : i32
      %sub3A_882 = arith.subi %add3A_878, %sub3A_881 : i32
      %mul3A_883 = arith.constant 128 : i32
      %mul3A_884 = arith.muli %sub3A_882, %mul3A_883 : i32
      %add3A_885 = arith.addi %mul3A_2, %mul3A_884 : i32
      %dma_wait3A_886 = arith.constant 0 : i32
      %dma_wait3A_887 = arith.constant 0 : i32
      %dma_wait3A_888 = tpu.memref_slice %arg6[%rem3A_880, %dma_wait3A_886, %dma_wait3A_887] : memref<6x128x128xf32, #tpu.memory_space<vmem>> -> memref<1x128x128xf32, #tpu.memory_space<vmem>>
      %dma_wait3A_889 = tpu.memref_squeeze %dma_wait3A_888 : memref<1x128x128xf32, #tpu.memory_space<vmem>> -> memref<128x128xf32, #tpu.memory_space<vmem>>
      %dma_wait3A_890 = arith.constant 0 : i32
      %dma_wait3A_891 = tpu.memref_slice %arg4[%add3A_885, %dma_wait3A_890] : memref<3276800x128xf32, #tpu.memory_space<hbm>> -> memref<128x128xf32, #tpu.memory_space<hbm>>
      %dma_wait3A_892 = tpu.memref_slice %arg10[%rem3A_880] : memref<6x!tpu.dma_semaphore, #tpu.memory_space<semaphore_mem>> -> memref<1x!tpu.dma_semaphore, #tpu.memory_space<semaphore_mem>>
      %dma_wait3A_893 = tpu.memref_squeeze %dma_wait3A_892 : memref<1x!tpu.dma_semaphore, #tpu.memory_space<semaphore_mem>> -> memref<!tpu.dma_semaphore, #tpu.memory_space<semaphore_mem>>
      %dma_wait3A_894 = arith.constant 0 : i32
      %dma_wait3A_895 = tpu.memref_slice %arg4[%add3A_885, %dma_wait3A_894] : memref<3276800x128xf32, #tpu.memory_space<hbm>> -> memref<128x128xf32, #tpu.memory_space<hbm>>
      %dma_wait3A_896 = arith.constant 0 : i32
      %dma_wait3A_897 = arith.constant 0 : i32
      %dma_wait3A_898 = tpu.memref_slice %arg6[%rem3A_880, %dma_wait3A_896, %dma_wait3A_897] : memref<6x128x128xf32, #tpu.memory_space<vmem>> -> memref<1x128x128xf32, #tpu.memory_space<vmem>>
      %dma_wait3A_899 = tpu.memref_squeeze %dma_wait3A_898 : memref<1x128x128xf32, #tpu.memory_space<vmem>> -> memref<128x128xf32, #tpu.memory_space<vmem>>
      tpu.wait_dma2 semaphore(%dma_wait3A_893 : memref<!tpu.dma_semaphore, #tpu.memory_space<semaphore_mem>>) src(%dma_wait3A_899 : memref<128x128xf32, #tpu.memory_space<vmem>>) dst(%dma_wait3A_895 : memref<128x128xf32, #tpu.memory_space<hbm>>)
      %dma_start3A_900 = arith.constant 3 : i32
      %dma_start3A_901 = arith.constant 0 : i32
      %dma_start3A_902 = arith.constant 0 : i32
      %dma_start3A_903 = tpu.memref_slice %arg6[%rem3A_880, %dma_start3A_901, %dma_start3A_902] : memref<6x128x128xf32, #tpu.memory_space<vmem>> -> memref<1x128x128xf32, #tpu.memory_space<vmem>>
      %dma_start3A_904 = tpu.memref_squeeze %dma_start3A_903 : memref<1x128x128xf32, #tpu.memory_space<vmem>> -> memref<128x128xf32, #tpu.memory_space<vmem>>
      %dma_start3A_905 = arith.constant 0 : i32
      %dma_start3A_906 = tpu.memref_slice %arg5[%select_n3A_636, %dma_start3A_900, %dma_start3A_905] : memref<3x8x128xi32, #tpu.memory_space<vmem>> -> memref<1x1x128xi32, #tpu.memory_space<vmem>>
      %dma_start3A_907 = tpu.memref_squeeze %dma_start3A_906 : memref<1x1x128xi32, #tpu.memory_space<vmem>> -> memref<128xi32, #tpu.memory_space<vmem>>
      %dma_start3A_908 = arith.constant 0 : i32
      %dma_start3A_909 = arith.constant 0 : i32
      %dma_start3A_910 = tpu.memref_slice %arg7[%dma_start3A_908, %dma_start3A_909] : memref<1000x128xf32, #tpu.memory_space<vmem_shared>> -> memref<1000x128xf32, #tpu.memory_space<vmem_shared>>
      %dma_start3A_911 = tpu.memref_slice %arg9[%rem3A_880] : memref<6x!tpu.dma_semaphore, #tpu.memory_space<semaphore_mem>> -> memref<1x!tpu.dma_semaphore, #tpu.memory_space<semaphore_mem>>
      %dma_start3A_912 = tpu.memref_squeeze %dma_start3A_911 : memref<1x!tpu.dma_semaphore, #tpu.memory_space<semaphore_mem>> -> memref<!tpu.dma_semaphore, #tpu.memory_space<semaphore_mem>>
      tpu.enqueue_indirect_dma source(%dma_start3A_910 : memref<1000x128xf32, #tpu.memory_space<vmem_shared>>) target(%dma_start3A_904 : memref<128x128xf32, #tpu.memory_space<vmem>>) offsets(%dma_start3A_907 : memref<128xi32, #tpu.memory_space<vmem>>) semaphore(%dma_start3A_912 : memref<!tpu.dma_semaphore, #tpu.memory_space<semaphore_mem>>)
      %sub3A_913 = arith.constant 3 : i32
      %sub3A_914 = arith.subi %add3A_878, %sub3A_913 : i32
      %rem3A_915 = arith.constant 6 : i32
      %rem3A_916 = arith.remsi %sub3A_914, %rem3A_915 : i32
      %dma_wait3A_917 = arith.constant 3 : i32
      %dma_wait3A_918 = arith.constant 0 : i32
      %dma_wait3A_919 = arith.constant 0 : i32
      %dma_wait3A_920 = tpu.memref_slice %arg6[%rem3A_916, %dma_wait3A_918, %dma_wait3A_919] : memref<6x128x128xf32, #tpu.memory_space<vmem>> -> memref<1x128x128xf32, #tpu.memory_space<vmem>>
      %dma_wait3A_921 = tpu.memref_squeeze %dma_wait3A_920 : memref<1x128x128xf32, #tpu.memory_space<vmem>> -> memref<128x128xf32, #tpu.memory_space<vmem>>
      %dma_wait3A_922 = arith.constant 0 : i32
      %dma_wait3A_923 = tpu.memref_slice %arg5[%select_n3A_636, %dma_wait3A_917, %dma_wait3A_922] : memref<3x8x128xi32, #tpu.memory_space<vmem>> -> memref<1x1x128xi32, #tpu.memory_space<vmem>>
      %dma_wait3A_924 = tpu.memref_squeeze %dma_wait3A_923 : memref<1x1x128xi32, #tpu.memory_space<vmem>> -> memref<128xi32, #tpu.memory_space<vmem>>
      %dma_wait3A_925 = arith.constant 0 : i32
      %dma_wait3A_926 = arith.constant 0 : i32
      %dma_wait3A_927 = tpu.memref_slice %arg7[%dma_wait3A_925, %dma_wait3A_926] : memref<1000x128xf32, #tpu.memory_space<vmem_shared>> -> memref<1000x128xf32, #tpu.memory_space<vmem_shared>>
      %dma_wait3A_928 = tpu.memref_slice %arg9[%rem3A_916] : memref<6x!tpu.dma_semaphore, #tpu.memory_space<semaphore_mem>> -> memref<1x!tpu.dma_semaphore, #tpu.memory_space<semaphore_mem>>
      %dma_wait3A_929 = tpu.memref_squeeze %dma_wait3A_928 : memref<1x!tpu.dma_semaphore, #tpu.memory_space<semaphore_mem>> -> memref<!tpu.dma_semaphore, #tpu.memory_space<semaphore_mem>>
      tpu.wait_indirect_dma semaphore(%dma_wait3A_929 : memref<!tpu.dma_semaphore, #tpu.memory_space<semaphore_mem>>) src(%dma_wait3A_927 : memref<1000x128xf32, #tpu.memory_space<vmem_shared>>) dst(%dma_wait3A_921 : memref<128x128xf32, #tpu.memory_space<vmem>>)
      %sub3A_930 = arith.constant 3 : i32
      %sub3A_931 = arith.subi %add3A_878, %sub3A_930 : i32
      %mul3A_932 = arith.constant 128 : i32
      %mul3A_933 = arith.muli %sub3A_931, %mul3A_932 : i32
      %add3A_934 = arith.addi %mul3A_2, %mul3A_933 : i32
      %dma_start3A_935 = arith.constant 0 : i32
      %dma_start3A_936 = arith.constant 0 : i32
      %dma_start3A_937 = tpu.memref_slice %arg6[%rem3A_916, %dma_start3A_935, %dma_start3A_936] : memref<6x128x128xf32, #tpu.memory_space<vmem>> -> memref<1x128x128xf32, #tpu.memory_space<vmem>>
      %dma_start3A_938 = tpu.memref_squeeze %dma_start3A_937 : memref<1x128x128xf32, #tpu.memory_space<vmem>> -> memref<128x128xf32, #tpu.memory_space<vmem>>
      %dma_start3A_939 = arith.constant 0 : i32
      %dma_start3A_940 = tpu.memref_slice %arg4[%add3A_934, %dma_start3A_939] : memref<3276800x128xf32, #tpu.memory_space<hbm>> -> memref<128x128xf32, #tpu.memory_space<hbm>>
      %dma_start3A_941 = tpu.memref_slice %arg10[%rem3A_916] : memref<6x!tpu.dma_semaphore, #tpu.memory_space<semaphore_mem>> -> memref<1x!tpu.dma_semaphore, #tpu.memory_space<semaphore_mem>>
      %dma_start3A_942 = tpu.memref_squeeze %dma_start3A_941 : memref<1x!tpu.dma_semaphore, #tpu.memory_space<semaphore_mem>> -> memref<!tpu.dma_semaphore, #tpu.memory_space<semaphore_mem>>
      %dma_start3A_943 = arith.constant 0 : i32
      %dma_start3A_944 = tpu.memref_slice %arg4[%add3A_934, %dma_start3A_943] : memref<3276800x128xf32, #tpu.memory_space<hbm>> -> memref<128x128xf32, #tpu.memory_space<hbm>>
      %dma_start3A_945 = arith.constant 0 : i32
      %dma_start3A_946 = arith.constant 0 : i32
      %dma_start3A_947 = tpu.memref_slice %arg6[%rem3A_916, %dma_start3A_945, %dma_start3A_946] : memref<6x128x128xf32, #tpu.memory_space<vmem>> -> memref<1x128x128xf32, #tpu.memory_space<vmem>>
      %dma_start3A_948 = tpu.memref_squeeze %dma_start3A_947 : memref<1x128x128xf32, #tpu.memory_space<vmem>> -> memref<128x128xf32, #tpu.memory_space<vmem>>
      tpu.enqueue_dma source(%dma_start3A_948 : memref<128x128xf32, #tpu.memory_space<vmem>>) target(%dma_start3A_944 : memref<128x128xf32, #tpu.memory_space<hbm>>) target_semaphore(%dma_start3A_942 : memref<!tpu.dma_semaphore, #tpu.memory_space<semaphore_mem>>)
      %lt3A_949 = arith.constant 98 : i32
      %lt3A_950 = arith.cmpi slt, %scan3A_626, %lt3A_949 : i32
      %convert_element_type3A_951 = arith.extui %lt3A_950 : i1 to i32
      %cond3A_952 = arith.constant 0 : i32
      %cond3A_953 = arith.cmpi ne, %convert_element_type3A_951, %cond3A_952 : i32
      scf.if %cond3A_953 {
        %add3A_1250 = arith.constant 2 : i32
        %add3A_1251 = arith.addi %scan3A_626, %add3A_1250 : i32
        %add3A_1252 = arith.constant 2 : i32
        %add3A_1253 = arith.addi %scan3A_626, %add3A_1252 : i32
        %jit3A_1254 = arith.constant 3 : i32
        %eq3A_1255 = arith.constant 0 : i32
        %eq3A_1256 = arith.cmpi eq, %jit3A_1254, %eq3A_1255 : i32
        %jit3A_1257 = arith.constant 1 : i32
        %select_n3A_1258 = arith.select %eq3A_1256, %jit3A_1257, %jit3A_1254 : i32
        %rem3A_1259 = arith.remsi %add3A_1253, %select_n3A_1258 : i32
        %ne3A_1260 = arith.constant 0 : i32
        %ne3A_1261 = arith.cmpi ne, %rem3A_1259, %ne3A_1260 : i32
        %lt3A_1262 = arith.constant 0 : i32
        %lt3A_1263 = arith.cmpi slt, %rem3A_1259, %lt3A_1262 : i32
        %lt3A_1264 = arith.constant 0 : i32
        %lt3A_1265 = arith.cmpi slt, %select_n3A_1258, %lt3A_1264 : i32
        %ne3A_1266 = arith.xori %lt3A_1263, %lt3A_1265 : i1
        %and3A_1267 = arith.andi %ne3A_1266, %ne3A_1261 : i1
        %add3A_1268 = arith.addi %rem3A_1259, %select_n3A_1258 : i32
        %select_n3A_1269 = arith.select %and3A_1267, %add3A_1268, %rem3A_1259 : i32
        %mul3A_1270 = arith.constant 8 : i32
        %mul3A_1271 = arith.muli %add3A_1251, %mul3A_1270 : i32
        %add3A_1272 = arith.addi %mul3A_4, %mul3A_1271 : i32
        %dma_start3A_1273 = arith.constant 0 : i32
        %dma_start3A_1274 = arith.constant 0 : i32
        %dma_start3A_1275 = tpu.memref_slice %arg5[%select_n3A_1269, %dma_start3A_1273, %dma_start3A_1274] : memref<3x8x128xi32, #tpu.memory_space<vmem>> -> memref<1x8x128xi32, #tpu.memory_space<vmem>>
        %dma_start3A_1276 = tpu.memref_squeeze %dma_start3A_1275 : memref<1x8x128xi32, #tpu.memory_space<vmem>> -> memref<8x128xi32, #tpu.memory_space<vmem>>
        %dma_start3A_1277 = arith.constant 0 : i32
        %dma_start3A_1278 = tpu.memref_slice %arg3[%add3A_1272, %dma_start3A_1277] : memref<25600x128xi32, #tpu.memory_space<hbm>> -> memref<8x128xi32, #tpu.memory_space<hbm>>
        %dma_start3A_1279 = tpu.memref_slice %arg8[%select_n3A_1269] : memref<3x!tpu.dma_semaphore, #tpu.memory_space<semaphore_mem>> -> memref<1x!tpu.dma_semaphore, #tpu.memory_space<semaphore_mem>>
        %dma_start3A_1280 = tpu.memref_squeeze %dma_start3A_1279 : memref<1x!tpu.dma_semaphore, #tpu.memory_space<semaphore_mem>> -> memref<!tpu.dma_semaphore, #tpu.memory_space<semaphore_mem>>
        %dma_start3A_1281 = arith.constant 0 : i32
        %dma_start3A_1282 = arith.constant 0 : i32
        %dma_start3A_1283 = tpu.memref_slice %arg5[%select_n3A_1269, %dma_start3A_1281, %dma_start3A_1282] : memref<3x8x128xi32, #tpu.memory_space<vmem>> -> memref<1x8x128xi32, #tpu.memory_space<vmem>>
        %dma_start3A_1284 = tpu.memref_squeeze %dma_start3A_1283 : memref<1x8x128xi32, #tpu.memory_space<vmem>> -> memref<8x128xi32, #tpu.memory_space<vmem>>
        %dma_start3A_1285 = arith.constant 0 : i32
        %dma_start3A_1286 = tpu.memref_slice %arg3[%add3A_1272, %dma_start3A_1285] : memref<25600x128xi32, #tpu.memory_space<hbm>> -> memref<8x128xi32, #tpu.memory_space<hbm>>
        tpu.enqueue_dma source(%dma_start3A_1286 : memref<8x128xi32, #tpu.memory_space<hbm>>) target(%dma_start3A_1284 : memref<8x128xi32, #tpu.memory_space<vmem>>) target_semaphore(%dma_start3A_1280 : memref<!tpu.dma_semaphore, #tpu.memory_space<semaphore_mem>>)
      } else {
      }
      %mul3A_954 = arith.constant 8 : i32
      %mul3A_955 = arith.muli %scan3A_626, %mul3A_954 : i32
      %add3A_956 = arith.constant 4 : i32
      %add3A_957 = arith.addi %mul3A_955, %add3A_956 : i32
      %rem3A_958 = arith.constant 6 : i32
      %rem3A_959 = arith.remsi %add3A_957, %rem3A_958 : i32
      %sub3A_960 = arith.constant 6 : i32
      %sub3A_961 = arith.subi %add3A_957, %sub3A_960 : i32
      %mul3A_962 = arith.constant 128 : i32
      %mul3A_963 = arith.muli %sub3A_961, %mul3A_962 : i32
      %add3A_964 = arith.addi %mul3A_2, %mul3A_963 : i32
      %dma_wait3A_965 = arith.constant 0 : i32
      %dma_wait3A_966 = arith.constant 0 : i32
      %dma_wait3A_967 = tpu.memref_slice %arg6[%rem3A_959, %dma_wait3A_965, %dma_wait3A_966] : memref<6x128x128xf32, #tpu.memory_space<vmem>> -> memref<1x128x128xf32, #tpu.memory_space<vmem>>
      %dma_wait3A_968 = tpu.memref_squeeze %dma_wait3A_967 : memref<1x128x128xf32, #tpu.memory_space<vmem>> -> memref<128x128xf32, #tpu.memory_space<vmem>>
      %dma_wait3A_969 = arith.constant 0 : i32
      %dma_wait3A_970 = tpu.memref_slice %arg4[%add3A_964, %dma_wait3A_969] : memref<3276800x128xf32, #tpu.memory_space<hbm>> -> memref<128x128xf32, #tpu.memory_space<hbm>>
      %dma_wait3A_971 = tpu.memref_slice %arg10[%rem3A_959] : memref<6x!tpu.dma_semaphore, #tpu.memory_space<semaphore_mem>> -> memref<1x!tpu.dma_semaphore, #tpu.memory_space<semaphore_mem>>
      %dma_wait3A_972 = tpu.memref_squeeze %dma_wait3A_971 : memref<1x!tpu.dma_semaphore, #tpu.memory_space<semaphore_mem>> -> memref<!tpu.dma_semaphore, #tpu.memory_space<semaphore_mem>>
      %dma_wait3A_973 = arith.constant 0 : i32
      %dma_wait3A_974 = tpu.memref_slice %arg4[%add3A_964, %dma_wait3A_973] : memref<3276800x128xf32, #tpu.memory_space<hbm>> -> memref<128x128xf32, #tpu.memory_space<hbm>>
      %dma_wait3A_975 = arith.constant 0 : i32
      %dma_wait3A_976 = arith.constant 0 : i32
      %dma_wait3A_977 = tpu.memref_slice %arg6[%rem3A_959, %dma_wait3A_975, %dma_wait3A_976] : memref<6x128x128xf32, #tpu.memory_space<vmem>> -> memref<1x128x128xf32, #tpu.memory_space<vmem>>
      %dma_wait3A_978 = tpu.memref_squeeze %dma_wait3A_977 : memref<1x128x128xf32, #tpu.memory_space<vmem>> -> memref<128x128xf32, #tpu.memory_space<vmem>>
      tpu.wait_dma2 semaphore(%dma_wait3A_972 : memref<!tpu.dma_semaphore, #tpu.memory_space<semaphore_mem>>) src(%dma_wait3A_978 : memref<128x128xf32, #tpu.memory_space<vmem>>) dst(%dma_wait3A_974 : memref<128x128xf32, #tpu.memory_space<hbm>>)
      %dma_start3A_979 = arith.constant 4 : i32
      %dma_start3A_980 = arith.constant 0 : i32
      %dma_start3A_981 = arith.constant 0 : i32
      %dma_start3A_982 = tpu.memref_slice %arg6[%rem3A_959, %dma_start3A_980, %dma_start3A_981] : memref<6x128x128xf32, #tpu.memory_space<vmem>> -> memref<1x128x128xf32, #tpu.memory_space<vmem>>
      %dma_start3A_983 = tpu.memref_squeeze %dma_start3A_982 : memref<1x128x128xf32, #tpu.memory_space<vmem>> -> memref<128x128xf32, #tpu.memory_space<vmem>>
      %dma_start3A_984 = arith.constant 0 : i32
      %dma_start3A_985 = tpu.memref_slice %arg5[%select_n3A_636, %dma_start3A_979, %dma_start3A_984] : memref<3x8x128xi32, #tpu.memory_space<vmem>> -> memref<1x1x128xi32, #tpu.memory_space<vmem>>
      %dma_start3A_986 = tpu.memref_squeeze %dma_start3A_985 : memref<1x1x128xi32, #tpu.memory_space<vmem>> -> memref<128xi32, #tpu.memory_space<vmem>>
      %dma_start3A_987 = arith.constant 0 : i32
      %dma_start3A_988 = arith.constant 0 : i32
      %dma_start3A_989 = tpu.memref_slice %arg7[%dma_start3A_987, %dma_start3A_988] : memref<1000x128xf32, #tpu.memory_space<vmem_shared>> -> memref<1000x128xf32, #tpu.memory_space<vmem_shared>>
      %dma_start3A_990 = tpu.memref_slice %arg9[%rem3A_959] : memref<6x!tpu.dma_semaphore, #tpu.memory_space<semaphore_mem>> -> memref<1x!tpu.dma_semaphore, #tpu.memory_space<semaphore_mem>>
      %dma_start3A_991 = tpu.memref_squeeze %dma_start3A_990 : memref<1x!tpu.dma_semaphore, #tpu.memory_space<semaphore_mem>> -> memref<!tpu.dma_semaphore, #tpu.memory_space<semaphore_mem>>
      tpu.enqueue_indirect_dma source(%dma_start3A_989 : memref<1000x128xf32, #tpu.memory_space<vmem_shared>>) target(%dma_start3A_983 : memref<128x128xf32, #tpu.memory_space<vmem>>) offsets(%dma_start3A_986 : memref<128xi32, #tpu.memory_space<vmem>>) semaphore(%dma_start3A_991 : memref<!tpu.dma_semaphore, #tpu.memory_space<semaphore_mem>>)
      %sub3A_992 = arith.constant 3 : i32
      %sub3A_993 = arith.subi %add3A_957, %sub3A_992 : i32
      %rem3A_994 = arith.constant 6 : i32
      %rem3A_995 = arith.remsi %sub3A_993, %rem3A_994 : i32
      %dma_wait3A_996 = arith.constant 4 : i32
      %dma_wait3A_997 = arith.constant 0 : i32
      %dma_wait3A_998 = arith.constant 0 : i32
      %dma_wait3A_999 = tpu.memref_slice %arg6[%rem3A_995, %dma_wait3A_997, %dma_wait3A_998] : memref<6x128x128xf32, #tpu.memory_space<vmem>> -> memref<1x128x128xf32, #tpu.memory_space<vmem>>
      %dma_wait3A_1000 = tpu.memref_squeeze %dma_wait3A_999 : memref<1x128x128xf32, #tpu.memory_space<vmem>> -> memref<128x128xf32, #tpu.memory_space<vmem>>
      %dma_wait3A_1001 = arith.constant 0 : i32
      %dma_wait3A_1002 = tpu.memref_slice %arg5[%select_n3A_636, %dma_wait3A_996, %dma_wait3A_1001] : memref<3x8x128xi32, #tpu.memory_space<vmem>> -> memref<1x1x128xi32, #tpu.memory_space<vmem>>
      %dma_wait3A_1003 = tpu.memref_squeeze %dma_wait3A_1002 : memref<1x1x128xi32, #tpu.memory_space<vmem>> -> memref<128xi32, #tpu.memory_space<vmem>>
      %dma_wait3A_1004 = arith.constant 0 : i32
      %dma_wait3A_1005 = arith.constant 0 : i32
      %dma_wait3A_1006 = tpu.memref_slice %arg7[%dma_wait3A_1004, %dma_wait3A_1005] : memref<1000x128xf32, #tpu.memory_space<vmem_shared>> -> memref<1000x128xf32, #tpu.memory_space<vmem_shared>>
      %dma_wait3A_1007 = tpu.memref_slice %arg9[%rem3A_995] : memref<6x!tpu.dma_semaphore, #tpu.memory_space<semaphore_mem>> -> memref<1x!tpu.dma_semaphore, #tpu.memory_space<semaphore_mem>>
      %dma_wait3A_1008 = tpu.memref_squeeze %dma_wait3A_1007 : memref<1x!tpu.dma_semaphore, #tpu.memory_space<semaphore_mem>> -> memref<!tpu.dma_semaphore, #tpu.memory_space<semaphore_mem>>
      tpu.wait_indirect_dma semaphore(%dma_wait3A_1008 : memref<!tpu.dma_semaphore, #tpu.memory_space<semaphore_mem>>) src(%dma_wait3A_1006 : memref<1000x128xf32, #tpu.memory_space<vmem_shared>>) dst(%dma_wait3A_1000 : memref<128x128xf32, #tpu.memory_space<vmem>>)
      %sub3A_1009 = arith.constant 3 : i32
      %sub3A_1010 = arith.subi %add3A_957, %sub3A_1009 : i32
      %mul3A_1011 = arith.constant 128 : i32
      %mul3A_1012 = arith.muli %sub3A_1010, %mul3A_1011 : i32
      %add3A_1013 = arith.addi %mul3A_2, %mul3A_1012 : i32
      %dma_start3A_1014 = arith.constant 0 : i32
      %dma_start3A_1015 = arith.constant 0 : i32
      %dma_start3A_1016 = tpu.memref_slice %arg6[%rem3A_995, %dma_start3A_1014, %dma_start3A_1015] : memref<6x128x128xf32, #tpu.memory_space<vmem>> -> memref<1x128x128xf32, #tpu.memory_space<vmem>>
      %dma_start3A_1017 = tpu.memref_squeeze %dma_start3A_1016 : memref<1x128x128xf32, #tpu.memory_space<vmem>> -> memref<128x128xf32, #tpu.memory_space<vmem>>
      %dma_start3A_1018 = arith.constant 0 : i32
      %dma_start3A_1019 = tpu.memref_slice %arg4[%add3A_1013, %dma_start3A_1018] : memref<3276800x128xf32, #tpu.memory_space<hbm>> -> memref<128x128xf32, #tpu.memory_space<hbm>>
      %dma_start3A_1020 = tpu.memref_slice %arg10[%rem3A_995] : memref<6x!tpu.dma_semaphore, #tpu.memory_space<semaphore_mem>> -> memref<1x!tpu.dma_semaphore, #tpu.memory_space<semaphore_mem>>
      %dma_start3A_1021 = tpu.memref_squeeze %dma_start3A_1020 : memref<1x!tpu.dma_semaphore, #tpu.memory_space<semaphore_mem>> -> memref<!tpu.dma_semaphore, #tpu.memory_space<semaphore_mem>>
      %dma_start3A_1022 = arith.constant 0 : i32
      %dma_start3A_1023 = tpu.memref_slice %arg4[%add3A_1013, %dma_start3A_1022] : memref<3276800x128xf32, #tpu.memory_space<hbm>> -> memref<128x128xf32, #tpu.memory_space<hbm>>
      %dma_start3A_1024 = arith.constant 0 : i32
      %dma_start3A_1025 = arith.constant 0 : i32
      %dma_start3A_1026 = tpu.memref_slice %arg6[%rem3A_995, %dma_start3A_1024, %dma_start3A_1025] : memref<6x128x128xf32, #tpu.memory_space<vmem>> -> memref<1x128x128xf32, #tpu.memory_space<vmem>>
      %dma_start3A_1027 = tpu.memref_squeeze %dma_start3A_1026 : memref<1x128x128xf32, #tpu.memory_space<vmem>> -> memref<128x128xf32, #tpu.memory_space<vmem>>
      tpu.enqueue_dma source(%dma_start3A_1027 : memref<128x128xf32, #tpu.memory_space<vmem>>) target(%dma_start3A_1023 : memref<128x128xf32, #tpu.memory_space<hbm>>) target_semaphore(%dma_start3A_1021 : memref<!tpu.dma_semaphore, #tpu.memory_space<semaphore_mem>>)
      %mul3A_1028 = arith.constant 8 : i32
      %mul3A_1029 = arith.muli %scan3A_626, %mul3A_1028 : i32
      %add3A_1030 = arith.constant 5 : i32
      %add3A_1031 = arith.addi %mul3A_1029, %add3A_1030 : i32
      %rem3A_1032 = arith.constant 6 : i32
      %rem3A_1033 = arith.remsi %add3A_1031, %rem3A_1032 : i32
      %sub3A_1034 = arith.constant 6 : i32
      %sub3A_1035 = arith.subi %add3A_1031, %sub3A_1034 : i32
      %mul3A_1036 = arith.constant 128 : i32
      %mul3A_1037 = arith.muli %sub3A_1035, %mul3A_1036 : i32
      %add3A_1038 = arith.addi %mul3A_2, %mul3A_1037 : i32
      %dma_wait3A_1039 = arith.constant 0 : i32
      %dma_wait3A_1040 = arith.constant 0 : i32
      %dma_wait3A_1041 = tpu.memref_slice %arg6[%rem3A_1033, %dma_wait3A_1039, %dma_wait3A_1040] : memref<6x128x128xf32, #tpu.memory_space<vmem>> -> memref<1x128x128xf32, #tpu.memory_space<vmem>>
      %dma_wait3A_1042 = tpu.memref_squeeze %dma_wait3A_1041 : memref<1x128x128xf32, #tpu.memory_space<vmem>> -> memref<128x128xf32, #tpu.memory_space<vmem>>
      %dma_wait3A_1043 = arith.constant 0 : i32
      %dma_wait3A_1044 = tpu.memref_slice %arg4[%add3A_1038, %dma_wait3A_1043] : memref<3276800x128xf32, #tpu.memory_space<hbm>> -> memref<128x128xf32, #tpu.memory_space<hbm>>
      %dma_wait3A_1045 = tpu.memref_slice %arg10[%rem3A_1033] : memref<6x!tpu.dma_semaphore, #tpu.memory_space<semaphore_mem>> -> memref<1x!tpu.dma_semaphore, #tpu.memory_space<semaphore_mem>>
      %dma_wait3A_1046 = tpu.memref_squeeze %dma_wait3A_1045 : memref<1x!tpu.dma_semaphore, #tpu.memory_space<semaphore_mem>> -> memref<!tpu.dma_semaphore, #tpu.memory_space<semaphore_mem>>
      %dma_wait3A_1047 = arith.constant 0 : i32
      %dma_wait3A_1048 = tpu.memref_slice %arg4[%add3A_1038, %dma_wait3A_1047] : memref<3276800x128xf32, #tpu.memory_space<hbm>> -> memref<128x128xf32, #tpu.memory_space<hbm>>
      %dma_wait3A_1049 = arith.constant 0 : i32
      %dma_wait3A_1050 = arith.constant 0 : i32
      %dma_wait3A_1051 = tpu.memref_slice %arg6[%rem3A_1033, %dma_wait3A_1049, %dma_wait3A_1050] : memref<6x128x128xf32, #tpu.memory_space<vmem>> -> memref<1x128x128xf32, #tpu.memory_space<vmem>>
      %dma_wait3A_1052 = tpu.memref_squeeze %dma_wait3A_1051 : memref<1x128x128xf32, #tpu.memory_space<vmem>> -> memref<128x128xf32, #tpu.memory_space<vmem>>
      tpu.wait_dma2 semaphore(%dma_wait3A_1046 : memref<!tpu.dma_semaphore, #tpu.memory_space<semaphore_mem>>) src(%dma_wait3A_1052 : memref<128x128xf32, #tpu.memory_space<vmem>>) dst(%dma_wait3A_1048 : memref<128x128xf32, #tpu.memory_space<hbm>>)
      %dma_start3A_1053 = arith.constant 5 : i32
      %dma_start3A_1054 = arith.constant 0 : i32
      %dma_start3A_1055 = arith.constant 0 : i32
      %dma_start3A_1056 = tpu.memref_slice %arg6[%rem3A_1033, %dma_start3A_1054, %dma_start3A_1055] : memref<6x128x128xf32, #tpu.memory_space<vmem>> -> memref<1x128x128xf32, #tpu.memory_space<vmem>>
      %dma_start3A_1057 = tpu.memref_squeeze %dma_start3A_1056 : memref<1x128x128xf32, #tpu.memory_space<vmem>> -> memref<128x128xf32, #tpu.memory_space<vmem>>
      %dma_start3A_1058 = arith.constant 0 : i32
      %dma_start3A_1059 = tpu.memref_slice %arg5[%select_n3A_636, %dma_start3A_1053, %dma_start3A_1058] : memref<3x8x128xi32, #tpu.memory_space<vmem>> -> memref<1x1x128xi32, #tpu.memory_space<vmem>>
      %dma_start3A_1060 = tpu.memref_squeeze %dma_start3A_1059 : memref<1x1x128xi32, #tpu.memory_space<vmem>> -> memref<128xi32, #tpu.memory_space<vmem>>
      %dma_start3A_1061 = arith.constant 0 : i32
      %dma_start3A_1062 = arith.constant 0 : i32
      %dma_start3A_1063 = tpu.memref_slice %arg7[%dma_start3A_1061, %dma_start3A_1062] : memref<1000x128xf32, #tpu.memory_space<vmem_shared>> -> memref<1000x128xf32, #tpu.memory_space<vmem_shared>>
      %dma_start3A_1064 = tpu.memref_slice %arg9[%rem3A_1033] : memref<6x!tpu.dma_semaphore, #tpu.memory_space<semaphore_mem>> -> memref<1x!tpu.dma_semaphore, #tpu.memory_space<semaphore_mem>>
      %dma_start3A_1065 = tpu.memref_squeeze %dma_start3A_1064 : memref<1x!tpu.dma_semaphore, #tpu.memory_space<semaphore_mem>> -> memref<!tpu.dma_semaphore, #tpu.memory_space<semaphore_mem>>
      tpu.enqueue_indirect_dma source(%dma_start3A_1063 : memref<1000x128xf32, #tpu.memory_space<vmem_shared>>) target(%dma_start3A_1057 : memref<128x128xf32, #tpu.memory_space<vmem>>) offsets(%dma_start3A_1060 : memref<128xi32, #tpu.memory_space<vmem>>) semaphore(%dma_start3A_1065 : memref<!tpu.dma_semaphore, #tpu.memory_space<semaphore_mem>>)
      %sub3A_1066 = arith.constant 3 : i32
      %sub3A_1067 = arith.subi %add3A_1031, %sub3A_1066 : i32
      %rem3A_1068 = arith.constant 6 : i32
      %rem3A_1069 = arith.remsi %sub3A_1067, %rem3A_1068 : i32
      %dma_wait3A_1070 = arith.constant 5 : i32
      %dma_wait3A_1071 = arith.constant 0 : i32
      %dma_wait3A_1072 = arith.constant 0 : i32
      %dma_wait3A_1073 = tpu.memref_slice %arg6[%rem3A_1069, %dma_wait3A_1071, %dma_wait3A_1072] : memref<6x128x128xf32, #tpu.memory_space<vmem>> -> memref<1x128x128xf32, #tpu.memory_space<vmem>>
      %dma_wait3A_1074 = tpu.memref_squeeze %dma_wait3A_1073 : memref<1x128x128xf32, #tpu.memory_space<vmem>> -> memref<128x128xf32, #tpu.memory_space<vmem>>
      %dma_wait3A_1075 = arith.constant 0 : i32
      %dma_wait3A_1076 = tpu.memref_slice %arg5[%select_n3A_636, %dma_wait3A_1070, %dma_wait3A_1075] : memref<3x8x128xi32, #tpu.memory_space<vmem>> -> memref<1x1x128xi32, #tpu.memory_space<vmem>>
      %dma_wait3A_1077 = tpu.memref_squeeze %dma_wait3A_1076 : memref<1x1x128xi32, #tpu.memory_space<vmem>> -> memref<128xi32, #tpu.memory_space<vmem>>
      %dma_wait3A_1078 = arith.constant 0 : i32
      %dma_wait3A_1079 = arith.constant 0 : i32
      %dma_wait3A_1080 = tpu.memref_slice %arg7[%dma_wait3A_1078, %dma_wait3A_1079] : memref<1000x128xf32, #tpu.memory_space<vmem_shared>> -> memref<1000x128xf32, #tpu.memory_space<vmem_shared>>
      %dma_wait3A_1081 = tpu.memref_slice %arg9[%rem3A_1069] : memref<6x!tpu.dma_semaphore, #tpu.memory_space<semaphore_mem>> -> memref<1x!tpu.dma_semaphore, #tpu.memory_space<semaphore_mem>>
      %dma_wait3A_1082 = tpu.memref_squeeze %dma_wait3A_1081 : memref<1x!tpu.dma_semaphore, #tpu.memory_space<semaphore_mem>> -> memref<!tpu.dma_semaphore, #tpu.memory_space<semaphore_mem>>
      tpu.wait_indirect_dma semaphore(%dma_wait3A_1082 : memref<!tpu.dma_semaphore, #tpu.memory_space<semaphore_mem>>) src(%dma_wait3A_1080 : memref<1000x128xf32, #tpu.memory_space<vmem_shared>>) dst(%dma_wait3A_1074 : memref<128x128xf32, #tpu.memory_space<vmem>>)
      %sub3A_1083 = arith.constant 3 : i32
      %sub3A_1084 = arith.subi %add3A_1031, %sub3A_1083 : i32
      %mul3A_1085 = arith.constant 128 : i32
      %mul3A_1086 = arith.muli %sub3A_1084, %mul3A_1085 : i32
      %add3A_1087 = arith.addi %mul3A_2, %mul3A_1086 : i32
      %dma_start3A_1088 = arith.constant 0 : i32
      %dma_start3A_1089 = arith.constant 0 : i32
      %dma_start3A_1090 = tpu.memref_slice %arg6[%rem3A_1069, %dma_start3A_1088, %dma_start3A_1089] : memref<6x128x128xf32, #tpu.memory_space<vmem>> -> memref<1x128x128xf32, #tpu.memory_space<vmem>>
      %dma_start3A_1091 = tpu.memref_squeeze %dma_start3A_1090 : memref<1x128x128xf32, #tpu.memory_space<vmem>> -> memref<128x128xf32, #tpu.memory_space<vmem>>
      %dma_start3A_1092 = arith.constant 0 : i32
      %dma_start3A_1093 = tpu.memref_slice %arg4[%add3A_1087, %dma_start3A_1092] : memref<3276800x128xf32, #tpu.memory_space<hbm>> -> memref<128x128xf32, #tpu.memory_space<hbm>>
      %dma_start3A_1094 = tpu.memref_slice %arg10[%rem3A_1069] : memref<6x!tpu.dma_semaphore, #tpu.memory_space<semaphore_mem>> -> memref<1x!tpu.dma_semaphore, #tpu.memory_space<semaphore_mem>>
      %dma_start3A_1095 = tpu.memref_squeeze %dma_start3A_1094 : memref<1x!tpu.dma_semaphore, #tpu.memory_space<semaphore_mem>> -> memref<!tpu.dma_semaphore, #tpu.memory_space<semaphore_mem>>
      %dma_start3A_1096 = arith.constant 0 : i32
      %dma_start3A_1097 = tpu.memref_slice %arg4[%add3A_1087, %dma_start3A_1096] : memref<3276800x128xf32, #tpu.memory_space<hbm>> -> memref<128x128xf32, #tpu.memory_space<hbm>>
      %dma_start3A_1098 = arith.constant 0 : i32
      %dma_start3A_1099 = arith.constant 0 : i32
      %dma_start3A_1100 = tpu.memref_slice %arg6[%rem3A_1069, %dma_start3A_1098, %dma_start3A_1099] : memref<6x128x128xf32, #tpu.memory_space<vmem>> -> memref<1x128x128xf32, #tpu.memory_space<vmem>>
      %dma_start3A_1101 = tpu.memref_squeeze %dma_start3A_1100 : memref<1x128x128xf32, #tpu.memory_space<vmem>> -> memref<128x128xf32, #tpu.memory_space<vmem>>
      tpu.enqueue_dma source(%dma_start3A_1101 : memref<128x128xf32, #tpu.memory_space<vmem>>) target(%dma_start3A_1097 : memref<128x128xf32, #tpu.memory_space<hbm>>) target_semaphore(%dma_start3A_1095 : memref<!tpu.dma_semaphore, #tpu.memory_space<semaphore_mem>>)
      %mul3A_1102 = arith.constant 8 : i32
      %mul3A_1103 = arith.muli %scan3A_626, %mul3A_1102 : i32
      %add3A_1104 = arith.constant 6 : i32
      %add3A_1105 = arith.addi %mul3A_1103, %add3A_1104 : i32
      %rem3A_1106 = arith.constant 6 : i32
      %rem3A_1107 = arith.remsi %add3A_1105, %rem3A_1106 : i32
      %sub3A_1108 = arith.constant 6 : i32
      %sub3A_1109 = arith.subi %add3A_1105, %sub3A_1108 : i32
      %mul3A_1110 = arith.constant 128 : i32
      %mul3A_1111 = arith.muli %sub3A_1109, %mul3A_1110 : i32
      %add3A_1112 = arith.addi %mul3A_2, %mul3A_1111 : i32
      %dma_wait3A_1113 = arith.constant 0 : i32
      %dma_wait3A_1114 = arith.constant 0 : i32
      %dma_wait3A_1115 = tpu.memref_slice %arg6[%rem3A_1107, %dma_wait3A_1113, %dma_wait3A_1114] : memref<6x128x128xf32, #tpu.memory_space<vmem>> -> memref<1x128x128xf32, #tpu.memory_space<vmem>>
      %dma_wait3A_1116 = tpu.memref_squeeze %dma_wait3A_1115 : memref<1x128x128xf32, #tpu.memory_space<vmem>> -> memref<128x128xf32, #tpu.memory_space<vmem>>
      %dma_wait3A_1117 = arith.constant 0 : i32
      %dma_wait3A_1118 = tpu.memref_slice %arg4[%add3A_1112, %dma_wait3A_1117] : memref<3276800x128xf32, #tpu.memory_space<hbm>> -> memref<128x128xf32, #tpu.memory_space<hbm>>
      %dma_wait3A_1119 = tpu.memref_slice %arg10[%rem3A_1107] : memref<6x!tpu.dma_semaphore, #tpu.memory_space<semaphore_mem>> -> memref<1x!tpu.dma_semaphore, #tpu.memory_space<semaphore_mem>>
      %dma_wait3A_1120 = tpu.memref_squeeze %dma_wait3A_1119 : memref<1x!tpu.dma_semaphore, #tpu.memory_space<semaphore_mem>> -> memref<!tpu.dma_semaphore, #tpu.memory_space<semaphore_mem>>
      %dma_wait3A_1121 = arith.constant 0 : i32
      %dma_wait3A_1122 = tpu.memref_slice %arg4[%add3A_1112, %dma_wait3A_1121] : memref<3276800x128xf32, #tpu.memory_space<hbm>> -> memref<128x128xf32, #tpu.memory_space<hbm>>
      %dma_wait3A_1123 = arith.constant 0 : i32
      %dma_wait3A_1124 = arith.constant 0 : i32
      %dma_wait3A_1125 = tpu.memref_slice %arg6[%rem3A_1107, %dma_wait3A_1123, %dma_wait3A_1124] : memref<6x128x128xf32, #tpu.memory_space<vmem>> -> memref<1x128x128xf32, #tpu.memory_space<vmem>>
      %dma_wait3A_1126 = tpu.memref_squeeze %dma_wait3A_1125 : memref<1x128x128xf32, #tpu.memory_space<vmem>> -> memref<128x128xf32, #tpu.memory_space<vmem>>
      tpu.wait_dma2 semaphore(%dma_wait3A_1120 : memref<!tpu.dma_semaphore, #tpu.memory_space<semaphore_mem>>) src(%dma_wait3A_1126 : memref<128x128xf32, #tpu.memory_space<vmem>>) dst(%dma_wait3A_1122 : memref<128x128xf32, #tpu.memory_space<hbm>>)
      %dma_start3A_1127 = arith.constant 6 : i32
      %dma_start3A_1128 = arith.constant 0 : i32
      %dma_start3A_1129 = arith.constant 0 : i32
      %dma_start3A_1130 = tpu.memref_slice %arg6[%rem3A_1107, %dma_start3A_1128, %dma_start3A_1129] : memref<6x128x128xf32, #tpu.memory_space<vmem>> -> memref<1x128x128xf32, #tpu.memory_space<vmem>>
      %dma_start3A_1131 = tpu.memref_squeeze %dma_start3A_1130 : memref<1x128x128xf32, #tpu.memory_space<vmem>> -> memref<128x128xf32, #tpu.memory_space<vmem>>
      %dma_start3A_1132 = arith.constant 0 : i32
      %dma_start3A_1133 = tpu.memref_slice %arg5[%select_n3A_636, %dma_start3A_1127, %dma_start3A_1132] : memref<3x8x128xi32, #tpu.memory_space<vmem>> -> memref<1x1x128xi32, #tpu.memory_space<vmem>>
      %dma_start3A_1134 = tpu.memref_squeeze %dma_start3A_1133 : memref<1x1x128xi32, #tpu.memory_space<vmem>> -> memref<128xi32, #tpu.memory_space<vmem>>
      %dma_start3A_1135 = arith.constant 0 : i32
      %dma_start3A_1136 = arith.constant 0 : i32
      %dma_start3A_1137 = tpu.memref_slice %arg7[%dma_start3A_1135, %dma_start3A_1136] : memref<1000x128xf32, #tpu.memory_space<vmem_shared>> -> memref<1000x128xf32, #tpu.memory_space<vmem_shared>>
      %dma_start3A_1138 = tpu.memref_slice %arg9[%rem3A_1107] : memref<6x!tpu.dma_semaphore, #tpu.memory_space<semaphore_mem>> -> memref<1x!tpu.dma_semaphore, #tpu.memory_space<semaphore_mem>>
      %dma_start3A_1139 = tpu.memref_squeeze %dma_start3A_1138 : memref<1x!tpu.dma_semaphore, #tpu.memory_space<semaphore_mem>> -> memref<!tpu.dma_semaphore, #tpu.memory_space<semaphore_mem>>
      tpu.enqueue_indirect_dma source(%dma_start3A_1137 : memref<1000x128xf32, #tpu.memory_space<vmem_shared>>) target(%dma_start3A_1131 : memref<128x128xf32, #tpu.memory_space<vmem>>) offsets(%dma_start3A_1134 : memref<128xi32, #tpu.memory_space<vmem>>) semaphore(%dma_start3A_1139 : memref<!tpu.dma_semaphore, #tpu.memory_space<semaphore_mem>>)
      %sub3A_1140 = arith.constant 3 : i32
      %sub3A_1141 = arith.subi %add3A_1105, %sub3A_1140 : i32
      %rem3A_1142 = arith.constant 6 : i32
      %rem3A_1143 = arith.remsi %sub3A_1141, %rem3A_1142 : i32
      %dma_wait3A_1144 = arith.constant 6 : i32
      %dma_wait3A_1145 = arith.constant 0 : i32
      %dma_wait3A_1146 = arith.constant 0 : i32
      %dma_wait3A_1147 = tpu.memref_slice %arg6[%rem3A_1143, %dma_wait3A_1145, %dma_wait3A_1146] : memref<6x128x128xf32, #tpu.memory_space<vmem>> -> memref<1x128x128xf32, #tpu.memory_space<vmem>>
      %dma_wait3A_1148 = tpu.memref_squeeze %dma_wait3A_1147 : memref<1x128x128xf32, #tpu.memory_space<vmem>> -> memref<128x128xf32, #tpu.memory_space<vmem>>
      %dma_wait3A_1149 = arith.constant 0 : i32
      %dma_wait3A_1150 = tpu.memref_slice %arg5[%select_n3A_636, %dma_wait3A_1144, %dma_wait3A_1149] : memref<3x8x128xi32, #tpu.memory_space<vmem>> -> memref<1x1x128xi32, #tpu.memory_space<vmem>>
      %dma_wait3A_1151 = tpu.memref_squeeze %dma_wait3A_1150 : memref<1x1x128xi32, #tpu.memory_space<vmem>> -> memref<128xi32, #tpu.memory_space<vmem>>
      %dma_wait3A_1152 = arith.constant 0 : i32
      %dma_wait3A_1153 = arith.constant 0 : i32
      %dma_wait3A_1154 = tpu.memref_slice %arg7[%dma_wait3A_1152, %dma_wait3A_1153] : memref<1000x128xf32, #tpu.memory_space<vmem_shared>> -> memref<1000x128xf32, #tpu.memory_space<vmem_shared>>
      %dma_wait3A_1155 = tpu.memref_slice %arg9[%rem3A_1143] : memref<6x!tpu.dma_semaphore, #tpu.memory_space<semaphore_mem>> -> memref<1x!tpu.dma_semaphore, #tpu.memory_space<semaphore_mem>>
      %dma_wait3A_1156 = tpu.memref_squeeze %dma_wait3A_1155 : memref<1x!tpu.dma_semaphore, #tpu.memory_space<semaphore_mem>> -> memref<!tpu.dma_semaphore, #tpu.memory_space<semaphore_mem>>
      tpu.wait_indirect_dma semaphore(%dma_wait3A_1156 : memref<!tpu.dma_semaphore, #tpu.memory_space<semaphore_mem>>) src(%dma_wait3A_1154 : memref<1000x128xf32, #tpu.memory_space<vmem_shared>>) dst(%dma_wait3A_1148 : memref<128x128xf32, #tpu.memory_space<vmem>>)
      %sub3A_1157 = arith.constant 3 : i32
      %sub3A_1158 = arith.subi %add3A_1105, %sub3A_1157 : i32
      %mul3A_1159 = arith.constant 128 : i32
      %mul3A_1160 = arith.muli %sub3A_1158, %mul3A_1159 : i32
      %add3A_1161 = arith.addi %mul3A_2, %mul3A_1160 : i32
      %dma_start3A_1162 = arith.constant 0 : i32
      %dma_start3A_1163 = arith.constant 0 : i32
      %dma_start3A_1164 = tpu.memref_slice %arg6[%rem3A_1143, %dma_start3A_1162, %dma_start3A_1163] : memref<6x128x128xf32, #tpu.memory_space<vmem>> -> memref<1x128x128xf32, #tpu.memory_space<vmem>>
      %dma_start3A_1165 = tpu.memref_squeeze %dma_start3A_1164 : memref<1x128x128xf32, #tpu.memory_space<vmem>> -> memref<128x128xf32, #tpu.memory_space<vmem>>
      %dma_start3A_1166 = arith.constant 0 : i32
      %dma_start3A_1167 = tpu.memref_slice %arg4[%add3A_1161, %dma_start3A_1166] : memref<3276800x128xf32, #tpu.memory_space<hbm>> -> memref<128x128xf32, #tpu.memory_space<hbm>>
      %dma_start3A_1168 = tpu.memref_slice %arg10[%rem3A_1143] : memref<6x!tpu.dma_semaphore, #tpu.memory_space<semaphore_mem>> -> memref<1x!tpu.dma_semaphore, #tpu.memory_space<semaphore_mem>>
      %dma_start3A_1169 = tpu.memref_squeeze %dma_start3A_1168 : memref<1x!tpu.dma_semaphore, #tpu.memory_space<semaphore_mem>> -> memref<!tpu.dma_semaphore, #tpu.memory_space<semaphore_mem>>
      %dma_start3A_1170 = arith.constant 0 : i32
      %dma_start3A_1171 = tpu.memref_slice %arg4[%add3A_1161, %dma_start3A_1170] : memref<3276800x128xf32, #tpu.memory_space<hbm>> -> memref<128x128xf32, #tpu.memory_space<hbm>>
      %dma_start3A_1172 = arith.constant 0 : i32
      %dma_start3A_1173 = arith.constant 0 : i32
      %dma_start3A_1174 = tpu.memref_slice %arg6[%rem3A_1143, %dma_start3A_1172, %dma_start3A_1173] : memref<6x128x128xf32, #tpu.memory_space<vmem>> -> memref<1x128x128xf32, #tpu.memory_space<vmem>>
      %dma_start3A_1175 = tpu.memref_squeeze %dma_start3A_1174 : memref<1x128x128xf32, #tpu.memory_space<vmem>> -> memref<128x128xf32, #tpu.memory_space<vmem>>
      tpu.enqueue_dma source(%dma_start3A_1175 : memref<128x128xf32, #tpu.memory_space<vmem>>) target(%dma_start3A_1171 : memref<128x128xf32, #tpu.memory_space<hbm>>) target_semaphore(%dma_start3A_1169 : memref<!tpu.dma_semaphore, #tpu.memory_space<semaphore_mem>>)
      %mul3A_1176 = arith.constant 8 : i32
      %mul3A_1177 = arith.muli %scan3A_626, %mul3A_1176 : i32
      %add3A_1178 = arith.constant 7 : i32
      %add3A_1179 = arith.addi %mul3A_1177, %add3A_1178 : i32
      %rem3A_1180 = arith.constant 6 : i32
      %rem3A_1181 = arith.remsi %add3A_1179, %rem3A_1180 : i32
      %sub3A_1182 = arith.constant 6 : i32
      %sub3A_1183 = arith.subi %add3A_1179, %sub3A_1182 : i32
      %mul3A_1184 = arith.constant 128 : i32
      %mul3A_1185 = arith.muli %sub3A_1183, %mul3A_1184 : i32
      %add3A_1186 = arith.addi %mul3A_2, %mul3A_1185 : i32
      %dma_wait3A_1187 = arith.constant 0 : i32
      %dma_wait3A_1188 = arith.constant 0 : i32
      %dma_wait3A_1189 = tpu.memref_slice %arg6[%rem3A_1181, %dma_wait3A_1187, %dma_wait3A_1188] : memref<6x128x128xf32, #tpu.memory_space<vmem>> -> memref<1x128x128xf32, #tpu.memory_space<vmem>>
      %dma_wait3A_1190 = tpu.memref_squeeze %dma_wait3A_1189 : memref<1x128x128xf32, #tpu.memory_space<vmem>> -> memref<128x128xf32, #tpu.memory_space<vmem>>
      %dma_wait3A_1191 = arith.constant 0 : i32
      %dma_wait3A_1192 = tpu.memref_slice %arg4[%add3A_1186, %dma_wait3A_1191] : memref<3276800x128xf32, #tpu.memory_space<hbm>> -> memref<128x128xf32, #tpu.memory_space<hbm>>
      %dma_wait3A_1193 = tpu.memref_slice %arg10[%rem3A_1181] : memref<6x!tpu.dma_semaphore, #tpu.memory_space<semaphore_mem>> -> memref<1x!tpu.dma_semaphore, #tpu.memory_space<semaphore_mem>>
      %dma_wait3A_1194 = tpu.memref_squeeze %dma_wait3A_1193 : memref<1x!tpu.dma_semaphore, #tpu.memory_space<semaphore_mem>> -> memref<!tpu.dma_semaphore, #tpu.memory_space<semaphore_mem>>
      %dma_wait3A_1195 = arith.constant 0 : i32
      %dma_wait3A_1196 = tpu.memref_slice %arg4[%add3A_1186, %dma_wait3A_1195] : memref<3276800x128xf32, #tpu.memory_space<hbm>> -> memref<128x128xf32, #tpu.memory_space<hbm>>
      %dma_wait3A_1197 = arith.constant 0 : i32
      %dma_wait3A_1198 = arith.constant 0 : i32
      %dma_wait3A_1199 = tpu.memref_slice %arg6[%rem3A_1181, %dma_wait3A_1197, %dma_wait3A_1198] : memref<6x128x128xf32, #tpu.memory_space<vmem>> -> memref<1x128x128xf32, #tpu.memory_space<vmem>>
      %dma_wait3A_1200 = tpu.memref_squeeze %dma_wait3A_1199 : memref<1x128x128xf32, #tpu.memory_space<vmem>> -> memref<128x128xf32, #tpu.memory_space<vmem>>
      tpu.wait_dma2 semaphore(%dma_wait3A_1194 : memref<!tpu.dma_semaphore, #tpu.memory_space<semaphore_mem>>) src(%dma_wait3A_1200 : memref<128x128xf32, #tpu.memory_space<vmem>>) dst(%dma_wait3A_1196 : memref<128x128xf32, #tpu.memory_space<hbm>>)
      %dma_start3A_1201 = arith.constant 7 : i32
      %dma_start3A_1202 = arith.constant 0 : i32
      %dma_start3A_1203 = arith.constant 0 : i32
      %dma_start3A_1204 = tpu.memref_slice %arg6[%rem3A_1181, %dma_start3A_1202, %dma_start3A_1203] : memref<6x128x128xf32, #tpu.memory_space<vmem>> -> memref<1x128x128xf32, #tpu.memory_space<vmem>>
      %dma_start3A_1205 = tpu.memref_squeeze %dma_start3A_1204 : memref<1x128x128xf32, #tpu.memory_space<vmem>> -> memref<128x128xf32, #tpu.memory_space<vmem>>
      %dma_start3A_1206 = arith.constant 0 : i32
      %dma_start3A_1207 = tpu.memref_slice %arg5[%select_n3A_636, %dma_start3A_1201, %dma_start3A_1206] : memref<3x8x128xi32, #tpu.memory_space<vmem>> -> memref<1x1x128xi32, #tpu.memory_space<vmem>>
      %dma_start3A_1208 = tpu.memref_squeeze %dma_start3A_1207 : memref<1x1x128xi32, #tpu.memory_space<vmem>> -> memref<128xi32, #tpu.memory_space<vmem>>
      %dma_start3A_1209 = arith.constant 0 : i32
      %dma_start3A_1210 = arith.constant 0 : i32
      %dma_start3A_1211 = tpu.memref_slice %arg7[%dma_start3A_1209, %dma_start3A_1210] : memref<1000x128xf32, #tpu.memory_space<vmem_shared>> -> memref<1000x128xf32, #tpu.memory_space<vmem_shared>>
      %dma_start3A_1212 = tpu.memref_slice %arg9[%rem3A_1181] : memref<6x!tpu.dma_semaphore, #tpu.memory_space<semaphore_mem>> -> memref<1x!tpu.dma_semaphore, #tpu.memory_space<semaphore_mem>>
      %dma_start3A_1213 = tpu.memref_squeeze %dma_start3A_1212 : memref<1x!tpu.dma_semaphore, #tpu.memory_space<semaphore_mem>> -> memref<!tpu.dma_semaphore, #tpu.memory_space<semaphore_mem>>
      tpu.enqueue_indirect_dma source(%dma_start3A_1211 : memref<1000x128xf32, #tpu.memory_space<vmem_shared>>) target(%dma_start3A_1205 : memref<128x128xf32, #tpu.memory_space<vmem>>) offsets(%dma_start3A_1208 : memref<128xi32, #tpu.memory_space<vmem>>) semaphore(%dma_start3A_1213 : memref<!tpu.dma_semaphore, #tpu.memory_space<semaphore_mem>>)
      %sub3A_1214 = arith.constant 3 : i32
      %sub3A_1215 = arith.subi %add3A_1179, %sub3A_1214 : i32
      %rem3A_1216 = arith.constant 6 : i32
      %rem3A_1217 = arith.remsi %sub3A_1215, %rem3A_1216 : i32
      %dma_wait3A_1218 = arith.constant 7 : i32
      %dma_wait3A_1219 = arith.constant 0 : i32
      %dma_wait3A_1220 = arith.constant 0 : i32
      %dma_wait3A_1221 = tpu.memref_slice %arg6[%rem3A_1217, %dma_wait3A_1219, %dma_wait3A_1220] : memref<6x128x128xf32, #tpu.memory_space<vmem>> -> memref<1x128x128xf32, #tpu.memory_space<vmem>>
      %dma_wait3A_1222 = tpu.memref_squeeze %dma_wait3A_1221 : memref<1x128x128xf32, #tpu.memory_space<vmem>> -> memref<128x128xf32, #tpu.memory_space<vmem>>
      %dma_wait3A_1223 = arith.constant 0 : i32
      %dma_wait3A_1224 = tpu.memref_slice %arg5[%select_n3A_636, %dma_wait3A_1218, %dma_wait3A_1223] : memref<3x8x128xi32, #tpu.memory_space<vmem>> -> memref<1x1x128xi32, #tpu.memory_space<vmem>>
      %dma_wait3A_1225 = tpu.memref_squeeze %dma_wait3A_1224 : memref<1x1x128xi32, #tpu.memory_space<vmem>> -> memref<128xi32, #tpu.memory_space<vmem>>
      %dma_wait3A_1226 = arith.constant 0 : i32
      %dma_wait3A_1227 = arith.constant 0 : i32
      %dma_wait3A_1228 = tpu.memref_slice %arg7[%dma_wait3A_1226, %dma_wait3A_1227] : memref<1000x128xf32, #tpu.memory_space<vmem_shared>> -> memref<1000x128xf32, #tpu.memory_space<vmem_shared>>
      %dma_wait3A_1229 = tpu.memref_slice %arg9[%rem3A_1217] : memref<6x!tpu.dma_semaphore, #tpu.memory_space<semaphore_mem>> -> memref<1x!tpu.dma_semaphore, #tpu.memory_space<semaphore_mem>>
      %dma_wait3A_1230 = tpu.memref_squeeze %dma_wait3A_1229 : memref<1x!tpu.dma_semaphore, #tpu.memory_space<semaphore_mem>> -> memref<!tpu.dma_semaphore, #tpu.memory_space<semaphore_mem>>
      tpu.wait_indirect_dma semaphore(%dma_wait3A_1230 : memref<!tpu.dma_semaphore, #tpu.memory_space<semaphore_mem>>) src(%dma_wait3A_1228 : memref<1000x128xf32, #tpu.memory_space<vmem_shared>>) dst(%dma_wait3A_1222 : memref<128x128xf32, #tpu.memory_space<vmem>>)
      %sub3A_1231 = arith.constant 3 : i32
      %sub3A_1232 = arith.subi %add3A_1179, %sub3A_1231 : i32
      %mul3A_1233 = arith.constant 128 : i32
      %mul3A_1234 = arith.muli %sub3A_1232, %mul3A_1233 : i32
      %add3A_1235 = arith.addi %mul3A_2, %mul3A_1234 : i32
      %dma_start3A_1236 = arith.constant 0 : i32
      %dma_start3A_1237 = arith.constant 0 : i32
      %dma_start3A_1238 = tpu.memref_slice %arg6[%rem3A_1217, %dma_start3A_1236, %dma_start3A_1237] : memref<6x128x128xf32, #tpu.memory_space<vmem>> -> memref<1x128x128xf32, #tpu.memory_space<vmem>>
      %dma_start3A_1239 = tpu.memref_squeeze %dma_start3A_1238 : memref<1x128x128xf32, #tpu.memory_space<vmem>> -> memref<128x128xf32, #tpu.memory_space<vmem>>
      %dma_start3A_1240 = arith.constant 0 : i32
      %dma_start3A_1241 = tpu.memref_slice %arg4[%add3A_1235, %dma_start3A_1240] : memref<3276800x128xf32, #tpu.memory_space<hbm>> -> memref<128x128xf32, #tpu.memory_space<hbm>>
      %dma_start3A_1242 = tpu.memref_slice %arg10[%rem3A_1217] : memref<6x!tpu.dma_semaphore, #tpu.memory_space<semaphore_mem>> -> memref<1x!tpu.dma_semaphore, #tpu.memory_space<semaphore_mem>>
      %dma_start3A_1243 = tpu.memref_squeeze %dma_start3A_1242 : memref<1x!tpu.dma_semaphore, #tpu.memory_space<semaphore_mem>> -> memref<!tpu.dma_semaphore, #tpu.memory_space<semaphore_mem>>
      %dma_start3A_1244 = arith.constant 0 : i32
      %dma_start3A_1245 = tpu.memref_slice %arg4[%add3A_1235, %dma_start3A_1244] : memref<3276800x128xf32, #tpu.memory_space<hbm>> -> memref<128x128xf32, #tpu.memory_space<hbm>>
      %dma_start3A_1246 = arith.constant 0 : i32
      %dma_start3A_1247 = arith.constant 0 : i32
      %dma_start3A_1248 = tpu.memref_slice %arg6[%rem3A_1217, %dma_start3A_1246, %dma_start3A_1247] : memref<6x128x128xf32, #tpu.memory_space<vmem>> -> memref<1x128x128xf32, #tpu.memory_space<vmem>>
      %dma_start3A_1249 = tpu.memref_squeeze %dma_start3A_1248 : memref<1x128x128xf32, #tpu.memory_space<vmem>> -> memref<128x128xf32, #tpu.memory_space<vmem>>
      tpu.enqueue_dma source(%dma_start3A_1249 : memref<128x128xf32, #tpu.memory_space<vmem>>) target(%dma_start3A_1245 : memref<128x128xf32, #tpu.memory_space<hbm>>) target_semaphore(%dma_start3A_1243 : memref<!tpu.dma_semaphore, #tpu.memory_space<semaphore_mem>>)
    }
    %scan3A_415 = arith.constant 99 : i32
    %dma_wait3A_416 = arith.constant 0 : i32
    %dma_wait3A_417 = arith.constant 0 : i32
    %dma_wait3A_418 = arith.constant 5 : i32
    %dma_wait3A_419 = arith.constant 5 : i32
    %dma_wait3A_420 = arith.constant 0 : i32
    %dma_wait3A_421 = arith.constant 0 : i32
    %dma_wait3A_422 = tpu.memref_slice %arg6[%dma_wait3A_418, %dma_wait3A_420, %dma_wait3A_421] : memref<6x128x128xf32, #tpu.memory_space<vmem>> -> memref<1x128x128xf32, #tpu.memory_space<vmem>>
    %dma_wait3A_423 = tpu.memref_squeeze %dma_wait3A_422 : memref<1x128x128xf32, #tpu.memory_space<vmem>> -> memref<128x128xf32, #tpu.memory_space<vmem>>
    %dma_wait3A_424 = arith.constant 0 : i32
    %dma_wait3A_425 = tpu.memref_slice %arg5[%dma_wait3A_416, %dma_wait3A_417, %dma_wait3A_424] : memref<3x8x128xi32, #tpu.memory_space<vmem>> -> memref<1x1x128xi32, #tpu.memory_space<vmem>>
    %dma_wait3A_426 = tpu.memref_squeeze %dma_wait3A_425 : memref<1x1x128xi32, #tpu.memory_space<vmem>> -> memref<128xi32, #tpu.memory_space<vmem>>
    %dma_wait3A_427 = arith.constant 0 : i32
    %dma_wait3A_428 = arith.constant 0 : i32
    %dma_wait3A_429 = tpu.memref_slice %arg7[%dma_wait3A_427, %dma_wait3A_428] : memref<1000x128xf32, #tpu.memory_space<vmem_shared>> -> memref<1000x128xf32, #tpu.memory_space<vmem_shared>>
    %dma_wait3A_430 = tpu.memref_slice %arg9[%dma_wait3A_419] : memref<6x!tpu.dma_semaphore, #tpu.memory_space<semaphore_mem>> -> memref<1x!tpu.dma_semaphore, #tpu.memory_space<semaphore_mem>>
    %dma_wait3A_431 = tpu.memref_squeeze %dma_wait3A_430 : memref<1x!tpu.dma_semaphore, #tpu.memory_space<semaphore_mem>> -> memref<!tpu.dma_semaphore, #tpu.memory_space<semaphore_mem>>
    tpu.wait_indirect_dma semaphore(%dma_wait3A_431 : memref<!tpu.dma_semaphore, #tpu.memory_space<semaphore_mem>>) src(%dma_wait3A_429 : memref<1000x128xf32, #tpu.memory_space<vmem_shared>>) dst(%dma_wait3A_423 : memref<128x128xf32, #tpu.memory_space<vmem>>)
    %add3A_432 = arith.constant 102016 : i32
    %add3A_433 = arith.addi %mul3A_2, %add3A_432 : i32
    %dma_start3A_434 = arith.constant 5 : i32
    %dma_start3A_435 = arith.constant 5 : i32
    %dma_start3A_436 = arith.constant 0 : i32
    %dma_start3A_437 = arith.constant 0 : i32
    %dma_start3A_438 = tpu.memref_slice %arg6[%dma_start3A_434, %dma_start3A_436, %dma_start3A_437] : memref<6x128x128xf32, #tpu.memory_space<vmem>> -> memref<1x128x128xf32, #tpu.memory_space<vmem>>
    %dma_start3A_439 = tpu.memref_squeeze %dma_start3A_438 : memref<1x128x128xf32, #tpu.memory_space<vmem>> -> memref<128x128xf32, #tpu.memory_space<vmem>>
    %dma_start3A_440 = arith.constant 0 : i32
    %dma_start3A_441 = tpu.memref_slice %arg4[%add3A_433, %dma_start3A_440] : memref<3276800x128xf32, #tpu.memory_space<hbm>> -> memref<128x128xf32, #tpu.memory_space<hbm>>
    %dma_start3A_442 = tpu.memref_slice %arg10[%dma_start3A_435] : memref<6x!tpu.dma_semaphore, #tpu.memory_space<semaphore_mem>> -> memref<1x!tpu.dma_semaphore, #tpu.memory_space<semaphore_mem>>
    %dma_start3A_443 = tpu.memref_squeeze %dma_start3A_442 : memref<1x!tpu.dma_semaphore, #tpu.memory_space<semaphore_mem>> -> memref<!tpu.dma_semaphore, #tpu.memory_space<semaphore_mem>>
    %dma_start3A_444 = arith.constant 0 : i32
    %dma_start3A_445 = tpu.memref_slice %arg4[%add3A_433, %dma_start3A_444] : memref<3276800x128xf32, #tpu.memory_space<hbm>> -> memref<128x128xf32, #tpu.memory_space<hbm>>
    %dma_start3A_446 = arith.constant 0 : i32
    %dma_start3A_447 = arith.constant 0 : i32
    %dma_start3A_448 = tpu.memref_slice %arg6[%dma_start3A_434, %dma_start3A_446, %dma_start3A_447] : memref<6x128x128xf32, #tpu.memory_space<vmem>> -> memref<1x128x128xf32, #tpu.memory_space<vmem>>
    %dma_start3A_449 = tpu.memref_squeeze %dma_start3A_448 : memref<1x128x128xf32, #tpu.memory_space<vmem>> -> memref<128x128xf32, #tpu.memory_space<vmem>>
    tpu.enqueue_dma source(%dma_start3A_449 : memref<128x128xf32, #tpu.memory_space<vmem>>) target(%dma_start3A_445 : memref<128x128xf32, #tpu.memory_space<hbm>>) target_semaphore(%dma_start3A_443 : memref<!tpu.dma_semaphore, #tpu.memory_space<semaphore_mem>>)
    %dma_wait3A_450 = arith.constant 0 : i32
    %dma_wait3A_451 = arith.constant 0 : i32
    %dma_wait3A_452 = arith.constant 0 : i32
    %dma_wait3A_453 = arith.constant 0 : i32
    %dma_wait3A_454 = arith.constant 0 : i32
    %dma_wait3A_455 = arith.constant 0 : i32
    %dma_wait3A_456 = tpu.memref_slice %arg6[%dma_wait3A_452, %dma_wait3A_454, %dma_wait3A_455] : memref<6x128x128xf32, #tpu.memory_space<vmem>> -> memref<1x128x128xf32, #tpu.memory_space<vmem>>
    %dma_wait3A_457 = tpu.memref_squeeze %dma_wait3A_456 : memref<1x128x128xf32, #tpu.memory_space<vmem>> -> memref<128x128xf32, #tpu.memory_space<vmem>>
    %dma_wait3A_458 = arith.constant 0 : i32
    %dma_wait3A_459 = tpu.memref_slice %arg5[%dma_wait3A_450, %dma_wait3A_451, %dma_wait3A_458] : memref<3x8x128xi32, #tpu.memory_space<vmem>> -> memref<1x1x128xi32, #tpu.memory_space<vmem>>
    %dma_wait3A_460 = tpu.memref_squeeze %dma_wait3A_459 : memref<1x1x128xi32, #tpu.memory_space<vmem>> -> memref<128xi32, #tpu.memory_space<vmem>>
    %dma_wait3A_461 = arith.constant 0 : i32
    %dma_wait3A_462 = arith.constant 0 : i32
    %dma_wait3A_463 = tpu.memref_slice %arg7[%dma_wait3A_461, %dma_wait3A_462] : memref<1000x128xf32, #tpu.memory_space<vmem_shared>> -> memref<1000x128xf32, #tpu.memory_space<vmem_shared>>
    %dma_wait3A_464 = tpu.memref_slice %arg9[%dma_wait3A_453] : memref<6x!tpu.dma_semaphore, #tpu.memory_space<semaphore_mem>> -> memref<1x!tpu.dma_semaphore, #tpu.memory_space<semaphore_mem>>
    %dma_wait3A_465 = tpu.memref_squeeze %dma_wait3A_464 : memref<1x!tpu.dma_semaphore, #tpu.memory_space<semaphore_mem>> -> memref<!tpu.dma_semaphore, #tpu.memory_space<semaphore_mem>>
    tpu.wait_indirect_dma semaphore(%dma_wait3A_465 : memref<!tpu.dma_semaphore, #tpu.memory_space<semaphore_mem>>) src(%dma_wait3A_463 : memref<1000x128xf32, #tpu.memory_space<vmem_shared>>) dst(%dma_wait3A_457 : memref<128x128xf32, #tpu.memory_space<vmem>>)
    %add3A_466 = arith.constant 102144 : i32
    %add3A_467 = arith.addi %mul3A_2, %add3A_466 : i32
    %dma_start3A_468 = arith.constant 0 : i32
    %dma_start3A_469 = arith.constant 0 : i32
    %dma_start3A_470 = arith.constant 0 : i32
    %dma_start3A_471 = arith.constant 0 : i32
    %dma_start3A_472 = tpu.memref_slice %arg6[%dma_start3A_468, %dma_start3A_470, %dma_start3A_471] : memref<6x128x128xf32, #tpu.memory_space<vmem>> -> memref<1x128x128xf32, #tpu.memory_space<vmem>>
    %dma_start3A_473 = tpu.memref_squeeze %dma_start3A_472 : memref<1x128x128xf32, #tpu.memory_space<vmem>> -> memref<128x128xf32, #tpu.memory_space<vmem>>
    %dma_start3A_474 = arith.constant 0 : i32
    %dma_start3A_475 = tpu.memref_slice %arg4[%add3A_467, %dma_start3A_474] : memref<3276800x128xf32, #tpu.memory_space<hbm>> -> memref<128x128xf32, #tpu.memory_space<hbm>>
    %dma_start3A_476 = tpu.memref_slice %arg10[%dma_start3A_469] : memref<6x!tpu.dma_semaphore, #tpu.memory_space<semaphore_mem>> -> memref<1x!tpu.dma_semaphore, #tpu.memory_space<semaphore_mem>>
    %dma_start3A_477 = tpu.memref_squeeze %dma_start3A_476 : memref<1x!tpu.dma_semaphore, #tpu.memory_space<semaphore_mem>> -> memref<!tpu.dma_semaphore, #tpu.memory_space<semaphore_mem>>
    %dma_start3A_478 = arith.constant 0 : i32
    %dma_start3A_479 = tpu.memref_slice %arg4[%add3A_467, %dma_start3A_478] : memref<3276800x128xf32, #tpu.memory_space<hbm>> -> memref<128x128xf32, #tpu.memory_space<hbm>>
    %dma_start3A_480 = arith.constant 0 : i32
    %dma_start3A_481 = arith.constant 0 : i32
    %dma_start3A_482 = tpu.memref_slice %arg6[%dma_start3A_468, %dma_start3A_480, %dma_start3A_481] : memref<6x128x128xf32, #tpu.memory_space<vmem>> -> memref<1x128x128xf32, #tpu.memory_space<vmem>>
    %dma_start3A_483 = tpu.memref_squeeze %dma_start3A_482 : memref<1x128x128xf32, #tpu.memory_space<vmem>> -> memref<128x128xf32, #tpu.memory_space<vmem>>
    tpu.enqueue_dma source(%dma_start3A_483 : memref<128x128xf32, #tpu.memory_space<vmem>>) target(%dma_start3A_479 : memref<128x128xf32, #tpu.memory_space<hbm>>) target_semaphore(%dma_start3A_477 : memref<!tpu.dma_semaphore, #tpu.memory_space<semaphore_mem>>)
    %dma_wait3A_484 = arith.constant 0 : i32
    %dma_wait3A_485 = arith.constant 0 : i32
    %dma_wait3A_486 = arith.constant 1 : i32
    %dma_wait3A_487 = arith.constant 1 : i32
    %dma_wait3A_488 = arith.constant 0 : i32
    %dma_wait3A_489 = arith.constant 0 : i32
    %dma_wait3A_490 = tpu.memref_slice %arg6[%dma_wait3A_486, %dma_wait3A_488, %dma_wait3A_489] : memref<6x128x128xf32, #tpu.memory_space<vmem>> -> memref<1x128x128xf32, #tpu.memory_space<vmem>>
    %dma_wait3A_491 = tpu.memref_squeeze %dma_wait3A_490 : memref<1x128x128xf32, #tpu.memory_space<vmem>> -> memref<128x128xf32, #tpu.memory_space<vmem>>
    %dma_wait3A_492 = arith.constant 0 : i32
    %dma_wait3A_493 = tpu.memref_slice %arg5[%dma_wait3A_484, %dma_wait3A_485, %dma_wait3A_492] : memref<3x8x128xi32, #tpu.memory_space<vmem>> -> memref<1x1x128xi32, #tpu.memory_space<vmem>>
    %dma_wait3A_494 = tpu.memref_squeeze %dma_wait3A_493 : memref<1x1x128xi32, #tpu.memory_space<vmem>> -> memref<128xi32, #tpu.memory_space<vmem>>
    %dma_wait3A_495 = arith.constant 0 : i32
    %dma_wait3A_496 = arith.constant 0 : i32
    %dma_wait3A_497 = tpu.memref_slice %arg7[%dma_wait3A_495, %dma_wait3A_496] : memref<1000x128xf32, #tpu.memory_space<vmem_shared>> -> memref<1000x128xf32, #tpu.memory_space<vmem_shared>>
    %dma_wait3A_498 = tpu.memref_slice %arg9[%dma_wait3A_487] : memref<6x!tpu.dma_semaphore, #tpu.memory_space<semaphore_mem>> -> memref<1x!tpu.dma_semaphore, #tpu.memory_space<semaphore_mem>>
    %dma_wait3A_499 = tpu.memref_squeeze %dma_wait3A_498 : memref<1x!tpu.dma_semaphore, #tpu.memory_space<semaphore_mem>> -> memref<!tpu.dma_semaphore, #tpu.memory_space<semaphore_mem>>
    tpu.wait_indirect_dma semaphore(%dma_wait3A_499 : memref<!tpu.dma_semaphore, #tpu.memory_space<semaphore_mem>>) src(%dma_wait3A_497 : memref<1000x128xf32, #tpu.memory_space<vmem_shared>>) dst(%dma_wait3A_491 : memref<128x128xf32, #tpu.memory_space<vmem>>)
    %add3A_500 = arith.constant 102272 : i32
    %add3A_501 = arith.addi %mul3A_2, %add3A_500 : i32
    %dma_start3A_502 = arith.constant 1 : i32
    %dma_start3A_503 = arith.constant 1 : i32
    %dma_start3A_504 = arith.constant 0 : i32
    %dma_start3A_505 = arith.constant 0 : i32
    %dma_start3A_506 = tpu.memref_slice %arg6[%dma_start3A_502, %dma_start3A_504, %dma_start3A_505] : memref<6x128x128xf32, #tpu.memory_space<vmem>> -> memref<1x128x128xf32, #tpu.memory_space<vmem>>
    %dma_start3A_507 = tpu.memref_squeeze %dma_start3A_506 : memref<1x128x128xf32, #tpu.memory_space<vmem>> -> memref<128x128xf32, #tpu.memory_space<vmem>>
    %dma_start3A_508 = arith.constant 0 : i32
    %dma_start3A_509 = tpu.memref_slice %arg4[%add3A_501, %dma_start3A_508] : memref<3276800x128xf32, #tpu.memory_space<hbm>> -> memref<128x128xf32, #tpu.memory_space<hbm>>
    %dma_start3A_510 = tpu.memref_slice %arg10[%dma_start3A_503] : memref<6x!tpu.dma_semaphore, #tpu.memory_space<semaphore_mem>> -> memref<1x!tpu.dma_semaphore, #tpu.memory_space<semaphore_mem>>
    %dma_start3A_511 = tpu.memref_squeeze %dma_start3A_510 : memref<1x!tpu.dma_semaphore, #tpu.memory_space<semaphore_mem>> -> memref<!tpu.dma_semaphore, #tpu.memory_space<semaphore_mem>>
    %dma_start3A_512 = arith.constant 0 : i32
    %dma_start3A_513 = tpu.memref_slice %arg4[%add3A_501, %dma_start3A_512] : memref<3276800x128xf32, #tpu.memory_space<hbm>> -> memref<128x128xf32, #tpu.memory_space<hbm>>
    %dma_start3A_514 = arith.constant 0 : i32
    %dma_start3A_515 = arith.constant 0 : i32
    %dma_start3A_516 = tpu.memref_slice %arg6[%dma_start3A_502, %dma_start3A_514, %dma_start3A_515] : memref<6x128x128xf32, #tpu.memory_space<vmem>> -> memref<1x128x128xf32, #tpu.memory_space<vmem>>
    %dma_start3A_517 = tpu.memref_squeeze %dma_start3A_516 : memref<1x128x128xf32, #tpu.memory_space<vmem>> -> memref<128x128xf32, #tpu.memory_space<vmem>>
    tpu.enqueue_dma source(%dma_start3A_517 : memref<128x128xf32, #tpu.memory_space<vmem>>) target(%dma_start3A_513 : memref<128x128xf32, #tpu.memory_space<hbm>>) target_semaphore(%dma_start3A_511 : memref<!tpu.dma_semaphore, #tpu.memory_space<semaphore_mem>>)
    %add3A_518 = arith.constant 101632 : i32
    %add3A_519 = arith.addi %mul3A_2, %add3A_518 : i32
    %dma_wait3A_520 = arith.constant 2 : i32
    %dma_wait3A_521 = arith.constant 2 : i32
    %dma_wait3A_522 = arith.constant 0 : i32
    %dma_wait3A_523 = arith.constant 0 : i32
    %dma_wait3A_524 = tpu.memref_slice %arg6[%dma_wait3A_520, %dma_wait3A_522, %dma_wait3A_523] : memref<6x128x128xf32, #tpu.memory_space<vmem>> -> memref<1x128x128xf32, #tpu.memory_space<vmem>>
    %dma_wait3A_525 = tpu.memref_squeeze %dma_wait3A_524 : memref<1x128x128xf32, #tpu.memory_space<vmem>> -> memref<128x128xf32, #tpu.memory_space<vmem>>
    %dma_wait3A_526 = arith.constant 0 : i32
    %dma_wait3A_527 = tpu.memref_slice %arg4[%add3A_519, %dma_wait3A_526] : memref<3276800x128xf32, #tpu.memory_space<hbm>> -> memref<128x128xf32, #tpu.memory_space<hbm>>
    %dma_wait3A_528 = tpu.memref_slice %arg10[%dma_wait3A_521] : memref<6x!tpu.dma_semaphore, #tpu.memory_space<semaphore_mem>> -> memref<1x!tpu.dma_semaphore, #tpu.memory_space<semaphore_mem>>
    %dma_wait3A_529 = tpu.memref_squeeze %dma_wait3A_528 : memref<1x!tpu.dma_semaphore, #tpu.memory_space<semaphore_mem>> -> memref<!tpu.dma_semaphore, #tpu.memory_space<semaphore_mem>>
    %dma_wait3A_530 = arith.constant 0 : i32
    %dma_wait3A_531 = tpu.memref_slice %arg4[%add3A_519, %dma_wait3A_530] : memref<3276800x128xf32, #tpu.memory_space<hbm>> -> memref<128x128xf32, #tpu.memory_space<hbm>>
    %dma_wait3A_532 = arith.constant 0 : i32
    %dma_wait3A_533 = arith.constant 0 : i32
    %dma_wait3A_534 = tpu.memref_slice %arg6[%dma_wait3A_520, %dma_wait3A_532, %dma_wait3A_533] : memref<6x128x128xf32, #tpu.memory_space<vmem>> -> memref<1x128x128xf32, #tpu.memory_space<vmem>>
    %dma_wait3A_535 = tpu.memref_squeeze %dma_wait3A_534 : memref<1x128x128xf32, #tpu.memory_space<vmem>> -> memref<128x128xf32, #tpu.memory_space<vmem>>
    tpu.wait_dma2 semaphore(%dma_wait3A_529 : memref<!tpu.dma_semaphore, #tpu.memory_space<semaphore_mem>>) src(%dma_wait3A_535 : memref<128x128xf32, #tpu.memory_space<vmem>>) dst(%dma_wait3A_531 : memref<128x128xf32, #tpu.memory_space<hbm>>)
    %add3A_536 = arith.constant 101760 : i32
    %add3A_537 = arith.addi %mul3A_2, %add3A_536 : i32
    %dma_wait3A_538 = arith.constant 3 : i32
    %dma_wait3A_539 = arith.constant 3 : i32
    %dma_wait3A_540 = arith.constant 0 : i32
    %dma_wait3A_541 = arith.constant 0 : i32
    %dma_wait3A_542 = tpu.memref_slice %arg6[%dma_wait3A_538, %dma_wait3A_540, %dma_wait3A_541] : memref<6x128x128xf32, #tpu.memory_space<vmem>> -> memref<1x128x128xf32, #tpu.memory_space<vmem>>
    %dma_wait3A_543 = tpu.memref_squeeze %dma_wait3A_542 : memref<1x128x128xf32, #tpu.memory_space<vmem>> -> memref<128x128xf32, #tpu.memory_space<vmem>>
    %dma_wait3A_544 = arith.constant 0 : i32
    %dma_wait3A_545 = tpu.memref_slice %arg4[%add3A_537, %dma_wait3A_544] : memref<3276800x128xf32, #tpu.memory_space<hbm>> -> memref<128x128xf32, #tpu.memory_space<hbm>>
    %dma_wait3A_546 = tpu.memref_slice %arg10[%dma_wait3A_539] : memref<6x!tpu.dma_semaphore, #tpu.memory_space<semaphore_mem>> -> memref<1x!tpu.dma_semaphore, #tpu.memory_space<semaphore_mem>>
    %dma_wait3A_547 = tpu.memref_squeeze %dma_wait3A_546 : memref<1x!tpu.dma_semaphore, #tpu.memory_space<semaphore_mem>> -> memref<!tpu.dma_semaphore, #tpu.memory_space<semaphore_mem>>
    %dma_wait3A_548 = arith.constant 0 : i32
    %dma_wait3A_549 = tpu.memref_slice %arg4[%add3A_537, %dma_wait3A_548] : memref<3276800x128xf32, #tpu.memory_space<hbm>> -> memref<128x128xf32, #tpu.memory_space<hbm>>
    %dma_wait3A_550 = arith.constant 0 : i32
    %dma_wait3A_551 = arith.constant 0 : i32
    %dma_wait3A_552 = tpu.memref_slice %arg6[%dma_wait3A_538, %dma_wait3A_550, %dma_wait3A_551] : memref<6x128x128xf32, #tpu.memory_space<vmem>> -> memref<1x128x128xf32, #tpu.memory_space<vmem>>
    %dma_wait3A_553 = tpu.memref_squeeze %dma_wait3A_552 : memref<1x128x128xf32, #tpu.memory_space<vmem>> -> memref<128x128xf32, #tpu.memory_space<vmem>>
    tpu.wait_dma2 semaphore(%dma_wait3A_547 : memref<!tpu.dma_semaphore, #tpu.memory_space<semaphore_mem>>) src(%dma_wait3A_553 : memref<128x128xf32, #tpu.memory_space<vmem>>) dst(%dma_wait3A_549 : memref<128x128xf32, #tpu.memory_space<hbm>>)
    %add3A_554 = arith.constant 101888 : i32
    %add3A_555 = arith.addi %mul3A_2, %add3A_554 : i32
    %dma_wait3A_556 = arith.constant 4 : i32
    %dma_wait3A_557 = arith.constant 4 : i32
    %dma_wait3A_558 = arith.constant 0 : i32
    %dma_wait3A_559 = arith.constant 0 : i32
    %dma_wait3A_560 = tpu.memref_slice %arg6[%dma_wait3A_556, %dma_wait3A_558, %dma_wait3A_559] : memref<6x128x128xf32, #tpu.memory_space<vmem>> -> memref<1x128x128xf32, #tpu.memory_space<vmem>>
    %dma_wait3A_561 = tpu.memref_squeeze %dma_wait3A_560 : memref<1x128x128xf32, #tpu.memory_space<vmem>> -> memref<128x128xf32, #tpu.memory_space<vmem>>
    %dma_wait3A_562 = arith.constant 0 : i32
    %dma_wait3A_563 = tpu.memref_slice %arg4[%add3A_555, %dma_wait3A_562] : memref<3276800x128xf32, #tpu.memory_space<hbm>> -> memref<128x128xf32, #tpu.memory_space<hbm>>
    %dma_wait3A_564 = tpu.memref_slice %arg10[%dma_wait3A_557] : memref<6x!tpu.dma_semaphore, #tpu.memory_space<semaphore_mem>> -> memref<1x!tpu.dma_semaphore, #tpu.memory_space<semaphore_mem>>
    %dma_wait3A_565 = tpu.memref_squeeze %dma_wait3A_564 : memref<1x!tpu.dma_semaphore, #tpu.memory_space<semaphore_mem>> -> memref<!tpu.dma_semaphore, #tpu.memory_space<semaphore_mem>>
    %dma_wait3A_566 = arith.constant 0 : i32
    %dma_wait3A_567 = tpu.memref_slice %arg4[%add3A_555, %dma_wait3A_566] : memref<3276800x128xf32, #tpu.memory_space<hbm>> -> memref<128x128xf32, #tpu.memory_space<hbm>>
    %dma_wait3A_568 = arith.constant 0 : i32
    %dma_wait3A_569 = arith.constant 0 : i32
    %dma_wait3A_570 = tpu.memref_slice %arg6[%dma_wait3A_556, %dma_wait3A_568, %dma_wait3A_569] : memref<6x128x128xf32, #tpu.memory_space<vmem>> -> memref<1x128x128xf32, #tpu.memory_space<vmem>>
    %dma_wait3A_571 = tpu.memref_squeeze %dma_wait3A_570 : memref<1x128x128xf32, #tpu.memory_space<vmem>> -> memref<128x128xf32, #tpu.memory_space<vmem>>
    tpu.wait_dma2 semaphore(%dma_wait3A_565 : memref<!tpu.dma_semaphore, #tpu.memory_space<semaphore_mem>>) src(%dma_wait3A_571 : memref<128x128xf32, #tpu.memory_space<vmem>>) dst(%dma_wait3A_567 : memref<128x128xf32, #tpu.memory_space<hbm>>)
    %add3A_572 = arith.constant 102016 : i32
    %add3A_573 = arith.addi %mul3A_2, %add3A_572 : i32
    %dma_wait3A_574 = arith.constant 5 : i32
    %dma_wait3A_575 = arith.constant 5 : i32
    %dma_wait3A_576 = arith.constant 0 : i32
    %dma_wait3A_577 = arith.constant 0 : i32
    %dma_wait3A_578 = tpu.memref_slice %arg6[%dma_wait3A_574, %dma_wait3A_576, %dma_wait3A_577] : memref<6x128x128xf32, #tpu.memory_space<vmem>> -> memref<1x128x128xf32, #tpu.memory_space<vmem>>
    %dma_wait3A_579 = tpu.memref_squeeze %dma_wait3A_578 : memref<1x128x128xf32, #tpu.memory_space<vmem>> -> memref<128x128xf32, #tpu.memory_space<vmem>>
    %dma_wait3A_580 = arith.constant 0 : i32
    %dma_wait3A_581 = tpu.memref_slice %arg4[%add3A_573, %dma_wait3A_580] : memref<3276800x128xf32, #tpu.memory_space<hbm>> -> memref<128x128xf32, #tpu.memory_space<hbm>>
    %dma_wait3A_582 = tpu.memref_slice %arg10[%dma_wait3A_575] : memref<6x!tpu.dma_semaphore, #tpu.memory_space<semaphore_mem>> -> memref<1x!tpu.dma_semaphore, #tpu.memory_space<semaphore_mem>>
    %dma_wait3A_583 = tpu.memref_squeeze %dma_wait3A_582 : memref<1x!tpu.dma_semaphore, #tpu.memory_space<semaphore_mem>> -> memref<!tpu.dma_semaphore, #tpu.memory_space<semaphore_mem>>
    %dma_wait3A_584 = arith.constant 0 : i32
    %dma_wait3A_585 = tpu.memref_slice %arg4[%add3A_573, %dma_wait3A_584] : memref<3276800x128xf32, #tpu.memory_space<hbm>> -> memref<128x128xf32, #tpu.memory_space<hbm>>
    %dma_wait3A_586 = arith.constant 0 : i32
    %dma_wait3A_587 = arith.constant 0 : i32
    %dma_wait3A_588 = tpu.memref_slice %arg6[%dma_wait3A_574, %dma_wait3A_586, %dma_wait3A_587] : memref<6x128x128xf32, #tpu.memory_space<vmem>> -> memref<1x128x128xf32, #tpu.memory_space<vmem>>
    %dma_wait3A_589 = tpu.memref_squeeze %dma_wait3A_588 : memref<1x128x128xf32, #tpu.memory_space<vmem>> -> memref<128x128xf32, #tpu.memory_space<vmem>>
    tpu.wait_dma2 semaphore(%dma_wait3A_583 : memref<!tpu.dma_semaphore, #tpu.memory_space<semaphore_mem>>) src(%dma_wait3A_589 : memref<128x128xf32, #tpu.memory_space<vmem>>) dst(%dma_wait3A_585 : memref<128x128xf32, #tpu.memory_space<hbm>>)
    %add3A_590 = arith.constant 102144 : i32
    %add3A_591 = arith.addi %mul3A_2, %add3A_590 : i32
    %dma_wait3A_592 = arith.constant 0 : i32
    %dma_wait3A_593 = arith.constant 0 : i32
    %dma_wait3A_594 = arith.constant 0 : i32
    %dma_wait3A_595 = arith.constant 0 : i32
    %dma_wait3A_596 = tpu.memref_slice %arg6[%dma_wait3A_592, %dma_wait3A_594, %dma_wait3A_595] : memref<6x128x128xf32, #tpu.memory_space<vmem>> -> memref<1x128x128xf32, #tpu.memory_space<vmem>>
    %dma_wait3A_597 = tpu.memref_squeeze %dma_wait3A_596 : memref<1x128x128xf32, #tpu.memory_space<vmem>> -> memref<128x128xf32, #tpu.memory_space<vmem>>
    %dma_wait3A_598 = arith.constant 0 : i32
    %dma_wait3A_599 = tpu.memref_slice %arg4[%add3A_591, %dma_wait3A_598] : memref<3276800x128xf32, #tpu.memory_space<hbm>> -> memref<128x128xf32, #tpu.memory_space<hbm>>
    %dma_wait3A_600 = tpu.memref_slice %arg10[%dma_wait3A_593] : memref<6x!tpu.dma_semaphore, #tpu.memory_space<semaphore_mem>> -> memref<1x!tpu.dma_semaphore, #tpu.memory_space<semaphore_mem>>
    %dma_wait3A_601 = tpu.memref_squeeze %dma_wait3A_600 : memref<1x!tpu.dma_semaphore, #tpu.memory_space<semaphore_mem>> -> memref<!tpu.dma_semaphore, #tpu.memory_space<semaphore_mem>>
    %dma_wait3A_602 = arith.constant 0 : i32
    %dma_wait3A_603 = tpu.memref_slice %arg4[%add3A_591, %dma_wait3A_602] : memref<3276800x128xf32, #tpu.memory_space<hbm>> -> memref<128x128xf32, #tpu.memory_space<hbm>>
    %dma_wait3A_604 = arith.constant 0 : i32
    %dma_wait3A_605 = arith.constant 0 : i32
    %dma_wait3A_606 = tpu.memref_slice %arg6[%dma_wait3A_592, %dma_wait3A_604, %dma_wait3A_605] : memref<6x128x128xf32, #tpu.memory_space<vmem>> -> memref<1x128x128xf32, #tpu.memory_space<vmem>>
    %dma_wait3A_607 = tpu.memref_squeeze %dma_wait3A_606 : memref<1x128x128xf32, #tpu.memory_space<vmem>> -> memref<128x128xf32, #tpu.memory_space<vmem>>
    tpu.wait_dma2 semaphore(%dma_wait3A_601 : memref<!tpu.dma_semaphore, #tpu.memory_space<semaphore_mem>>) src(%dma_wait3A_607 : memref<128x128xf32, #tpu.memory_space<vmem>>) dst(%dma_wait3A_603 : memref<128x128xf32, #tpu.memory_space<hbm>>)
    %add3A_608 = arith.constant 102272 : i32
    %add3A_609 = arith.addi %mul3A_2, %add3A_608 : i32
    %dma_wait3A_610 = arith.constant 1 : i32
    %dma_wait3A_611 = arith.constant 1 : i32
    %dma_wait3A_612 = arith.constant 0 : i32
    %dma_wait3A_613 = arith.constant 0 : i32
    %dma_wait3A_614 = tpu.memref_slice %arg6[%dma_wait3A_610, %dma_wait3A_612, %dma_wait3A_613] : memref<6x128x128xf32, #tpu.memory_space<vmem>> -> memref<1x128x128xf32, #tpu.memory_space<vmem>>
    %dma_wait3A_615 = tpu.memref_squeeze %dma_wait3A_614 : memref<1x128x128xf32, #tpu.memory_space<vmem>> -> memref<128x128xf32, #tpu.memory_space<vmem>>
    %dma_wait3A_616 = arith.constant 0 : i32
    %dma_wait3A_617 = tpu.memref_slice %arg4[%add3A_609, %dma_wait3A_616] : memref<3276800x128xf32, #tpu.memory_space<hbm>> -> memref<128x128xf32, #tpu.memory_space<hbm>>
    %dma_wait3A_618 = tpu.memref_slice %arg10[%dma_wait3A_611] : memref<6x!tpu.dma_semaphore, #tpu.memory_space<semaphore_mem>> -> memref<1x!tpu.dma_semaphore, #tpu.memory_space<semaphore_mem>>
    %dma_wait3A_619 = tpu.memref_squeeze %dma_wait3A_618 : memref<1x!tpu.dma_semaphore, #tpu.memory_space<semaphore_mem>> -> memref<!tpu.dma_semaphore, #tpu.memory_space<semaphore_mem>>
    %dma_wait3A_620 = arith.constant 0 : i32
    %dma_wait3A_621 = tpu.memref_slice %arg4[%add3A_609, %dma_wait3A_620] : memref<3276800x128xf32, #tpu.memory_space<hbm>> -> memref<128x128xf32, #tpu.memory_space<hbm>>
    %dma_wait3A_622 = arith.constant 0 : i32
    %dma_wait3A_623 = arith.constant 0 : i32
    %dma_wait3A_624 = tpu.memref_slice %arg6[%dma_wait3A_610, %dma_wait3A_622, %dma_wait3A_623] : memref<6x128x128xf32, #tpu.memory_space<vmem>> -> memref<1x128x128xf32, #tpu.memory_space<vmem>>
    %dma_wait3A_625 = tpu.memref_squeeze %dma_wait3A_624 : memref<1x128x128xf32, #tpu.memory_space<vmem>> -> memref<128x128xf32, #tpu.memory_space<vmem>>
    tpu.wait_dma2 semaphore(%dma_wait3A_619 : memref<!tpu.dma_semaphore, #tpu.memory_space<semaphore_mem>>) src(%dma_wait3A_625 : memref<128x128xf32, #tpu.memory_space<vmem>>) dst(%dma_wait3A_621 : memref<128x128xf32, #tpu.memory_space<hbm>>)
    return
  }
}

</mosaic_0001>

<sc_bundles>
// kernel: kernel.3.cloned.1.call-start
scs
__scs_entry_jumppad:
0x0: {  	(pc) =	sbr.rel $0x88, $3  }
0x1: {  	(tag) =	ssettag $0x0;
	lr =	simm.s32 $0x1  }
0x2: {  	[smem:$0x3F9F] =	sst lr;
	_ =	strace $0xD0000000  }
0x3: {  	_ = 	snop  }
0x4: {  	_ = 	snop  }
0x5: {  	_ = 	snop  }
0x6: {  	_ = 	snop  }
0x7: {  	_ = 	snop  }
__scs_overlays_trampoline_lowered:
0x8: {  	[smem:$0x3FAE] =	sst s0  }
0x9: {  	[smem:$0x3FAF] =	sst s1  }
0xa: {  	[smem:$0x3FB0] =	sst s2  }
0xb: {  	[smem:$0x3FB1] =	sst s3  }
0xc: {  	[smem:$0x3FB2] =	sst s4  }
0xd: {  	[smem:$0x3FB3] =	sst s5  }
0xe: {  	[smem:$0x3FB4] =	sst s6  }
0xf: {  	[smem:$0x3FB5] =	sst s7  }
0x10: {  	[smem:$0x3FB6] =	sst s8  }
0x11: {  	[smem:$0x3FB7] =	sst s9;
	s0 =	simm.s32 @!p0 $0x0  }
0x12: {  	s1 =	sld [smem:$0x3F9D];
	s0 =	simm.s32 @p0 $0x1  }
0x13: {  	[smem:$0x3FB8] =	sst s0;
	s0 =	simm.s32 @!p1 $0x0  }
0x14: {  	s2 =	sld [smem:$0x3F9C];
	s0 =	simm.s32 @p1 $0x1  }
0x15: {  	[smem:$0x3FB9] =	sst s0;
	s0 =	simm.s32 @!p2 $0x0  }
0x16: {  	s3 =	sld [smem:$0x3FDB];
	s0 =	simm.s32 @p2 $0x1  }
0x17: {  	s4 =	simm.s32 $0x1BF5;
	[smem:$0x3FBB] =	sst s0  }
0x18: {  	s0 =	sld [smem:$0x3F9E];
	_ =	swait.ge [sflag:s4], $0x0  }
0x19: {  	s7 =	sld [smem:$0x3F9F]  }
0x1a: {  	s8 =	sadd.s32 $0xFFFFE003, lr  }
0x1b: {  	s9 =	sadd.s32 $0xFFFFFEF7, lr;
	s5 =	simm.s32 $0xFFFFFFFF;
	p2 =	slt.u32 s8, $0xFFFFF086  }
0x1c: {  	p1 =	slt.u32 s9, $0xF7A;
	s5 =	simm.s32 @!p2 $0x0  }
0x1d: {  	s5 =	simm.s32 @p1 $0x1;
	p0 =	seq.s32 s7, s2  }
0x1e: {  	s7 =	smul.u32 @!p0 $0xF7A, s2;
	p2 =	seq.s32 @!p0 s5, $0x0  }
0x1f: {  	s9 =	smul.u32 $0xF7A, s1;
	s8 =	simm.s32 @!p0 $0x1BF5;
	p2 =	por !p2, p0  }
0x20: {  	[sflag:s8] =	ssyncset.s32 @!p0 $0xFFFFF086;
	s6 =	sadd.s32 @!p0 s3, s7;
	s7 =	simm.s32 @!p0 $0x108  }
0x21: {  	s3 =	sadd.s32 s3, s9;
	s6 =	sadd.s32 @!p0 $0x88, s6;
	s7 =	simm.s32 @p2 $0x1082  }
0x22: {  	[simem:s7], [sflag:s8] =	dma.local @!p0 [hbm:s6], $0xF7A  }
0x23: {  	s9 =	sor.u32 $0xD0000000, s2;
	s6 =	simm.s32 $0x108;
	_ =	swait.ge @!p0 [sflag:s8], $0x0  }
0x24: {  	s3 =	sadd.s32 $0x88, s3;
	s6 =	simm.s32 @!p1 $0x1082;
	[sflag:s4] =	ssyncset.s32 $0xFFFFF086  }
0x25: {  	[simem:s6], [sflag:s4] =	dma.local [hbm:s3], $0xF7A  }
0x26: {  	[smem:$0x3F9F] =	sst s1;
	(tag) =	ssettag s2;
	_ =	strace s9  }
0x27: {  	s1 =	sld [smem:$0x3FAF]  }
0x28: {  	s2 =	sld [smem:$0x3FB0]  }
0x29: {  	s4 =	sld [smem:$0x3FB2]  }
0x2a: {  	p0 =	seq.s32 s5, $0x0;
	s5 =	sld [smem:$0x3FB3]  }
0x2b: {  	s6 =	sld [smem:$0x3FB4]  }
0x2c: {  	s7 =	sld [smem:$0x3FB5]  }
0x2d: {  	s3 =	simm.s32 $0x108;
	s8 =	sld [smem:$0x3FB6]  }
0x2e: {  	s3 =	simm.s32 @!p0 $0x1082;
	s9 =	sld [smem:$0x3FB7]  }
0x2f: {  	lr =	sadd.s32 s0, s3;
	s0 =	sld [smem:$0x3FAE]  }
0x30: {  	s3 =	sld [smem:$0x3FB1]  }
0x31: {  	[smem:$0x3FBA] =	sst s10  }
0x32: {  	s10 =	sld [smem:$0x3FB8];
	_ =	sdelay $0x3  }
0x33: {  	p0 =	seq.s32 s10, $0x1;
	s10 =	sld [smem:$0x3FBA];
	_ =	sdelay $0x3  }
0x34: {  	[smem:$0x3FBA] =	sst s10  }
0x35: {  	s10 =	sld [smem:$0x3FB9];
	_ =	sdelay $0x3  }
0x36: {  	p1 =	seq.s32 s10, $0x1;
	s10 =	sld [smem:$0x3FBA];
	_ =	sdelay $0x3  }
0x37: {  	[smem:$0x3FBA] =	sst s10  }
0x38: {  	s10 =	sld [smem:$0x3FBB]  }
0x39: {  	_ = 	snop;
	(pc) =	sbr.ind lr, $3  }
0x3a: {  	_ = 	snop  }
0x3b: {  	_ = 	snop  }
0x3c: {  	p2 =	seq.s32 s10, $0x1;
	s10 =	sld [smem:$0x3FBA]  }
0x3d: {  	_ =	shalt  }
0x3e: {  	_ =	shalt  }
0x3f: {  	_ =	shalt  }
0x40: {  	_ =	shalt  }
0x41: {  	_ =	shalt  }
0x42: {  	_ =	shalt  }
0x43: {  	_ =	shalt  }
0x44: {  	_ =	shalt  }
0x45: {  	_ =	shalt  }
0x46: {  	_ =	shalt  }
0x47: {  	_ =	shalt  }
0x48: {  	_ =	shalt  }
0x49: {  	_ =	shalt  }
0x4a: {  	_ =	shalt  }
0x4b: {  	_ =	shalt  }
0x4c: {  	_ =	shalt  }
0x4d: {  	_ =	shalt  }
0x4e: {  	_ =	shalt  }
0x4f: {  	_ =	shalt  }
0x50: {  	_ =	shalt  }
0x51: {  	_ =	shalt  }
0x52: {  	_ =	shalt  }
0x53: {  	_ =	shalt  }
0x54: {  	_ =	shalt  }
0x55: {  	_ =	shalt  }
0x56: {  	_ =	shalt  }
0x57: {  	_ =	shalt  }
0x58: {  	_ =	shalt  }
0x59: {  	_ =	shalt  }
0x5a: {  	_ =	shalt  }
0x5b: {  	_ =	shalt  }
0x5c: {  	_ =	shalt  }
0x5d: {  	_ =	shalt  }
0x5e: {  	_ =	shalt  }
0x5f: {  	_ =	shalt  }
0x60: {  	_ =	shalt  }
0x61: {  	_ =	shalt  }
0x62: {  	_ =	shalt  }
0x63: {  	_ =	shalt  }
0x64: {  	_ =	shalt  }
0x65: {  	_ =	shalt  }
0x66: {  	_ =	shalt  }
0x67: {  	_ =	shalt  }
0x68: {  	_ =	shalt  }
0x69: {  	_ =	shalt  }
0x6a: {  	_ =	shalt  }
0x6b: {  	_ =	shalt  }
0x6c: {  	_ =	shalt  }
0x6d: {  	_ =	shalt  }
0x6e: {  	_ =	shalt  }
0x6f: {  	_ =	shalt  }
0x70: {  	_ =	shalt  }
0x71: {  	_ =	shalt  }
0x72: {  	_ =	shalt  }
0x73: {  	_ =	shalt  }
0x74: {  	_ =	shalt  }
0x75: {  	_ =	shalt  }
0x76: {  	_ =	shalt  }
0x77: {  	_ =	shalt  }
0x78: {  	_ =	shalt  }
0x79: {  	_ =	shalt  }
0x7a: {  	_ =	shalt  }
0x7b: {  	_ =	shalt  }
0x7c: {  	_ =	shalt  }
0x7d: {  	_ =	shalt  }
0x7e: {  	_ =	shalt  }
0x7f: {  	_ =	shalt  }
0x80: {  	_ =	shalt  }
0x81: {  	_ =	shalt  }
0x82: {  	_ =	shalt  }
0x83: {  	_ =	shalt  }
0x84: {  	_ =	shalt  }
0x85: {  	_ =	shalt  }
0x86: {  	_ =	shalt  }
0x87: {  	_ =	shalt  }
.Lfunc_end0:
.L_simem_size_0:
called_computation_lowered:
.L_overlay_start_0:
0x88: {  	s2 =	sld [smem:$0x3FD9]  }
0x89: {  	s3 =	sld [smem:$0x3FFE];
	_ =	sdelay $0x1  }
0x8a: {  	s1 =	srdreg.scid  }
0x8b: {  	s0 =	sand.u32 $0x1, s1  }
0x8c: {  	s17 =	sshll.u32 s0, $0xA;
	s2 =	sadd.s32 s3, s2  }
0x8d: {  	s2 =	sadd.s32 s2, s17  }
0x8e: {  	[smem:$0x3FC6] =	sst s2  }
0x8f: {  	_ = 	snop  }
0x90: {  	s2 =	sld [smem:$0x3FC8]  }
0x91: {  	s18 =	sld [smem:$0x3FD0];
	(tm) =	ssettm $0x1  }
0x92: {  	s4 =	sld [smem:$0x3FFB];
	_ =	sdelay $0x3  }
0x93: {  	_ =	strace s4  }
0x94: {  	s4 =	sld [smem:$0x3FFC];
	_ =	sdelay $0x3  }
0x95: {  	_ =	strace s4  }
0x96: {  	s4 =	sld [smem:$0x3FFD];
	_ =	sdelay $0x3  }
0x97: {  	_ =	strace s4  }
0x98: {  	_ =	strace $0x8FFFFFFF  }
0x99: {  	s19 =	sld [smem:$0x3FDB];
	_ =	sdelay $0x1  }
0x9a: {  	s5 =	simm.s32 $_scs_section_size  }
0x9b: {  	s6 =	simm.s32 $_size__tile_overlayer_lowered;
	s7 =	simm.s32 $_tile_overlayer_lowered  }
0x9c: {  	s22 =	simm.s32 $0x1BFF;
	s21 =	sshll.u32 s7, $0x1;
	s4 =	sadd.s32 s5, s19  }
0x9d: {  	s8 =	simm.s32 $0x0;
	s20 =	sshll.u32 s6, $0x1;
	s6 =	sadd.s32 s21, s4  }
0x9e: {  	[timem:s8], [sflag:s22] =	dma.local [hbm:s6], s20  }
0x9f: {  	_ =	swait.ge [sflag:s22], s20  }
0xa0: {  	s5 =	ssub.s32 $0x0, s20;
	[sflag:s22] =	ssyncset.done $0x0  }
0xa1: {  	[sflag:s22] =	ssyncadd.s32 s5;
	_ =	sdelay $0x1  }
0xa2: {  	s23 =	simm.s32 $0x1B8B  }
0xa3: {  	_ =	swait.ge [sflag:s23], $0x1  }
0xa4: {  	[sflag:s23] =	ssyncset.done $0x0  }
0xa5: {  	s25 =	simm.s32 $0x1B8E;
	s24 =	sld [smem:$0x3FFE];
	[sflag:s23] =	ssyncadd.s32 $0xFFFFFFFF  }
0xa6: {  	s26 =	simm.s32 $execute0_lowered;
	[smem:$0x3FD2] =	sst s25  }
0xa7: {  	s6 =	sshll.u32 s26, $0x1;
	_ =	strace $0x80000046;
	[dreg:$0x1] =	wrdreg $0xFFFFFFFF  }
0xa8: {  	s28 =	simm.s32 $_size_execute0_lowered;
	s4 =	sadd.s32 s4, s6;
	[dreg:$0x0] =	wrdreg $0x0  }
0xa9: {  	s6 =	sshll.u32 s28, $0x1;
	[dreg:$0x2] =	wrdreg s4  }
0xaa: {  	[dreg:$0x3] =	wrdreg s6  }
0xab: {  	[dreg:$0x4] =	wrdreg $0xC0  }
0xac: {  	_ =	task [dreg:s8], $0x5FFFF  }
0xad: {  	[dreg:$0x1] =	wrdreg $0xFFFFFFFF  }
0xae: {  	[dreg:$0x0] =	wrdreg $0x60  }
0xaf: {  	[dreg:$0x2] =	wrdreg s2  }
0xb0: {  	[dreg:$0x3] =	wrdreg s24  }
0xb1: {  	[dreg:$0x4] =	wrdreg s18  }
0xb2: {  	[dreg:$0x5] =	wrdreg $0x18C000  }
0xb3: {  	[dreg:$0x6] =	wrdreg $0x9  }
0xb4: {  	_ =	task.clear_ibuf [dreg:s8], $0x7FFFF;
	_ =	strace $0x90000046  }
0xb5: {  	s29 =	simm.s32 $0x9;
	_ =	strace $0x80000048  }
0xb6: {  	_ =	swait.ge [sflag:s29], $0x1  }
0xb7: {  	[sflag:s29] =	ssyncadd.s32 $0xFFFFFFFF  }
0xb8: {  	_ =	strace $0x90000048  }
0xb9: {  	_ =	sfence  }
0xba: {  	s30 =	sld [smem:$0x0];
	_ =	sdelay $0x2  }
0xbb: {  	s31 =	sshll.u32 s1, $0xD;
	s1 =	sshrl.u32 s1, $0x2  }
0xbc: {  	s3 =	sand.u32 $0x4000, s31;
	s1 =	sadd.s32 s1, s30  }
0xbd: {  	s0 =	sor.u32 s3, s0;
	s1 =	sshll.u32 s1, $0x11  }
0xbe: {  	s0 =	sor.u32 s1, s0  }
0xbf: {  	s0 =	sadd.s32 $0x8F2B, s0  }
0xc0: {  	[sflag:s0] =	ssyncadd.remote.s32 $0x1  }
0xc1: {  	_ =	sfence.sel $0xFFFF  }
0xc2: {  	[dreg:$0x0] =	wrdreg $0xFFFFFFFF;
	(pc) =	sbr.abs _section_cstart, $3  }
0xc3: {  	[dreg:$0x1] =	wrdreg $0xFFFFFFFF  }
0xc4: {  	_ =	task.clear_ibuf [dreg:s8], $0x2FFFF;
	_ =	strace $0x9FFFFFFF  }
0xc5: {  	(tm) =	ssettm $0x7FFFFFFF  }
tec
execute0_lowered:
.L_overlay_start_1:
0x0: {  	(tag) =	ssettag $0x1  }
0x1: {  	s1 =	rddreg [dreg:$0x1]  }
0x2: {  	s8 =	rddreg [dreg:$0x2];
	s0 =	stileid.u32  }
0x3: {  	s2 =	srdreg.scid;
	s4 =	simm.s32 $0x0;
	s31 =	smul.u32 $0xC8, s0  }
0x4: {  	s2 =	sand.u32 $0x1, s2;
	s3 =	sshll.u32 s0, $0x1;
	s11 =	smul.u32 $0x1900000, s0  }
0x5: {  	[smem:$0x7FF] =	sst s4;
	s1 =	sadd.s32 $0x400, s1;
	s13 =	smul.u32 $0xC80000, s2  }
0x6: {  	s3 =	sor.u32 s2, s3;
	s5 =	ssub.s32 $0x2, s2;
	s2 =	smul.u32 $0x64, s2  }
0x7: {  	p0 =	sne.s32 s0, $0x0;
	s4 =	simm.s32 $0x4C00;
	s26 =	smul.u32 $0x3200, s3  }
0x8: {  	_ =	strace $0x80000047;
	s6 =	sshrl.u32 s5, $0x1;
	s28 =	smul.u32 $0x190000, s3  }
0x9: {  	s3 =	smul.u32 $0xC80000, s3;
	s5 =	ssub.s32 s5, s6;
	s7 =	sadd.s32 s1, s26  }
0xa: {  	s6 =	sadd.s32 s13, s11;
	s9 =	sadd.s32 s8, s28;
	[dreg:$0x16] =	wrdreg s7  }
0xb: {  	s2 =	sadd.s32 s2, s31;
	s31 =	smax.u32 s5, $0x1;
	[dreg:$0x19] =	wrdreg s9  }
0xc: {  	s3 =	sshrl.u32 s3, $0x3;
	s29 =	sadd.s32 $0x80, s7;
	[smem:$0x7FC] =	sst s31  }
0xd: {  	s15 =	sor.u32 $0x20000, s6;
	s30 =	sadd.s32 $0x100, s7;
	[dreg:$0x17] =	wrdreg s29  }
0xe: {  	s2 =	sshll.u32 s2, $0x7;
	s7 =	sadd.s32 $0x800, s9;
	[dreg:$0x18] =	wrdreg s30  }
0xf: {  	s16 =	sor.u32 $0x30000, s6;
	s10 =	sadd.s32 $0x1000, s9;
	[dreg:$0x1a] =	wrdreg s7  }
0x10: {  	s18 =	sor.u32 $0x2C000, s6;
	s12 =	sadd.s32 $0x1800, s9;
	[dreg:$0x1b] =	wrdreg s10  }
0x11: {  	s20 =	sor.u32 $0x28000, s6;
	s9 =	sadd.s32 $0x2000, s9;
	[dreg:$0x1c] =	wrdreg s12  }
0x12: {  	s22 =	sor.u32 $0x24000, s6;
	s17 =	sshrl.u32 s16, $0x3;
	[dreg:$0x1d] =	wrdreg s9  }
0x13: {  	s24 =	sor.u32 $0x14000, s6;
	s19 =	sshrl.u32 s18, $0x3;
	[dreg:$0xc] =	wrdreg s17  }
0x14: {  	s26 =	sor.u32 $0x18000, s6;
	s21 =	sshrl.u32 s20, $0x3;
	[dreg:$0xb] =	wrdreg s19  }
0x15: {  	s5 =	simm.s32 $0x4;
	s23 =	sshrl.u32 s22, $0x3;
	[dreg:$0xa] =	wrdreg s21  }
0x16: {  	s3 =	sadd.s32 s8, s3;
	s25 =	sshrl.u32 s24, $0x3;
	[dreg:$0x9] =	wrdreg s23  }
0x17: {  	s28 =	sshrl.u32 s26, $0x3;
	s1 =	sadd.s32 s2, s1;
	[dreg:$0x5] =	wrdreg s25  }
0x18: {  	s8 =	sadd.s32 $0x18E800, s3;
	s14 =	sadd.s32 $0x18F000, s3;
	[dreg:$0x6] =	wrdreg s28  }
0x19: {  	s3 =	sadd.s32 $0x18F800, s3;
	s29 =	sor.u32 $0x1C000, s6;
	[dreg:$0x1e] =	wrdreg s8  }
0x1a: {  	s1 =	sadd.s32 $0x180, s1;
	s6 =	simm.s32 $0x5;
	[dreg:$0x1f] =	wrdreg s14  }
0x1b: {  	s7 =	simm.s32 $0x14C00;
	s9 =	simm.s32 $0xB;
	[smem:$0x7FB] =	sst s3  }
0x1c: {  	s10 =	simm.s32 $0xC;
	s3 =	sshrl.u32 s15, $0x3;
	[smem:$0x7FD] =	sst s1  }
0x1d: {  	s30 =	sshrl.u32 s29, $0x3;
	s8 =	simm.s32 $0xA;
	[dreg:$0x8] =	wrdreg s3  }
0x1e: {  	s1 =	simm.s32 $0x0;
	[dreg:$0x7] =	wrdreg s30;
	s3 =	simm.s32 $0xC00  }
.LBB2_1:
0x1f: {  	[smem:$0x7FA] =	sst s1  }
0x20: {  	s30 =	rddreg [dreg:$0x3]  }
0x21: {  	s1 =	simm.s32 @!p0 $0x1C10;
	s2 =	rddreg [dreg:$0x0];
	s0 =	sshrl.u32 @!p0 s30, $0x3  }
0x22: {  	[spmem:s0], [sflag:s1] =	dma.local @!p0 [hbm:s2], $0x3E80  }
0x23: {  	s0 =	simm.s32 @!p0 $0x10  }
0x24: {  	_ =	swait.ge @!p0 [sflag:s0], $0x3E80  }
0x25: {  	[sflag:s0] =	ssyncset.done @!p0 $0x0  }
0x26: {  	[sflag:s0] =	ssyncadd.s32 @!p0 $0xFFFFC180  }
0x27: {  	[bflag:$0x0] =	sbarrier.arrive $0xFFFF  }
0x28: {  	s11 =	simm.s32 $0x0;
	s1 =	rddreg [dreg:$0x16]  }
0x29: {  	[tilespmem:s11], [sflag:$0x1] =	stream.linear.gather [hbm4b:s1+s11], $0x400, $0x38;
	[tilespmem:$0x1AB40] =	vst v63  }
0x2a: {  	s12 =	simm.s32 $0x400;
	s2 =	rddreg [dreg:$0x17]  }
0x2b: {  	[tilespmem:s12], [sflag:$0x2] =	stream.linear.gather [hbm4b:s2+s11], $0x400, $0x38;
	[tilespmem:$0x1AB40] =	vst v63  }
0x2c: {  	s14 =	simm.s32 $0x800;
	s15 =	simm.s32 $0x1;
	s13 =	rddreg [dreg:$0x18]  }
0x2d: {  	[tilespmem:s14], [sflag:$0x3] =	stream.linear.gather [hbm4b:s13+s11], $0x400, $0x38;
	[tilespmem:$0x1AB40] =	vst v63  }
0x2e: {  	_ =	swait.ge [sflag:s15], $0x400  }
0x2f: {  	[sflag:s15] =	ssyncset.done $0x0  }
0x30: {  	s12 =	simm.s32 $0x80;
	[sflag:s15] =	ssyncadd.s32 $0xFFFFFC00  }
0x31: {  	[tilespmem:s3], [sflag:$0x4] =	stream.indirect.gather [spmem:s30], $0x80, s11, s12, $0xb8;
	[tilespmem:$0x1AB40] =	vst v63  }
0x32: {  	_ = 	snop  }
0x33: {  	[tilespmem:s4], [sflag:$0x5] =	stream.indirect.gather [spmem:s30], $0x80, s12, s12, $0xb8;
	[tilespmem:$0x1AB40] =	vst v63  }
0x34: {  	s16 =	simm.s32 $0x100;
	s17 =	simm.s32 $0x8C00  }
0x35: {  	[tilespmem:s17], [sflag:$0x6] =	stream.indirect.gather [spmem:s30], $0x80, s16, s12, $0xb8;
	[tilespmem:$0x1AB40] =	vst v63  }
0x36: {  	s18 =	simm.s32 $0x180;
	s19 =	simm.s32 $0xCC00  }
0x37: {  	[tilespmem:s19], [sflag:$0x7] =	stream.indirect.gather [spmem:s30], $0x80, s18, s12, $0xb8;
	[tilespmem:$0x1AB40] =	vst v63  }
0x38: {  	_ =	swait.ge [sflag:s5], $0x4000  }
0x39: {  	s21 =	simm.s32 $0x200;
	p1 =	por $0x0, $0x0;
	[sflag:s5] =	ssyncset.done $0x0  }
0x3a: {  	s0 =	simm.s32 $0x3;
	s20 =	rddreg [dreg:$0x19];
	[sflag:s5] =	ssyncadd.s32 $0xFFFFC000  }
0x3b: {  	[hbm4b:s20+s11] =	stream.linear.scatter [tilespmem:s3], [sflag:$0xA], $0x4000, $0x38;
	[tilespmem:$0x1AB40] =	vst v63  }
0x3c: {  	s22 =	simm.s32 $0x10C00;
	s24 =	simm.s32 $0x280;
	s0 =	smul.u32 @!p1 $0xAB, s0  }
0x3d: {  	[tilespmem:s22], [sflag:$0x8] =	stream.indirect.gather [spmem:s30], $0x80, s21, s12, $0xb8;
	[tilespmem:$0x1AB40] =	vst v63  }
0x3e: {  	s25 =	simm.s32 $0x6;
	s0 =	sshrl.u32 @!p1 s0, $0x9;
	_ =	swait.ge [sflag:s6], $0x4000  }
0x3f: {  	s29 =	simm.s32 $0x300;
	s0 =	sand.u32 @!p1 $0x7F, s0;
	[sflag:s6] =	ssyncset.done $0x0  }
0x40: {  	s2 =	smul.u32 $0xAAAB, s10;
	s23 =	rddreg [dreg:$0x1a];
	[sflag:s6] =	ssyncadd.s32 $0xFFFFC000  }
0x41: {  	[hbm4b:s23+s11] =	stream.linear.scatter [tilespmem:s4], [sflag:$0xB], $0x4000, $0x38;
	[tilespmem:$0x1AB40] =	vst v63  }
0x42: {  	s1 =	simm.s32 $0x80;
	s0 =	smul.u32 @!p1 $0x3, s0;
	s13 =	simm.s32 $0x8  }
0x43: {  	[tilespmem:s7], [sflag:$0x9] =	stream.indirect.gather [spmem:s30], $0x80, s24, s12, $0xb8;
	[tilespmem:$0x1AB40] =	vst v63  }
0x44: {  	s0 =	ssub.s32 @!p1 $0x3, s0;
	s15 =	simm.s32 $0x1;
	_ =	swait.ge [sflag:s25], $0x4000  }
0x45: {  	s16 =	smul.u32 $0xAB, s15;
	s21 =	sadd.s32 $0xFFFD5554, s2;
	[sflag:s25] =	ssyncset.done $0x0  }
0x46: {  	s6 =	sshrl.u32 s21, $0x12;
	s26 =	rddreg [dreg:$0x1b];
	[sflag:s25] =	ssyncadd.s32 $0xFFFFC000  }
0x47: {  	[hbm4b:s26+s11] =	stream.linear.scatter [tilespmem:s17], [sflag:$0xC], $0x4000, $0x38;
	[tilespmem:$0x1AB40] =	vst v63  }
0x48: {  	s0 =	sand.u32 @!p1 $0xFF, s0;
	s6 =	smul.u32 $0x6, s6;
	_ =	swait.ge [sflag:s8], $0x4000  }
0x49: {  	s7 =	simm.s32 $0x7;
	s12 =	simm.s32 $0x380;
	[sflag:s8] =	ssyncset.done $0x0  }
0x4a: {  	s6 =	ssub.s32 $0x8, s6;
	s17 =	smul.u32 $0x2AAB, s10;
	[sflag:s8] =	ssyncadd.s32 $0xFFFFC000  }
0x4b: {  	[tilespmem:s3], [sflag:$0x4] =	stream.indirect.gather [spmem:s30], $0x80, s29, s1, $0xb8;
	[tilespmem:$0x1AB40] =	vst v63  }
0x4c: {  	s11 =	simm.s32 $0x0;
	s26 =	simm.s32 $0x0;
	s3 =	sadd.s32 $0xFFFEFFFE, s17  }
0x4d: {  	_ =	swait.ge [sflag:s7], $0x4000;
	s24 =	sshrl.u32 s3, $0x1F;
	s3 =	sshrl.u32 s3, $0x10  }
0x4e: {  	s18 =	sadd.s32 $0xFFFED553, s17;
	[sflag:s7] =	ssyncset.done $0x0;
	s3 =	sadd.s32 s24, s3  }
0x4f: {  	s8 =	rddreg [dreg:$0x1c];
	[sflag:s7] =	ssyncadd.s32 $0xFFFFC000;
	s3 =	smul.u32 $0x6, s3  }
0x50: {  	[hbm4b:s8+s11] =	stream.linear.scatter [tilespmem:s19], [sflag:$0xD], $0x4000, $0x38;
	[tilespmem:$0x1AB40] =	vst v63  }
0x51: {  	s10 =	sadd.s32 $0xFFFF2AA9, s17;
	s19 =	sshrl.u32 s18, $0x1F;
	s8 =	sadd.s32 $0xFFFDFFFF, s2  }
0x52: {  	_ =	swait.ge [sflag:s9], $0x4000;
	s7 =	sshrl.u32 s8, $0x12;
	s3 =	ssub.s32 $0xC, s3  }
0x53: {  	[sflag:s9] =	ssyncset.done $0x0;
	s23 =	smul.u32 $0x6, s7;
	s3 =	sshll.u32 s3, $0x10  }
0x54: {  	[sflag:s9] =	ssyncadd.s32 $0xFFFFC000;
	s9 =	sadd.s32 $0xFFFF5555, s2;
	s3 =	sadd.s32 $0xFFFA0000, s3  }
0x55: {  	[tilespmem:s4], [sflag:$0x5] =	stream.indirect.gather [spmem:s30], $0x80, s12, s1, $0xb8;
	[tilespmem:$0x1AB40] =	vst v63  }
0x56: {  	s1 =	sshrl.u32 s16, $0x9;
	s4 =	sshrl.u32 s18, $0x10;
	s8 =	sshrl.u32 s9, $0x12  }
0x57: {  	s16 =	sshrl.u32 s10, $0x10;
	s9 =	sshrl.u32 s10, $0x1F;
	s17 =	sshra.s32 s3, $0x10  }
0x58: {  	_ =	swait.ge [sflag:s13], $0x4000;
	s1 =	sand.u32 $0x7F, s1;
	s8 =	smul.u32 $0x6, s8  }
0x59: {  	s4 =	sadd.s32 s19, s4;
	s19 =	sadd.s32 $0xFFFEAAAA, s2;
	s20 =	smul.u32 $0x3, s1  }
0x5a: {  	s9 =	sadd.s32 s9, s16;
	[sflag:s13] =	ssyncset.done $0x0;
	s4 =	smul.u32 $0x6, s4  }
0x5b: {  	s14 =	rddreg [dreg:$0x1d];
	s9 =	smul.u32 $0x6, s9;
	[sflag:s13] =	ssyncadd.s32 $0xFFFFC000  }
0x5c: {  	[hbm4b:s14+s11] =	stream.linear.scatter [tilespmem:s22], [sflag:$0xE], $0x4000, $0x38;
	[tilespmem:$0x1AB40] =	vst v63  }
0x5d: {  	s13 =	simm.s32 $0x14;
	s8 =	sxor.u32 $0xFFFFFFFF, s8;
	s22 =	simm.s32 $0x8  }
0x5e: {  	s5 =	ssub.s32 $0x1, s20;
	s4 =	ssub.s32 $0xC, s4;
	s11 =	sand.u32 $0xFFFF, s6  }
0x5f: {  	s6 =	ssub.s32 $0xC, s23;
	s4 =	sshll.u32 s4, $0x10;
	s5 =	sand.u32 $0xFF, s5  }
0x60: {  	s29 =	sshll.u32 s11, $0xE;
	s6 =	sadd.s32 $0xFFFFFFFD, s6;
	s4 =	sadd.s32 $0xFFF90000, s4  }
0x61: {  	s14 =	sand.u32 $0xFFFF, s6;
	s6 =	sshrl.u32 s19, $0x12;
	s19 =	sshra.s32 s3, $0x2  }
0x62: {  	s20 =	sadd.s32 $0x1, s5;
	s3 =	sor.u32 $0x5, s22;
	s22 =	ssub.s32 $0xC, s9  }
0x63: {  	s16 =	sshll.u32 s5, $0xA;
	s9 =	sadd.s32 $0x4, s11;
	s7 =	sor.u32 $0xC00, s29  }
0x64: {  	s29 =	simm.s32 $0x80;
	s25 =	sshra.s32 s4, $0x10;
	s4 =	sshra.s32 s4, $0x2  }
0x65: {  	s15 =	sshll.u32 s14, $0xE;
	s6 =	smul.u32 $0x6, s6;
	_ =	swait.ge [sflag:s20], $0x400  }
0x66: {  	s24 =	sshll.u32 s22, $0x10;
	s12 =	sadd.s32 $0xA, s25;
	[sflag:s20] =	ssyncset.done $0x0  }
0x67: {  	s5 =	sadd.s32 $0x4, s25;
	s25 =	sand.u32 $0xFFFF, s3;
	s10 =	sadd.s32 $0xFFFB0000, s24  }
0x68: {  	s4 =	sor.u32 $0xC00, s4;
	s21 =	ssub.s32 $0xC, s6;
	[sflag:s20] =	ssyncadd.s32 $0xFFFFFC00  }
0x69: {  	s6 =	sadd.s32 $0xA, s11;
	s24 =	smul.u32 $0xAAAB, s25;
	s11 =	sshrl.u32 s2, $0x12  }
0x6a: {  	s25 =	sshra.s32 s10, $0x10;
	s22 =	sshra.s32 s10, $0x2;
	_ =	swait.ge [sflag:s6], $0x4000  }
0x6b: {  	s2 =	sadd.s32 $0xA, s14;
	s10 =	sadd.s32 $0x4, s14;
	[sflag:s6] =	ssyncset.done $0x0  }
0x6c: {  	s18 =	sadd.s32 $0xFFFFFFFE, s21;
	s28 =	sadd.s32 $0x4, s25;
	[sflag:s6] =	ssyncadd.s32 $0xFFFFC000  }
0x6d: {  	[tilespmem:s7], [sflag:s9] =	stream.indirect.gather [spmem:s30], $0x80, s16, s29, $0xb8;
	[tilespmem:$0x1AB40] =	vst v63  }
0x6e: {  	s11 =	smul.u32 $0x6, s11;
	s21 =	sand.u32 $0xFFFF, s18;
	_ =	swait.ge [sflag:s5], $0x4000  }
0x6f: {  	s23 =	sshll.u32 s21, $0xE;
	s20 =	rddreg [dreg:$0x5];
	[sflag:s5] =	ssyncset.done $0x0  }
0x70: {  	s18 =	sadd.s32 $0xA, s21;
	s14 =	sor.u32 $0xC00, s23;
	s31 =	rddreg [dreg:$0x2]  }
0x71: {  	[sflag:s5] =	ssyncadd.s32 $0xFFFFC000;
	s5 =	sor.u32 $0x80, s16;
	s1 =	sadd.s32 s31, s20  }
0x72: {  	[hbm4b:s1+s26] =	stream.linear.scatter [tilespmem:s4], [sflag:s12], $0x4000, $0x38;
	[tilespmem:$0x1AB40] =	vst v63  }
0x73: {  	s20 =	sadd.s32 $0xC, s8;
	s8 =	sor.u32 $0xC00, s15;
	s12 =	sor.u32 $0xC00, s19  }
0x74: {  	s19 =	sadd.s32 $0x4, s17;
	s1 =	simm.s32 $0x80;
	_ =	swait.ge [sflag:s2], $0x4000  }
0x75: {  	s4 =	sor.u32 $0xC00, s22;
	s15 =	sand.u32 $0xFFFF, s20;
	[sflag:s2] =	ssyncset.done $0x0  }
0x76: {  	s17 =	sadd.s32 $0xA, s17;
	s20 =	sshll.u32 s15, $0xE;
	[sflag:s2] =	ssyncadd.s32 $0xFFFFC000  }
0x77: {  	[tilespmem:s8], [sflag:s10] =	stream.indirect.gather [spmem:s30], $0x80, s5, s29, $0xb8;
	[tilespmem:$0x1AB40] =	vst v63  }
0x78: {  	s20 =	sor.u32 $0xC00, s20;
	s5 =	sadd.s32 $0xA, s15;
	_ =	swait.ge [sflag:s19], $0x4000  }
0x79: {  	s29 =	ssub.s32 $0xC, s11;
	s22 =	rddreg [dreg:$0x6];
	[sflag:s19] =	ssyncset.done $0x0  }
0x7a: {  	s11 =	sor.u32 $0x100, s16;
	[sflag:s19] =	ssyncadd.s32 $0xFFFFC000;
	s22 =	sadd.s32 s31, s22  }
0x7b: {  	[hbm4b:s22+s26] =	stream.linear.scatter [tilespmem:s12], [sflag:s17], $0x4000, $0x38;
	[tilespmem:$0x1AB40] =	vst v63  }
0x7c: {  	s22 =	sadd.s32 $0x4, s21;
	s26 =	sadd.s32 $0x4, s15;
	s17 =	sadd.s32 $0xA, s25  }
0x7d: {  	s25 =	sshrl.u32 s24, $0x12;
	s24 =	sor.u32 $0x180, s16;
	_ =	swait.ge [sflag:s18], $0x4000  }
0x7e: {  	[dreg:$0x13] =	wrdreg s14;
	s19 =	smul.u32 $0x6, s25;
	[sflag:s18] =	ssyncset.done $0x0  }
0x7f: {  	s25 =	sshll.u32 @!p1 s0, $0xA;
	s0 =	sadd.s32 @!p1 $0x1, s0;
	[sflag:s18] =	ssyncadd.s32 $0xFFFFC000  }
0x80: {  	[tilespmem:s14], [sflag:s22] =	stream.indirect.gather [spmem:s30], $0x80, s11, s1, $0xb8;
	[tilespmem:$0x1AB40] =	vst v63  }
0x81: {  	s3 =	ssub.s32 s3, s19;
	s14 =	sand.u32 $0xFFFF, s29;
	s29 =	simm.s32 $0x8  }
0x82: {  	s11 =	simm.s32 $0x0;
	s3 =	sand.u32 $0xFFFF, s3;
	_ =	swait.ge [sflag:s28], $0x4000  }
0x83: {  	s1 =	sshll.u32 s14, $0xE;
	s21 =	sor.u32 $0x6, s29;
	s23 =	rddreg [dreg:$0x7]  }
0x84: {  	[sflag:s28] =	ssyncset.done $0x0;
	s19 =	sor.u32 $0xC00, s1;
	s1 =	sor.u32 $0x7, s29  }
0x85: {  	[sflag:s28] =	ssyncadd.s32 $0xFFFFC000;
	s15 =	sadd.s32 s31, s23;
	s23 =	sadd.s32 $0x4, s14  }
0x86: {  	[hbm4b:s15+s11] =	stream.linear.scatter [tilespmem:s4], [sflag:s17], $0x4000, $0x38;
	[tilespmem:$0x1AB40] =	vst v63  }
0x87: {  	s28 =	simm.s32 $0x80;
	s29 =	sand.u32 $0xFFFF, s1;
	s15 =	sand.u32 $0xFFFF, s21  }
0x88: {  	s17 =	simm.s32 @!p1 $0x0;
	_ =	swait.ge [sflag:s5], $0x4000;
	s4 =	smul.u32 $0xAAAB, s15  }
0x89: {  	s12 =	smul.u32 $0xAAAB, s29;
	[dreg:$0x11] =	wrdreg s5;
	[sflag:s5] =	ssyncset.done $0x0  }
0x8a: {  	[dreg:$0xf] =	wrdreg s20;
	[sflag:s5] =	ssyncadd.s32 $0xFFFFC000;
	s4 =	sshrl.u32 s4, $0x12  }
0x8b: {  	[tilespmem:s20], [sflag:s26] =	stream.indirect.gather [spmem:s30], $0x80, s24, s28, $0xb8;
	[tilespmem:$0x1AB40] =	vst v63  }
0x8c: {  	s29 =	sshrl.u32 s12, $0x12;
	s24 =	sshll.u32 s3, $0xE;
	s4 =	smul.u32 $0x6, s4  }
0x8d: {  	s20 =	smov.u32 s31;
	_ =	swait.ge [sflag:s9], $0x4000;
	s24 =	sor.u32 $0xC00, s24  }
0x8e: {  	s5 =	rddreg [dreg:$0x8];
	[sflag:s9] =	ssyncset.done $0x0;
	s4 =	ssub.s32 s21, s4  }
0x8f: {  	s21 =	smul.u32 $0x6, s29;
	[sflag:s9] =	ssyncadd.s32 $0xFFFFC000;
	s15 =	sadd.s32 s31, s5  }
0x90: {  	s5 =	simm.s32 $0x0;
	s9 =	sadd.s32 $0xA, s14;
	s31 =	simm.s32 $0x1C  }
0x91: {  	[hbm4b:s15+s11] =	stream.linear.scatter [tilespmem:s7], [sflag:s6], $0x4000, $0x38;
	[tilespmem:$0x1AB40] =	vst v63  }
0x92: {  	s4 =	sand.u32 $0xFFFF, s4;
	s14 =	sadd.s32 $0x4000, s20;
	s7 =	sld [smem:$0x7FD]  }
0x93: {  	s29 =	sshll.u32 s4, $0xE;
	s6 =	ssub.s32 s1, s21;
	s11 =	sadd.s32 $0x200, s16  }
0x94: {  	s21 =	sadd.s32 $0x4, s3;
	s1 =	sand.u32 $0xFFFF, s6;
	s6 =	sadd.s32 $0xA, s3  }
0x95: {  	[tilespmem:s25], [sflag:s0] =	stream.linear.gather @!p1 [hbm4b:s7+s17], $0x400, $0x38;
	[tilespmem:$0x1AB40] =	vst v63  }
0x96: {  	s12 =	sshll.u32 s1, $0xE;
	s15 =	sadd.s32 $0x80, s7;
	_ =	swait.ge [sflag:s9], $0x4000  }
0x97: {  	s17 =	simm.s32 $0x4;
	s0 =	sadd.s32 $0x4, s4;
	[sflag:s9] =	ssyncset.done $0x0  }
0x98: {  	s7 =	sadd.s32 $0xA, s1;
	[dreg:$0x10] =	wrdreg s19;
	[sflag:s9] =	ssyncadd.s32 $0xFFFFC000  }
0x99: {  	[tilespmem:s19], [sflag:s23] =	stream.indirect.gather [spmem:s30], $0x80, s11, s28, $0xb8;
	[tilespmem:$0x1AB40] =	vst v63  }
0x9a: {  	s19 =	smov.u32 s20;
	_ =	swait.ge [sflag:s10], $0x4000;
	[dreg:$0xd] =	wrdreg s15  }
0x9b: {  	s30 =	sadd.s32 $0x4, s1;
	s28 =	sor.u32 $0xC00, s29;
	[dreg:$0xe] =	wrdreg s17  }
0x9c: {  	s17 =	sor.u32 $0xC00, s12;
	s25 =	rddreg [dreg:$0x9];
	[sflag:s10] =	ssyncset.done $0x0  }
0x9d: {  	[sflag:s10] =	ssyncadd.s32 $0xFFFFC000;
	s29 =	sadd.s32 s20, s25;
	s25 =	simm.s32 $0x2  }
0x9e: {  	[hbm4b:s29+s5] =	stream.linear.scatter [tilespmem:s8], [sflag:s2], $0x4000, $0x38;
	[tilespmem:$0x1AB40] =	vst v63  }
0x9f: {  	s12 =	sadd.s32 $0xA, s4;
	s2 =	smul.u32 $0xAB, s25;
	_ =	swait.ge [sflag:s6], $0x4000  }
.LBB2_2:
0xa0: {  	s10 =	sadd.s32 $0xFFFFFFFC, s13;
	s4 =	smul.u32 $0x2AAB, s13  }
0xa1: {  	s3 =	sadd.s32 $0x380, s16;
	s1 =	smov.u32 s31;
	s29 =	smov.u32 s19  }
0xa2: {  	s20 =	smov.u32 s14;
	s15 =	sadd.s32 $0x300, s16;
	s16 =	sadd.s32 $0x280, s16  }
0xa3: {  	[sflag:s6] =	ssyncset.done $0x0;
	p1 =	sgt.u32 s25, $0x61;
	[dreg:$0x12] =	wrdreg s1  }
0xa4: {  	[dreg:$0x14] =	wrdreg s20;
	s5 =	sshrl.u32 s2, $0x9;
	s2 =	smul.u32 $0xAAAB, s13  }
0xa5: {  	[sflag:s6] =	ssyncadd.s32 $0xFFFFC000;
	s1 =	sand.u32 $0x7F, s5;
	s20 =	sadd.s32 $0xFFFED553, s4  }
0xa6: {  	s6 =	rddreg [dreg:$0x3];
	s5 =	simm.s32 $0x80;
	s8 =	sshrl.u32 s20, $0x1F  }
0xa7: {  	[tilespmem:s24], [sflag:s21] =	stream.indirect.gather [spmem:s6], $0x80, s16, s5, $0xb8;
	[tilespmem:$0x1AB40] =	vst v63  }
0xa8: {  	s20 =	sshrl.u32 s20, $0x10;
	s11 =	sadd.s32 $0xFFFDFFFF, s2;
	s5 =	smov.u32 s6  }
0xa9: {  	s1 =	smul.u32 $0x3, s1;
	s21 =	sadd.s32 $0xFFFD5554, s2;
	s24 =	sadd.s32 $0xFFFF5555, s2  }
0xaa: {  	s19 =	sadd.s32 s8, s20;
	s6 =	sshrl.u32 s11, $0x12;
	_ =	swait.ge [sflag:s22], $0x4000  }
0xab: {  	s16 =	sshrl.u32 s21, $0x12;
	s21 =	sadd.s32 $0xFFFF2AA9, s4;
	s4 =	sadd.s32 $0xFFFEFFFE, s4  }
0xac: {  	s11 =	rddreg [dreg:$0xa];
	s8 =	ssub.s32 s25, s1;
	s19 =	smul.u32 $0x6, s19  }
0xad: {  	s1 =	sshrl.u32 s24, $0x12;
	[sflag:s22] =	ssyncset.done $0x0;
	s16 =	smul.u32 $0x6, s16  }
0xae: {  	s24 =	rddreg [dreg:$0x13];
	s6 =	smul.u32 $0x6, s6;
	[sflag:s22] =	ssyncadd.s32 $0xFFFFC000  }
0xaf: {  	s22 =	sadd.s32 s29, s11;
	s11 =	simm.s32 $0x0;
	s1 =	smul.u32 $0x6, s1  }
0xb0: {  	[hbm4b:s22+s11] =	stream.linear.scatter [tilespmem:s24], [sflag:s18], $0x4000, $0x38;
	[tilespmem:$0x1AB40] =	vst v63  }
0xb1: {  	s24 =	simm.s32 $0x0;
	s20 =	ssub.s32 s10, s16;
	s22 =	ssub.s32 s13, s19  }
0xb2: {  	s16 =	sand.u32 $0xFF, s8;
	s19 =	smov.u32 s5;
	s6 =	ssub.s32 s13, s6  }
0xb3: {  	_ =	swait.ge [sflag:s12], $0x4000;
	s18 =	sand.u32 $0xFFFF, s20;
	s11 =	sshll.u32 s22, $0x10  }
0xb4: {  	s20 =	simm.s32 $0x80;
	s6 =	sadd.s32 $0xFFFFFFFD, s6;
	s1 =	sxor.u32 $0xFFFFFFFF, s1  }
0xb5: {  	[sflag:s12] =	ssyncset.done $0x0;
	s22 =	sshll.u32 s18, $0xE;
	s8 =	sadd.s32 $0xFFF90000, s11  }
0xb6: {  	s1 =	sadd.s32 s13, s1;
	[sflag:s12] =	ssyncadd.s32 $0xFFFFC000;
	s12 =	simm.s32 $0x0  }
0xb7: {  	[tilespmem:s28], [sflag:s0] =	stream.indirect.gather [spmem:s5], $0x80, s15, s20, $0xb8;
	[tilespmem:$0x1AB40] =	vst v63  }
0xb8: {  	s5 =	sshrl.u32 s4, $0x1F;
	s4 =	sshrl.u32 s4, $0x10;
	_ =	swait.ge [sflag:s26], $0x4000  }
0xb9: {  	s28 =	sshra.s32 s8, $0x10;
	s4 =	sadd.s32 s5, s4;
	s15 =	rddreg [dreg:$0xb]  }
0xba: {  	[sflag:s26] =	ssyncset.done $0x0;
	s11 =	sadd.s32 s29, s15;
	s15 =	rddreg [dreg:$0xf]  }
0xbb: {  	s4 =	smul.u32 $0x6, s4;
	[sflag:s26] =	ssyncadd.s32 $0xFFFFC000;
	s26 =	rddreg [dreg:$0x11]  }
0xbc: {  	[hbm4b:s11+s24] =	stream.linear.scatter [tilespmem:s15], [sflag:s26], $0x4000, $0x38;
	[tilespmem:$0x1AB40] =	vst v63  }
0xbd: {  	s1 =	sand.u32 $0xFFFF, s1;
	s0 =	sadd.s32 $0xA, s28;
	s11 =	sand.u32 $0xFFFF, s6  }
0xbe: {  	s26 =	sshra.s32 s8, $0x2;
	s4 =	ssub.s32 s13, s4;
	s8 =	sadd.s32 $0xFFFEAAAA, s2  }
0xbf: {  	s15 =	simm.s32 $0x80;
	s24 =	smov.u32 s19;
	_ =	swait.ge [sflag:s7], $0x4000  }
0xc0: {  	s5 =	sshll.u32 s11, $0xE;
	s26 =	sor.u32 $0xC00, s26;
	[sflag:s7] =	ssyncset.done $0x0  }
0xc1: {  	[sflag:s7] =	ssyncadd.s32 $0xFFFFC000;
	s7 =	sshrl.u32 s8, $0x12;
	s8 =	sshrl.u32 s2, $0x12  }
0xc2: {  	[tilespmem:s17], [sflag:s30] =	stream.indirect.gather [spmem:s19], $0x80, s3, s20, $0xb8;
	[tilespmem:$0x1AB40] =	vst v63  }
0xc3: {  	s2 =	sadd.s32 $0x4, s11;
	s17 =	sshll.u32 s4, $0x10;
	s19 =	sshrl.u32 s21, $0x10  }
0xc4: {  	s20 =	sshrl.u32 s21, $0x1F;
	_ =	swait.ge [sflag:s23], $0x4000;
	s3 =	sadd.s32 $0xFFFA0000, s17  }
0xc5: {  	s4 =	sadd.s32 s20, s19;
	s17 =	sadd.s32 $0x1, s16;
	s16 =	sshll.u32 s16, $0xA  }
0xc6: {  	s20 =	sshra.s32 s3, $0x10;
	s30 =	sshra.s32 s3, $0x2;
	s3 =	smul.u32 $0x6, s7  }
0xc7: {  	[sflag:s23] =	ssyncset.done $0x0;
	s21 =	rddreg [dreg:$0xc];
	s4 =	smul.u32 $0x6, s4  }
0xc8: {  	s7 =	sadd.s32 $0xA, s18;
	[sflag:s23] =	ssyncadd.s32 $0xFFFFC000;
	s19 =	sadd.s32 s29, s21  }
0xc9: {  	s21 =	rddreg [dreg:$0x10];
	s23 =	sor.u32 $0xC00, s22;
	s29 =	sadd.s32 $0x4, s28  }
0xca: {  	[hbm4b:s19+s12] =	stream.linear.scatter [tilespmem:s21], [sflag:s9], $0x4000, $0x38;
	[tilespmem:$0x1AB40] =	vst v63  }
0xcb: {  	s6 =	sor.u32 $0xC00, s30;
	s9 =	simm.s32 $0x0;
	s3 =	ssub.s32 s13, s3  }
0xcc: {  	s19 =	sor.u32 $0x5, s10;
	s4 =	ssub.s32 s13, s4;
	_ =	swait.ge [sflag:s17], $0x400  }
0xcd: {  	s3 =	sadd.s32 $0xFFFFFFFE, s3;
	s4 =	sshll.u32 s4, $0x10;
	[sflag:s17] =	ssyncset.done $0x0  }
0xce: {  	s22 =	sand.u32 $0xFFFF, s19;
	s3 =	sand.u32 $0xFFFF, s3;
	[sflag:s17] =	ssyncadd.s32 $0xFFFFFC00  }
0xcf: {  	s4 =	sadd.s32 $0xFFFB0000, s4;
	s22 =	smul.u32 $0xAAAB, s22;
	_ =	swait.ge [sflag:s7], $0x4000  }
0xd0: {  	s12 =	sshll.u32 s3, $0xE;
	s17 =	sadd.s32 $0x4, s18;
	[sflag:s7] =	ssyncset.done $0x0  }
0xd1: {  	s18 =	sadd.s32 $0xA, s3;
	s21 =	sshra.s32 s4, $0x10;
	[sflag:s7] =	ssyncadd.s32 $0xFFFFC000  }
0xd2: {  	[tilespmem:s23], [sflag:s17] =	stream.indirect.gather [spmem:s24], $0x80, s16, s15, $0xb8;
	[tilespmem:$0x1AB40] =	vst v63  }
0xd3: {  	s4 =	sshra.s32 s4, $0x2;
	[dreg:$0x15] =	wrdreg s23;
	s15 =	smul.u32 $0x6, s8  }
0xd4: {  	s28 =	sor.u32 $0xC00, s4;
	s8 =	sadd.s32 $0x4, s20;
	_ =	swait.ge [sflag:s29], $0x4000  }
0xd5: {  	s23 =	rddreg [dreg:$0x5];
	[sflag:s29] =	ssyncset.done $0x0;
	s4 =	ssub.s32 s13, s15  }
0xd6: {  	s13 =	sadd.s32 $0xA, s20;
	s20 =	sadd.s32 $0x4, s1;
	s24 =	sadd.s32 s14, s23  }
0xd7: {  	s23 =	sadd.s32 $0x4, s21;
	[sflag:s29] =	ssyncadd.s32 $0xFFFFC000;
	s29 =	sadd.s32 $0xA, s11  }
0xd8: {  	[hbm4b:s24+s9] =	stream.linear.scatter [tilespmem:s26], [sflag:s0], $0x4000, $0x38;
	[tilespmem:$0x1AB40] =	vst v63  }
0xd9: {  	s24 =	sor.u32 $0xC00, s5;
	s5 =	sadd.s32 $0xA, s1;
	_ =	swait.ge [sflag:s29], $0x4000  }
0xda: {  	s0 =	sor.u32 $0x80, s16;
	[dreg:$0x11] =	wrdreg s5;
	[sflag:s29] =	ssyncset.done $0x0  }
0xdb: {  	s26 =	smov.u32 s31;
	s25 =	rddreg [dreg:$0xe];
	[sflag:s29] =	ssyncadd.s32 $0xFFFFC000  }
0xdc: {  	s9 =	simm.s32 $0x80;
	s11 =	smul.u32 @!p1 $0xAB, s25;
	s31 =	rddreg [dreg:$0x3]  }
0xdd: {  	[tilespmem:s24], [sflag:s2] =	stream.indirect.gather [spmem:s31], $0x80, s0, s9, $0xb8;
	[tilespmem:$0x1AB40] =	vst v63  }
0xde: {  	s0 =	sshll.u32 s1, $0xE;
	s1 =	sadd.s32 $0xA, s21;
	_ =	swait.ge [sflag:s8], $0x4000  }
0xdf: {  	s21 =	simm.s32 $0x0;
	s30 =	sor.u32 $0xC00, s0;
	[sflag:s8] =	ssyncset.done $0x0  }
0xe0: {  	s0 =	sand.u32 $0xFFFF, s4;
	s15 =	rddreg [dreg:$0x6];
	[sflag:s8] =	ssyncadd.s32 $0xFFFFC000  }
0xe1: {  	s8 =	sshrl.u32 @!p1 s11, $0x9;
	s11 =	sadd.s32 s14, s15;
	s15 =	sshll.u32 s0, $0xE  }
0xe2: {  	[hbm4b:s11+s21] =	stream.linear.scatter [tilespmem:s6], [sflag:s13], $0x4000, $0x38;
	[tilespmem:$0x1AB40] =	vst v63  }
0xe3: {  	s8 =	sand.u32 @!p1 $0x7F, s8;
	s13 =	simm.s32 $0x0;
	s6 =	sshrl.u32 s22, $0x12  }
0xe4: {  	s11 =	sor.u32 $0x100, s16;
	s22 =	sadd.s32 $0x4, s3;
	s4 =	smul.u32 @!p1 $0x3, s8  }
0xe5: {  	s21 =	sor.u32 $0xC00, s12;
	_ =	swait.ge [sflag:s18], $0x4000;
	s8 =	smul.u32 $0x6, s6  }
0xe6: {  	s12 =	sor.u32 $0x6, s10;
	[dreg:$0x13] =	wrdreg s21;
	[sflag:s18] =	ssyncset.done $0x0  }
0xe7: {  	[sflag:s18] =	ssyncadd.s32 $0xFFFFC000;
	s3 =	ssub.s32 @!p1 s25, s4;
	s8 =	ssub.s32 s19, s8  }
0xe8: {  	[tilespmem:s21], [sflag:s22] =	stream.indirect.gather [spmem:s31], $0x80, s11, s9, $0xb8;
	[tilespmem:$0x1AB40] =	vst v63  }
0xe9: {  	s4 =	sand.u32 $0xFFFF, s12;
	s25 =	sadd.s32 $0x1, s25;
	s9 =	smov.u32 s31  }
0xea: {  	s31 =	smov.u32 s26;
	s26 =	smov.u32 s20;
	s3 =	sand.u32 @!p1 $0xFF, s3  }
0xeb: {  	s8 =	sand.u32 $0xFFFF, s8;
	s4 =	smul.u32 $0xAAAB, s4;
	_ =	swait.ge [sflag:s23], $0x4000  }
0xec: {  	s20 =	sshll.u32 @!p1 s3, $0xA;
	s21 =	sadd.s32 @!p1 $0x1, s3;
	s3 =	sshll.u32 s8, $0xE  }
0xed: {  	s31 =	sadd.s32 $0x8, s31;
	[sflag:s23] =	ssyncset.done $0x0;
	s11 =	rddreg [dreg:$0x7]  }
0xee: {  	s19 =	rddreg [dreg:$0x14];
	s4 =	sshrl.u32 s4, $0x12;
	p2 =	sne.s32 s31, $0x324  }
0xef: {  	[sflag:s23] =	ssyncadd.s32 $0xFFFFC000;
	s23 =	sadd.s32 $0x4, s0;
	s6 =	sadd.s32 s14, s11  }
0xf0: {  	s11 =	sor.u32 $0xC00, s15;
	s15 =	simm.s32 $0x80;
	s4 =	smul.u32 $0x6, s4  }
0xf1: {  	[hbm4b:s6+s13] =	stream.linear.scatter [tilespmem:s28], [sflag:s1], $0x4000, $0x38;
	[tilespmem:$0x1AB40] =	vst v63  }
0xf2: {  	s1 =	simm.s32 @!p1 $0x0;
	s6 =	sor.u32 $0x7, s10;
	_ =	swait.ge [sflag:s5], $0x4000  }
0xf3: {  	s28 =	simm.s32 $0x80;
	s13 =	sand.u32 $0xFFFF, s6;
	[sflag:s5] =	ssyncset.done $0x0  }
0xf4: {  	[dreg:$0xf] =	wrdreg s30;
	[sflag:s5] =	ssyncadd.s32 $0xFFFFC000;
	s5 =	sor.u32 $0x180, s16  }
0xf5: {  	[tilespmem:s30], [sflag:s26] =	stream.indirect.gather [spmem:s9], $0x80, s5, s15, $0xb8;
	[tilespmem:$0x1AB40] =	vst v63  }
0xf6: {  	s4 =	ssub.s32 s12, s4;
	s5 =	smul.u32 $0xAAAB, s13;
	_ =	swait.ge [sflag:s17], $0x4000  }
0xf7: {  	s4 =	sand.u32 $0xFFFF, s4;
	s30 =	smov.u32 s9;
	s15 =	rddreg [dreg:$0x8]  }
0xf8: {  	s10 =	sshrl.u32 s5, $0x12;
	s9 =	rddreg [dreg:$0x12];
	[sflag:s17] =	ssyncset.done $0x0  }
0xf9: {  	s5 =	simm.s32 $0x0;
	s13 =	smov.u32 s9;
	s10 =	smul.u32 $0x6, s10  }
0xfa: {  	[sflag:s17] =	ssyncadd.s32 $0xFFFFC000;
	s9 =	sadd.s32 s14, s15;
	s15 =	rddreg [dreg:$0x15]  }
0xfb: {  	[hbm4b:s9+s5] =	stream.linear.scatter [tilespmem:s15], [sflag:s7], $0x4000, $0x38;
	[tilespmem:$0x1AB40] =	vst v63  }
0xfc: {  	s12 =	sadd.s32 $0xA, s4;
	s14 =	sadd.s32 $0x4000, s14;
	s9 =	sadd.s32 $0xA, s0  }
0xfd: {  	s15 =	sshll.u32 s4, $0xE;
	s17 =	ssub.s32 s6, s10;
	s6 =	rddreg [dreg:$0xd]  }
0xfe: {  	[tilespmem:s20], [sflag:s21] =	stream.linear.gather @!p1 [hbm4b:s6+s1], $0x400, $0x38;
	[tilespmem:$0x1AB40] =	vst v63  }
0xff: {  	s10 =	sadd.s32 $0x200, s16;
	s7 =	sand.u32 $0xFFFF, s17;
	s6 =	sadd.s32 $0x80, s6  }
0x100: {  	s21 =	sadd.s32 $0x4, s8;
	_ =	swait.ge [sflag:s9], $0x4000;
	[dreg:$0xd] =	wrdreg s6  }
0x101: {  	s0 =	sshll.u32 s7, $0xE;
	[dreg:$0x10] =	wrdreg s11;
	[sflag:s9] =	ssyncset.done $0x0  }
0x102: {  	s6 =	sadd.s32 $0xA, s8;
	s17 =	sor.u32 $0xC00, s0;
	[sflag:s9] =	ssyncadd.s32 $0xFFFFC000  }
0x103: {  	[tilespmem:s11], [sflag:s23] =	stream.indirect.gather [spmem:s30], $0x80, s10, s28, $0xb8;
	[tilespmem:$0x1AB40] =	vst v63  }
0x104: {  	s0 =	sadd.s32 $0x4, s4;
	s30 =	sadd.s32 $0x4, s7;
	s7 =	sadd.s32 $0xA, s7  }
.Ltmp0:
0x105: {  	_ =	swait.ge [sflag:s2], $0x4000;
	[dreg:$0xe] =	wrdreg s25;
	(pc) =	sbr.rel @p2 .LBB2_2-.Ltmp0, $4  }
0x106: {  	s28 =	sor.u32 $0xC00, s15;
	s11 =	rddreg [dreg:$0x9];
	[sflag:s2] =	ssyncset.done $0x0  }
0x107: {  	s25 =	sadd.s32 $0xFFFFFFFE, s25;
	[sflag:s2] =	ssyncadd.s32 $0xFFFFC000;
	s20 =	sadd.s32 s19, s11  }
0x108: {  	[hbm4b:s20+s5] =	stream.linear.scatter [tilespmem:s24], [sflag:s29], $0x4000, $0x38;
	[tilespmem:$0x1AB40] =	vst v63  }
0x109: {  	s2 =	smul.u32 $0xAB, s25;
	s24 =	sor.u32 $0xC00, s3;
	_ =	swait.ge [sflag:s6], $0x4000  }
0x10a: {  	[sflag:s6] =	ssyncset.done $0x0  }
0x10b: {  	[sflag:s6] =	ssyncadd.s32 $0xFFFFC000  }
0x10c: {  	s1 =	sadd.s32 $0x280, s16;
	s29 =	simm.s32 $0x80;
	s20 =	rddreg [dreg:$0x3]  }
0x10d: {  	[tilespmem:s24], [sflag:s21] =	stream.indirect.gather [spmem:s20], $0x80, s1, s29, $0xb8;
	[tilespmem:$0x1AB40] =	vst v63  }
0x10e: {  	s15 =	sadd.s32 $0x300, s16;
	_ =	swait.ge [sflag:s22], $0x4000  }
0x10f: {  	s21 =	simm.s32 $0x0;
	s11 =	rddreg [dreg:$0xa];
	[sflag:s22] =	ssyncset.done $0x0  }
0x110: {  	s3 =	rddreg [dreg:$0x13];
	[sflag:s22] =	ssyncadd.s32 $0xFFFFC000;
	s1 =	sadd.s32 s19, s11  }
0x111: {  	[hbm4b:s1+s21] =	stream.linear.scatter [tilespmem:s3], [sflag:s18], $0x4000, $0x38;
	[tilespmem:$0x1AB40] =	vst v63  }
0x112: {  	p1 =	sgt.u32 s25, $0x61;
	s6 =	sadd.s32 $0xFFFFFFFC, s13;
	_ =	swait.ge [sflag:s12], $0x4000  }
0x113: {  	s8 =	sshrl.u32 s2, $0x9;
	s2 =	smul.u32 $0xAAAB, s13;
	[sflag:s12] =	ssyncset.done $0x0  }
0x114: {  	s8 =	sand.u32 $0x7F, s8;
	s1 =	smul.u32 $0x2AAB, s13;
	[sflag:s12] =	ssyncadd.s32 $0xFFFFC000  }
0x115: {  	[tilespmem:s28], [sflag:s0] =	stream.indirect.gather [spmem:s20], $0x80, s15, s29, $0xb8;
	[tilespmem:$0x1AB40] =	vst v63  }
0x116: {  	s24 =	sadd.s32 $0x380, s16;
	s18 =	sadd.s32 $0xFFFED553, s1;
	_ =	swait.ge [sflag:s26], $0x4000  }
0x117: {  	s31 =	smul.u32 $0x3, s8;
	s22 =	sshrl.u32 s18, $0x1F;
	s4 =	rddreg [dreg:$0xb]  }
0x118: {  	s0 =	sshrl.u32 s18, $0x10;
	s28 =	sadd.s32 $0xFFFDFFFF, s2;
	s10 =	rddreg [dreg:$0xf]  }
0x119: {  	s0 =	sadd.s32 s22, s0;
	[sflag:s26] =	ssyncset.done $0x0;
	s5 =	rddreg [dreg:$0x11]  }
0x11a: {  	s0 =	smul.u32 $0x6, s0;
	[sflag:s26] =	ssyncadd.s32 $0xFFFFC000;
	s4 =	sadd.s32 s19, s4  }
0x11b: {  	[hbm4b:s4+s21] =	stream.linear.scatter [tilespmem:s10], [sflag:s5], $0x4000, $0x38;
	[tilespmem:$0x1AB40] =	vst v63  }
0x11c: {  	s11 =	sadd.s32 $0xFFFF5555, s2;
	s10 =	sadd.s32 $0xFFFD5554, s2;
	s4 =	sshrl.u32 s28, $0x12  }
0x11d: {  	s5 =	ssub.s32 s25, s31;
	s0 =	ssub.s32 s13, s0;
	s8 =	sshrl.u32 s10, $0x12  }
0x11e: {  	_ =	swait.ge [sflag:s7], $0x4000;
	s10 =	sshrl.u32 s11, $0x12;
	s0 =	sshll.u32 s0, $0x10  }
0x11f: {  	s5 =	sand.u32 $0xFF, s5;
	s8 =	smul.u32 $0x6, s8;
	[sflag:s7] =	ssyncset.done $0x0  }
0x120: {  	s15 =	sadd.s32 $0xFFF90000, s0;
	s11 =	sadd.s32 $0x1, s5;
	[sflag:s7] =	ssyncadd.s32 $0xFFFFC000  }
0x121: {  	s7 =	sadd.s32 $0xFFFF2AA9, s1;
	s18 =	sshra.s32 s15, $0x10;
	s1 =	sadd.s32 $0xFFFEFFFE, s1  }
0x122: {  	[tilespmem:s17], [sflag:s30] =	stream.indirect.gather [spmem:s20], $0x80, s24, s29, $0xb8;
	[tilespmem:$0x1AB40] =	vst v63  }
0x123: {  	s15 =	sshra.s32 s15, $0x2;
	s8 =	ssub.s32 s6, s8;
	s17 =	smul.u32 $0x6, s4  }
0x124: {  	s28 =	sshrl.u32 s1, $0x1F;
	s1 =	sshrl.u32 s1, $0x10;
	s12 =	sand.u32 $0xFFFF, s8  }
0x125: {  	_ =	swait.ge [sflag:s23], $0x4000;
	s1 =	sadd.s32 s28, s1;
	s28 =	sadd.s32 $0xFFFEAAAA, s2  }
0x126: {  	s22 =	rddreg [dreg:$0xc];
	s24 =	sshll.u32 s12, $0xE;
	[sflag:s23] =	ssyncset.done $0x0  }
0x127: {  	s26 =	ssub.s32 s13, s17;
	s0 =	sadd.s32 $0xA, s12;
	s31 =	smul.u32 $0x6, s1  }
0x128: {  	s1 =	sshll.u32 s5, $0xA;
	s5 =	sadd.s32 $0x4, s18;
	s17 =	sor.u32 $0xC00, s15  }
0x129: {  	[sflag:s23] =	ssyncadd.s32 $0xFFFFC000;
	s8 =	sadd.s32 s19, s22;
	s19 =	rddreg [dreg:$0x10]  }
0x12a: {  	s22 =	sadd.s32 $0xA, s18;
	s30 =	sadd.s32 $0xFFFFFFFD, s26;
	s26 =	sshrl.u32 s7, $0x10  }
0x12b: {  	[hbm4b:s8+s21] =	stream.linear.scatter [tilespmem:s19], [sflag:s9], $0x4000, $0x38;
	[tilespmem:$0x1AB40] =	vst v63  }
0x12c: {  	s7 =	sshrl.u32 s7, $0x1F;
	s9 =	sor.u32 $0xC00, s24;
	s4 =	sand.u32 $0xFFFF, s30  }
0x12d: {  	s23 =	ssub.s32 s13, s31;
	s7 =	sadd.s32 s7, s26;
	_ =	swait.ge [sflag:s11], $0x400  }
0x12e: {  	s31 =	sshrl.u32 s28, $0x12;
	s18 =	sshll.u32 s4, $0xE;
	[sflag:s11] =	ssyncset.done $0x0  }
0x12f: {  	s7 =	smul.u32 $0x6, s7;
	s3 =	sor.u32 $0xC00, s18;
	[sflag:s11] =	ssyncadd.s32 $0xFFFFFC00  }
0x130: {  	s11 =	sadd.s32 $0x4, s12;
	s12 =	sshll.u32 s23, $0x10;
	_ =	swait.ge [sflag:s0], $0x4000  }
0x131: {  	s23 =	sor.u32 $0x80, s1;
	s7 =	ssub.s32 s13, s7;
	[sflag:s0] =	ssyncset.done $0x0  }
0x132: {  	s30 =	sadd.s32 $0xFFFA0000, s12;
	s12 =	sadd.s32 $0x4, s4;
	[sflag:s0] =	ssyncadd.s32 $0xFFFFC000  }
0x133: {  	[tilespmem:s9], [sflag:s11] =	stream.indirect.gather [spmem:s20], $0x80, s1, s29, $0xb8;
	[tilespmem:$0x1AB40] =	vst v63  }
0x134: {  	s19 =	sshra.s32 s30, $0x10;
	s28 =	sshra.s32 s30, $0x2;
	_ =	swait.ge [sflag:s5], $0x4000  }
0x135: {  	s8 =	sadd.s32 $0xA, s19;
	s24 =	rddreg [dreg:$0x5];
	[sflag:s5] =	ssyncset.done $0x0  }
0x136: {  	s16 =	sadd.s32 s14, s24;
	[sflag:s5] =	ssyncadd.s32 $0xFFFFC000;
	s5 =	sadd.s32 $0xA, s4  }
0x137: {  	[hbm4b:s16+s21] =	stream.linear.scatter [tilespmem:s17], [sflag:s22], $0x4000, $0x38;
	[tilespmem:$0x1AB40] =	vst v63  }
0x138: {  	s24 =	sadd.s32 $0x4, s19;
	s22 =	smul.u32 $0x6, s31;
	s31 =	sshll.u32 s7, $0x10  }
0x139: {  	s16 =	sor.u32 $0xC00, s28;
	s28 =	smul.u32 $0x6, s10;
	_ =	swait.ge [sflag:s5], $0x4000  }
0x13a: {  	[sflag:s5] =	ssyncset.done $0x0;
	s26 =	ssub.s32 s13, s22;
	s22 =	sadd.s32 $0xFFFB0000, s31  }
0x13b: {  	s31 =	sshrl.u32 s2, $0x12;
	[sflag:s5] =	ssyncadd.s32 $0xFFFFC000;
	s15 =	sadd.s32 $0xFFFFFFFE, s26  }
0x13c: {  	[tilespmem:s3], [sflag:s12] =	stream.indirect.gather [spmem:s20], $0x80, s23, s29, $0xb8;
	[tilespmem:$0x1AB40] =	vst v63  }
0x13d: {  	s18 =	sshra.s32 s22, $0x10;
	s26 =	sor.u32 $0x100, s1;
	s15 =	sand.u32 $0xFFFF, s15  }
0x13e: {  	s23 =	sxor.u32 $0xFFFFFFFF, s28;
	_ =	swait.ge [sflag:s24], $0x4000;
	s7 =	sadd.s32 $0xA, s15  }
0x13f: {  	s19 =	sshll.u32 s15, $0xE;
	s30 =	rddreg [dreg:$0x6];
	[sflag:s24] =	ssyncset.done $0x0  }
0x140: {  	s2 =	sadd.s32 s13, s23;
	[sflag:s24] =	ssyncadd.s32 $0xFFFFC000;
	s17 =	sadd.s32 s14, s30  }
0x141: {  	[hbm4b:s17+s21] =	stream.linear.scatter [tilespmem:s16], [sflag:s8], $0x4000, $0x38;
	[tilespmem:$0x1AB40] =	vst v63  }
0x142: {  	s25 =	sand.u32 $0xFFFF, s2;
	s30 =	sadd.s32 $0x4, s18;
	_ =	swait.ge [sflag:s7], $0x4000  }
0x143: {  	s2 =	sadd.s32 $0xA, s25;
	s17 =	sadd.s32 $0x4, s15;
	[sflag:s7] =	ssyncset.done $0x0  }
0x144: {  	s16 =	sor.u32 $0xC00, s19;
	s8 =	sshra.s32 s22, $0x2;
	[sflag:s7] =	ssyncadd.s32 $0xFFFFC000  }
0x145: {  	[tilespmem:s16], [sflag:s17] =	stream.indirect.gather [spmem:s20], $0x80, s26, s29, $0xb8;
	[tilespmem:$0x1AB40] =	vst v63  }
0x146: {  	s15 =	smul.u32 $0x6, s31;
	s8 =	sor.u32 $0xC00, s8;
	_ =	swait.ge [sflag:s30], $0x4000  }
0x147: {  	s26 =	sadd.s32 $0xA, s18;
	s24 =	rddreg [dreg:$0x7];
	[sflag:s30] =	ssyncset.done $0x0  }
0x148: {  	s22 =	rddreg [dreg:$0xe];
	[sflag:s30] =	ssyncadd.s32 $0xFFFFC000;
	s4 =	sadd.s32 s14, s24  }
0x149: {  	[hbm4b:s4+s21] =	stream.linear.scatter [tilespmem:s8], [sflag:s26], $0x4000, $0x38;
	[tilespmem:$0x1AB40] =	vst v63  }
0x14a: {  	s28 =	sshll.u32 s25, $0xE;
	s10 =	sadd.s32 $0x4, s25;
	s4 =	smul.u32 @!p1 $0xAB, s22  }
0x14b: {  	s25 =	sor.u32 $0x5, s6;
	s19 =	ssub.s32 s13, s15;
	_ =	swait.ge [sflag:s2], $0x4000  }
0x14c: {  	s30 =	sor.u32 $0x180, s1;
	[sflag:s2] =	ssyncset.done $0x0;
	s4 =	sshrl.u32 @!p1 s4, $0x9  }
0x14d: {  	s8 =	sor.u32 $0xC00, s28;
	[sflag:s2] =	ssyncadd.s32 $0xFFFFC000;
	s4 =	sand.u32 @!p1 $0x7F, s4  }
0x14e: {  	[tilespmem:s8], [sflag:s10] =	stream.indirect.gather [spmem:s20], $0x80, s30, s29, $0xb8;
	[tilespmem:$0x1AB40] =	vst v63  }
0x14f: {  	s13 =	simm.s32 @!p1 $0x0;
	s4 =	smul.u32 @!p1 $0x3, s4;
	_ =	swait.ge [sflag:s11], $0x4000  }
0x150: {  	s24 =	sand.u32 $0xFFFF, s19;
	s30 =	sand.u32 $0xFFFF, s25;
	s31 =	rddreg [dreg:$0x8]  }
0x151: {  	s4 =	ssub.s32 @!p1 s22, s4;
	[sflag:s11] =	ssyncset.done $0x0;
	s15 =	rddreg [dreg:$0xd]  }
0x152: {  	[sflag:s11] =	ssyncadd.s32 $0xFFFFC000;
	s4 =	sand.u32 @!p1 $0xFF, s4;
	s23 =	sadd.s32 s14, s31  }
0x153: {  	[hbm4b:s23+s21] =	stream.linear.scatter [tilespmem:s9], [sflag:s0], $0x4000, $0x38;
	[tilespmem:$0x1AB40] =	vst v63  }
0x154: {  	s11 =	sshll.u32 @!p1 s4, $0xA;
	s4 =	sadd.s32 @!p1 $0x1, s4;
	s0 =	sadd.s32 $0xA, s24  }
0x155: {  	[tilespmem:s11], [sflag:s4] =	stream.linear.gather @!p1 [hbm4b:s15+s13], $0x400, $0x38;
	[tilespmem:$0x1AB40] =	vst v63  }
0x156: {  	s26 =	sshll.u32 s24, $0xE;
	s13 =	smul.u32 $0xAAAB, s30;
	_ =	swait.ge [sflag:s0], $0x4000  }
0x157: {  	s28 =	sadd.s32 $0x200, s1;
	s9 =	sadd.s32 $0x4, s24;
	[sflag:s0] =	ssyncset.done $0x0  }
0x158: {  	s11 =	sor.u32 $0xC00, s26;
	s13 =	sshrl.u32 s13, $0x12;
	[sflag:s0] =	ssyncadd.s32 $0xFFFFC000  }
0x159: {  	[tilespmem:s11], [sflag:s9] =	stream.indirect.gather [spmem:s20], $0x80, s28, s29, $0xb8;
	[tilespmem:$0x1AB40] =	vst v63  }
0x15a: {  	s26 =	sor.u32 $0x6, s6;
	s18 =	smul.u32 $0x6, s13;
	_ =	swait.ge [sflag:s12], $0x4000  }
0x15b: {  	s28 =	sand.u32 $0xFFFF, s26;
	s31 =	rddreg [dreg:$0x9];
	[sflag:s12] =	ssyncset.done $0x0  }
0x15c: {  	s22 =	ssub.s32 s25, s18;
	[sflag:s12] =	ssyncadd.s32 $0xFFFFC000;
	s19 =	sadd.s32 s14, s31  }
0x15d: {  	[hbm4b:s19+s21] =	stream.linear.scatter [tilespmem:s3], [sflag:s5], $0x4000, $0x38;
	[tilespmem:$0x1AB40] =	vst v63  }
0x15e: {  	s13 =	sor.u32 $0x7, s6;
	s4 =	smul.u32 $0xAAAB, s28;
	s3 =	sand.u32 $0xFFFF, s22  }
0x15f: {  	s15 =	sand.u32 $0xFFFF, s13;
	s23 =	sadd.s32 $0xA, s3  }
0x160: {  	s25 =	sadd.s32 $0x280, s1;
	s4 =	sshrl.u32 s4, $0x12;
	_ =	swait.ge [sflag:s23], $0x4000  }
0x161: {  	s4 =	smul.u32 $0x6, s4;
	s24 =	sshll.u32 s3, $0xE;
	[sflag:s23] =	ssyncset.done $0x0  }
0x162: {  	s3 =	sadd.s32 $0x4, s3;
	s5 =	sor.u32 $0xC00, s24;
	[sflag:s23] =	ssyncadd.s32 $0xFFFFC000  }
0x163: {  	[tilespmem:s5], [sflag:s3] =	stream.indirect.gather [spmem:s20], $0x80, s25, s29, $0xb8;
	[tilespmem:$0x1AB40] =	vst v63  }
0x164: {  	s3 =	ssub.s32 s26, s4;
	s4 =	smul.u32 $0xAAAB, s15;
	_ =	swait.ge [sflag:s17], $0x4000  }
0x165: {  	s3 =	sand.u32 $0xFFFF, s3;
	s30 =	rddreg [dreg:$0xa];
	[sflag:s17] =	ssyncset.done $0x0  }
0x166: {  	s31 =	sadd.s32 $0xA, s3;
	[sflag:s17] =	ssyncadd.s32 $0xFFFFC000;
	s5 =	sadd.s32 s14, s30  }
0x167: {  	[hbm4b:s5+s21] =	stream.linear.scatter [tilespmem:s16], [sflag:s7], $0x4000, $0x38;
	[tilespmem:$0x1AB40] =	vst v63  }
0x168: {  	s12 =	sadd.s32 $0x300, s1;
	_ =	swait.ge [sflag:s31], $0x4000  }
0x169: {  	s4 =	sshrl.u32 s4, $0x12;
	s7 =	sshll.u32 s3, $0xE;
	[sflag:s31] =	ssyncset.done $0x0  }
0x16a: {  	s3 =	sadd.s32 $0x4, s3;
	s5 =	sor.u32 $0xC00, s7;
	[sflag:s31] =	ssyncadd.s32 $0xFFFFC000  }
0x16b: {  	[tilespmem:s5], [sflag:s3] =	stream.indirect.gather [spmem:s20], $0x80, s12, s29, $0xb8;
	[tilespmem:$0x1AB40] =	vst v63  }
0x16c: {  	s4 =	smul.u32 $0x6, s4;
	_ =	swait.ge [sflag:s10], $0x4000  }
0x16d: {  	s16 =	rddreg [dreg:$0xb];
	[sflag:s10] =	ssyncset.done $0x0  }
0x16e: {  	s17 =	ssub.s32 s13, s4;
	[sflag:s10] =	ssyncadd.s32 $0xFFFFC000;
	s5 =	sadd.s32 s14, s16  }
0x16f: {  	[hbm4b:s5+s21] =	stream.linear.scatter [tilespmem:s8], [sflag:s2], $0x4000, $0x38;
	[tilespmem:$0x1AB40] =	vst v63  }
0x170: {  	s2 =	sand.u32 $0xFFFF, s17  }
0x171: {  	s18 =	sadd.s32 $0xA, s2  }
0x172: {  	_ =	swait.ge [sflag:s18], $0x4000  }
0x173: {  	s1 =	sadd.s32 $0x380, s1;
	s19 =	sshll.u32 s2, $0xE;
	[sflag:s18] =	ssyncset.done $0x0  }
0x174: {  	s2 =	sadd.s32 $0x4, s2;
	s3 =	sor.u32 $0xC00, s19;
	[sflag:s18] =	ssyncadd.s32 $0xFFFFC000  }
0x175: {  	[tilespmem:s3], [sflag:s2] =	stream.indirect.gather [spmem:s20], $0x80, s1, s29, $0xb8;
	[tilespmem:$0x1AB40] =	vst v63  }
0x176: {  	_ =	swait.ge [sflag:s9], $0x4000  }
0x177: {  	s20 =	rddreg [dreg:$0xc];
	[sflag:s9] =	ssyncset.done $0x0  }
0x178: {  	s22 =	simm.s32 $0x9;
	[sflag:s9] =	ssyncadd.s32 $0xFFFFC000;
	s1 =	sadd.s32 s14, s20  }
0x179: {  	[hbm4b:s1+s21] =	stream.linear.scatter [tilespmem:s11], [sflag:s0], $0x4000, $0x38;
	[tilespmem:$0x1AB40] =	vst v63  }
0x17a: {  	_ =	swait.ge [sflag:s22], $0x4000  }
0x17b: {  	s7 =	simm.s32 $0x14C00;
	[sflag:s22] =	ssyncset.done $0x0  }
0x17c: {  	s5 =	simm.s32 $0x4;
	s23 =	rddreg [dreg:$0x1e];
	[sflag:s22] =	ssyncadd.s32 $0xFFFFC000  }
0x17d: {  	[hbm4b:s23+s21] =	stream.linear.scatter [tilespmem:s7], [sflag:$0xF], $0x4000, $0x38;
	[tilespmem:$0x1AB40] =	vst v63  }
0x17e: {  	_ =	swait.ge [sflag:s5], $0x4000  }
0x17f: {  	s6 =	simm.s32 $0x5;
	[sflag:s5] =	ssyncset.done $0x0  }
0x180: {  	s3 =	simm.s32 $0xC00;
	s24 =	rddreg [dreg:$0x1f];
	[sflag:s5] =	ssyncadd.s32 $0xFFFFC000  }
0x181: {  	[hbm4b:s24+s21] =	stream.linear.scatter [tilespmem:s3], [sflag:$0xA], $0x4000, $0x38;
	[tilespmem:$0x1AB40] =	vst v63  }
0x182: {  	_ =	swait.ge [sflag:s6], $0x4000  }
0x183: {  	s25 =	sld [smem:$0x7FB]  }
0x184: {  	[sflag:s6] =	ssyncset.done $0x0  }
0x185: {  	s4 =	simm.s32 $0x4C00;
	s10 =	simm.s32 $0xC;
	[sflag:s6] =	ssyncadd.s32 $0xFFFFC000  }
0x186: {  	[hbm4b:s25+s21] =	stream.linear.scatter [tilespmem:s4], [sflag:$0xB], $0x4000, $0x38;
	[tilespmem:$0x1AB40] =	vst v63  }
0x187: {  	_ =	swait.ge [sflag:s10], $0x4000  }
0x188: {  	[sflag:s10] =	ssyncset.done $0x0  }
0x189: {  	s26 =	simm.s32 $0xD;
	[sflag:s10] =	ssyncadd.s32 $0xFFFFC000  }
0x18a: {  	_ =	swait.ge [sflag:s26], $0x4000  }
0x18b: {  	[sflag:s26] =	ssyncset.done $0x0  }
0x18c: {  	s28 =	simm.s32 $0xE;
	[sflag:s26] =	ssyncadd.s32 $0xFFFFC000  }
0x18d: {  	_ =	swait.ge [sflag:s28], $0x4000  }
0x18e: {  	[sflag:s28] =	ssyncset.done $0x0  }
0x18f: {  	s29 =	simm.s32 $0xF;
	[sflag:s28] =	ssyncadd.s32 $0xFFFFC000  }
0x190: {  	_ =	swait.ge [sflag:s29], $0x4000  }
0x191: {  	[sflag:s29] =	ssyncset.done $0x0  }
0x192: {  	s8 =	simm.s32 $0xA;
	[sflag:s29] =	ssyncadd.s32 $0xFFFFC000  }
0x193: {  	_ =	swait.ge [sflag:s8], $0x4000  }
0x194: {  	[sflag:s8] =	ssyncset.done $0x0  }
0x195: {  	s9 =	simm.s32 $0xB;
	[sflag:s8] =	ssyncadd.s32 $0xFFFFC000  }
0x196: {  	_ =	swait.ge [sflag:s9], $0x4000  }
0x197: {  	s30 =	sld [smem:$0x7FA]  }
0x198: {  	s31 =	sld [smem:$0x7FC];
	_ =	sdelay $0x1  }
0x199: {  	s1 =	sadd.s32 $0x1, s30  }
0x19a: {  	p1 =	sne.s32 s1, s31  }
.Ltmp1:
0x19b: {  	_ = 	snop;
	(pc) =	sbr.rel @p1 .LBB2_1-.Ltmp1, $3  }
0x19c: {  	_ =	sdelay $0x1  }
0x19d: {  	[sflag:s9] =	ssyncset.done $0x0  }
0x19e: {  	[sflag:s9] =	ssyncadd.s32 $0xFFFFC000  }
0x19f: {  	_ =	sfence.sel $0x180000  }
0x1a0: {  	[bflag:$0x0] =	sbarrier.arrive $0xFFFF  }
0x1a1: {  	_ =	strace $0x90000047  }
0x1a2: {  	[bflag:$0x2] =	sbarrier.arrive $0xFFFF  }
0x1a3: {  	s0 =	rddreg [dreg:$0x4]  }
0x1a4: {  	s0 =	sadd.s32 @!p0 $0x100000, s0  }
0x1a5: {  	[sflag:s0] =	ssyncadd.tile.s32 @!p0 $0x1;
	_ =	shalt  }
.Lfunc_end2:
_tile_overlayer_lowered:
.L_overlay_start_2:
0x1a6: {  	(tag) =	ssettag $0x2  }
0x1a7: {  	s0 =	rddreg [dreg:$0x0];
	s2 =	stileid.u32  }
0x1a8: {  	s1 =	rddreg [dreg:$0x1];
	p0 =	sne.s32 s2, $0x0  }
0x1a9: {  	s3 =	rddreg [dreg:$0x2];
	[bflag:$0x3] =	sbarrier.arrive $0xFFFF;
	s2 =	simm.s32 @!p0 $0x1C10  }
0x1aa: {  	[timem:s3], [sflag:s2] =	dma.local @!p0 [hbm:s0], s1  }
0x1ab: {  	s0 =	simm.s32 @!p0 $0x10  }
0x1ac: {  	_ =	swait.ge @!p0 [sflag:s0], s1  }
0x1ad: {  	s1 =	ssub.s32 @!p0 $0x0, s1;
	[sflag:s0] =	ssyncset.done @!p0 $0x0  }
0x1ae: {  	[sflag:s0] =	ssyncadd.s32 @!p0 s1  }
0x1af: {  	[bflag:$0x3] =	sbarrier.arrive $0xFFFF  }
0x1b0: {  	_ =	shalt  }

</sc_bundles>
